<compile_context>
chip_gen: v7x
topology: tpu7x:2x2x1
jax: 0.10.2.dev20260603
libtpu: 0.0.44.dev20260713+nightly
codegen_flags: <defaults>
</compile_context>

<pallas_src>
import functools

import jax
import jax.numpy as jnp
from jax import lax
from jax.experimental import pallas as pl
from jax.experimental.pallas import tpu as pltpu
from jax.experimental.pallas import tpu_sc as plsc

_EMBED = 128
_BLOCK = 2048
_BATCH = 4

_info = plsc.get_sparse_core_info()
_NC, _NS, _L = _info.num_cores, _info.num_subcores, _info.num_lanes
_NW = _NC * _NS
_SPW = _BLOCK // _NW
_HC = 2
_CR = _SPW // _HC


def _emb_body(x_hbm, tok_hbm, pos_hbm, out_hbm, idx_v, buf_v, gsem, sp, so):
    rows_v = buf_v
    wid = lax.axis_index("s") * _NC + lax.axis_index("c")
    base = wid * _SPW
    pcp = pltpu.async_copy(pos_hbm.at[pl.ds(base, _SPW)],
                           buf_v.at[_BATCH], sp)
    icps = [
        pltpu.async_copy(x_hbm.at[b, pl.ds(base, _SPW)], idx_v.at[b],
                         gsem.at[2 * b])
        for b in range(_BATCH)
    ]
    gcps = []
    for b in range(_BATCH):
        icps[b].wait()
        for h in range(_HC):
            k = b * _HC + h
            gcps.append(
                pltpu.async_copy(
                    tok_hbm.at[idx_v.at[b, pl.ds(h * _CR, _CR)]],
                    rows_v.at[b, pl.ds(h * _CR, _CR)],
                    gsem.at[k],
                )
            )
    pcp.wait()
    ocps = []
    for b in range(_BATCH):
        for h in range(_HC):
            k = b * _HC + h
            gcps[k].wait()

            def add_row(i, carry, b=b, h=h):
                for c in range(_EMBED // _L):
                    s = pl.ds(c * _L, _L)
                    plsc.addupdate(rows_v.at[b, h * _CR + i, s],
                                   buf_v[_BATCH, h * _CR + i, s])
                return carry

            lax.fori_loop(0, _CR, add_row, 0)
            ocps.append(
                pltpu.async_copy(
                    rows_v.at[b, pl.ds(h * _CR, _CR)],
                    out_hbm.at[b, pl.ds(base + h * _CR, _CR)],
                    so,
                )
            )
    for cp in ocps:
        cp.wait()


@jax.jit
def _emb(x, tok_table, pos_table):
    mesh = plsc.VectorSubcoreMesh(core_axis_name="c", subcore_axis_name="s")
    k = functools.partial(
        pl.kernel,
        mesh=mesh,
        out_type=jax.ShapeDtypeStruct((_BATCH, _BLOCK, _EMBED), jnp.float32),
        scratch_types=[
            pltpu.VMEM((_BATCH, _SPW), jnp.int32),
            pltpu.VMEM((_BATCH + 1, _SPW, _EMBED), jnp.float32),
            pltpu.SemaphoreType.DMA((_BATCH * _HC,)),
            pltpu.SemaphoreType.DMA,
            pltpu.SemaphoreType.DMA,
        ],
    )(_emb_body)
    return k(x, tok_table, pos_table)


def kernel(x, tok_table, pos_table):
    return _emb(x.astype(jnp.int32), tok_table, pos_table)

# --- scband reference (transcript-rebuilt; emitter-appended) ---
"""Pipeline reference for scband-transformer-embedding-39135742001623 (READ-ONLY COPY).

The authoritative reference and input builder live on the scoring server;
editing this copy changes nothing except your own understanding.
"""

import jax, jax.numpy as jnp
import numpy as np

VOCAB = 100000
EMBED = 128
BLOCK = 2048
BATCH = 4

def setup_inputs(seed: int = 0) -> dict:
    key = jax.random.key(seed)
    k1, k2, k3 = jax.random.split(key, 3)
    x = jax.random.randint(k1, (BATCH, BLOCK), 0, VOCAB, dtype=jnp.int64 if jax.config.jax_enable_x64 else jnp.int32)
    tok_table = jax.random.normal(k2, (VOCAB, EMBED), dtype=jnp.float32)
    pos_table = jax.random.normal(k3, (BLOCK, EMBED), dtype=jnp.float32)
    return {"x": x, "tok_table": tok_table, "pos_table": pos_table}

def reference(x, tok_table, pos_table):
    # TokenEmbedding: gather rows from token table
    tok = jnp.take(tok_table, x, axis=0)  # [B, S, E]
    # PositionalEmbedding: embedding of arange(block_size)
    pos = jnp.take(pos_table, jnp.arange(BLOCK), axis=0)  # [S, E]
    return tok + pos

if __name__ == "__main__":
    import jax
    _d = setup_inputs()
    print(jax.jit(kernel)(*tuple(_d.values())))

</pallas_src>

<mosaic_0001>
#map = affine_map<(d0, d1) -> (0, 0)>
#map1 = affine_map<(d0, d1) -> (0, 0, 0)>
module attributes {stable_mosaic.version = 14 : i64} {
  func.func @_emb_body(%arg0: i32, %arg1: i32, %arg2: memref<4x2048xi32, #tpu.memory_space<hbm>>, %arg3: memref<100000x128xf32, #tpu.memory_space<hbm>>, %arg4: memref<2048x128xf32, #tpu.memory_space<hbm>>, %arg5: memref<4x2048x128xf32, #tpu.memory_space<hbm>>, %arg6: memref<4x64xi32, #tpu.memory_space<vmem>>, %arg7: memref<5x64x128xf32, #tpu.memory_space<vmem>>, %arg8: memref<8x!tpu.dma_semaphore, #tpu.memory_space<semaphore_mem>>, %arg9: memref<!tpu.dma_semaphore, #tpu.memory_space<semaphore_mem>>, %arg10: memref<!tpu.dma_semaphore, #tpu.memory_space<semaphore_mem>>) attributes {dimension_semantics = [#tpu.dimension_semantics<core_parallel>, #tpu.dimension_semantics<subcore_parallel>], iteration_bounds = array<i64: 2, 16>, scalar_prefetch = 0 : i64, scratch_operands = 5 : i64, tpu.core_type = #tpu.core_type<sc_vector_subcore>, window_params = [{transform_indices = #map}, {transform_indices = #map}, {transform_indices = #map}, {transform_indices = #map1}]} {
    %mul3A = arith.constant 2 : i32
    %mul3A_0 = arith.muli %arg1, %mul3A : i32
    %add3A = arith.addi %mul3A_0, %arg0 : i32
    %mul3A_1 = arith.constant 64 : i32
    %mul3A_2 = arith.muli %add3A, %mul3A_1 : i32
    %dma_start3A = arith.constant 4 : i32
    %dma_start3A_3 = arith.constant 0 : i32
    %dma_start3A_4 = arith.constant 0 : i32
    %dma_start3A_5 = tpu.memref_slice %arg7[%dma_start3A, %dma_start3A_3, %dma_start3A_4] : memref<5x64x128xf32, #tpu.memory_space<vmem>> -> memref<1x64x128xf32, #tpu.memory_space<vmem>>
    %dma_start3A_6 = tpu.memref_squeeze %dma_start3A_5 : memref<1x64x128xf32, #tpu.memory_space<vmem>> -> memref<64x128xf32, #tpu.memory_space<vmem>>
    %dma_start3A_7 = arith.constant 0 : i32
    %dma_start3A_8 = tpu.memref_slice %arg4[%mul3A_2, %dma_start3A_7] : memref<2048x128xf32, #tpu.memory_space<hbm>> -> memref<64x128xf32, #tpu.memory_space<hbm>>
    %dma_start3A_9 = arith.constant 0 : i32
    %dma_start3A_10 = arith.constant 0 : i32
    %dma_start3A_11 = tpu.memref_slice %arg7[%dma_start3A, %dma_start3A_9, %dma_start3A_10] : memref<5x64x128xf32, #tpu.memory_space<vmem>> -> memref<1x64x128xf32, #tpu.memory_space<vmem>>
    %dma_start3A_12 = tpu.memref_squeeze %dma_start3A_11 : memref<1x64x128xf32, #tpu.memory_space<vmem>> -> memref<64x128xf32, #tpu.memory_space<vmem>>
    %dma_start3A_13 = arith.constant 0 : i32
    %dma_start3A_14 = tpu.memref_slice %arg4[%mul3A_2, %dma_start3A_13] : memref<2048x128xf32, #tpu.memory_space<hbm>> -> memref<64x128xf32, #tpu.memory_space<hbm>>
    tpu.enqueue_dma source(%dma_start3A_14 : memref<64x128xf32, #tpu.memory_space<hbm>>) target(%dma_start3A_12 : memref<64x128xf32, #tpu.memory_space<vmem>>) target_semaphore(%arg9 : memref<!tpu.dma_semaphore, #tpu.memory_space<semaphore_mem>>)
    %dma_start3A_15 = arith.constant 0 : i32
    %dma_start3A_16 = arith.constant 0 : i32
    %dma_start3A_17 = arith.constant 0 : i32
    %dma_start3A_18 = arith.constant 0 : i32
    %dma_start3A_19 = tpu.memref_slice %arg6[%dma_start3A_16, %dma_start3A_18] : memref<4x64xi32, #tpu.memory_space<vmem>> -> memref<1x64xi32, #tpu.memory_space<vmem>>
    %dma_start3A_20 = tpu.memref_squeeze %dma_start3A_19 : memref<1x64xi32, #tpu.memory_space<vmem>> -> memref<64xi32, #tpu.memory_space<vmem>>
    %dma_start3A_21 = tpu.memref_slice %arg2[%dma_start3A_15, %mul3A_2] : memref<4x2048xi32, #tpu.memory_space<hbm>> -> memref<1x64xi32, #tpu.memory_space<hbm>>
    %dma_start3A_22 = tpu.memref_squeeze %dma_start3A_21 : memref<1x64xi32, #tpu.memory_space<hbm>> -> memref<64xi32, #tpu.memory_space<hbm>>
    %dma_start3A_23 = tpu.memref_slice %arg8[%dma_start3A_17] : memref<8x!tpu.dma_semaphore, #tpu.memory_space<semaphore_mem>> -> memref<1x!tpu.dma_semaphore, #tpu.memory_space<semaphore_mem>>
    %dma_start3A_24 = tpu.memref_squeeze %dma_start3A_23 : memref<1x!tpu.dma_semaphore, #tpu.memory_space<semaphore_mem>> -> memref<!tpu.dma_semaphore, #tpu.memory_space<semaphore_mem>>
    %dma_start3A_25 = arith.constant 0 : i32
    %dma_start3A_26 = tpu.memref_slice %arg6[%dma_start3A_16, %dma_start3A_25] : memref<4x64xi32, #tpu.memory_space<vmem>> -> memref<1x64xi32, #tpu.memory_space<vmem>>
    %dma_start3A_27 = tpu.memref_squeeze %dma_start3A_26 : memref<1x64xi32, #tpu.memory_space<vmem>> -> memref<64xi32, #tpu.memory_space<vmem>>
    %dma_start3A_28 = tpu.memref_slice %arg2[%dma_start3A_15, %mul3A_2] : memref<4x2048xi32, #tpu.memory_space<hbm>> -> memref<1x64xi32, #tpu.memory_space<hbm>>
    %dma_start3A_29 = tpu.memref_squeeze %dma_start3A_28 : memref<1x64xi32, #tpu.memory_space<hbm>> -> memref<64xi32, #tpu.memory_space<hbm>>
    tpu.enqueue_dma source(%dma_start3A_29 : memref<64xi32, #tpu.memory_space<hbm>>) target(%dma_start3A_27 : memref<64xi32, #tpu.memory_space<vmem>>) target_semaphore(%dma_start3A_24 : memref<!tpu.dma_semaphore, #tpu.memory_space<semaphore_mem>>)
    %dma_start3A_30 = arith.constant 1 : i32
    %dma_start3A_31 = arith.constant 1 : i32
    %dma_start3A_32 = arith.constant 2 : i32
    %dma_start3A_33 = arith.constant 0 : i32
    %dma_start3A_34 = tpu.memref_slice %arg6[%dma_start3A_31, %dma_start3A_33] : memref<4x64xi32, #tpu.memory_space<vmem>> -> memref<1x64xi32, #tpu.memory_space<vmem>>
    %dma_start3A_35 = tpu.memref_squeeze %dma_start3A_34 : memref<1x64xi32, #tpu.memory_space<vmem>> -> memref<64xi32, #tpu.memory_space<vmem>>
    %dma_start3A_36 = tpu.memref_slice %arg2[%dma_start3A_30, %mul3A_2] : memref<4x2048xi32, #tpu.memory_space<hbm>> -> memref<1x64xi32, #tpu.memory_space<hbm>>
    %dma_start3A_37 = tpu.memref_squeeze %dma_start3A_36 : memref<1x64xi32, #tpu.memory_space<hbm>> -> memref<64xi32, #tpu.memory_space<hbm>>
    %dma_start3A_38 = tpu.memref_slice %arg8[%dma_start3A_32] : memref<8x!tpu.dma_semaphore, #tpu.memory_space<semaphore_mem>> -> memref<1x!tpu.dma_semaphore, #tpu.memory_space<semaphore_mem>>
    %dma_start3A_39 = tpu.memref_squeeze %dma_start3A_38 : memref<1x!tpu.dma_semaphore, #tpu.memory_space<semaphore_mem>> -> memref<!tpu.dma_semaphore, #tpu.memory_space<semaphore_mem>>
    %dma_start3A_40 = arith.constant 0 : i32
    %dma_start3A_41 = tpu.memref_slice %arg6[%dma_start3A_31, %dma_start3A_40] : memref<4x64xi32, #tpu.memory_space<vmem>> -> memref<1x64xi32, #tpu.memory_space<vmem>>
    %dma_start3A_42 = tpu.memref_squeeze %dma_start3A_41 : memref<1x64xi32, #tpu.memory_space<vmem>> -> memref<64xi32, #tpu.memory_space<vmem>>
    %dma_start3A_43 = tpu.memref_slice %arg2[%dma_start3A_30, %mul3A_2] : memref<4x2048xi32, #tpu.memory_space<hbm>> -> memref<1x64xi32, #tpu.memory_space<hbm>>
    %dma_start3A_44 = tpu.memref_squeeze %dma_start3A_43 : memref<1x64xi32, #tpu.memory_space<hbm>> -> memref<64xi32, #tpu.memory_space<hbm>>
    tpu.enqueue_dma source(%dma_start3A_44 : memref<64xi32, #tpu.memory_space<hbm>>) target(%dma_start3A_42 : memref<64xi32, #tpu.memory_space<vmem>>) target_semaphore(%dma_start3A_39 : memref<!tpu.dma_semaphore, #tpu.memory_space<semaphore_mem>>)
    %dma_start3A_45 = arith.constant 2 : i32
    %dma_start3A_46 = arith.constant 2 : i32
    %dma_start3A_47 = arith.constant 4 : i32
    %dma_start3A_48 = arith.constant 0 : i32
    %dma_start3A_49 = tpu.memref_slice %arg6[%dma_start3A_46, %dma_start3A_48] : memref<4x64xi32, #tpu.memory_space<vmem>> -> memref<1x64xi32, #tpu.memory_space<vmem>>
    %dma_start3A_50 = tpu.memref_squeeze %dma_start3A_49 : memref<1x64xi32, #tpu.memory_space<vmem>> -> memref<64xi32, #tpu.memory_space<vmem>>
    %dma_start3A_51 = tpu.memref_slice %arg2[%dma_start3A_45, %mul3A_2] : memref<4x2048xi32, #tpu.memory_space<hbm>> -> memref<1x64xi32, #tpu.memory_space<hbm>>
    %dma_start3A_52 = tpu.memref_squeeze %dma_start3A_51 : memref<1x64xi32, #tpu.memory_space<hbm>> -> memref<64xi32, #tpu.memory_space<hbm>>
    %dma_start3A_53 = tpu.memref_slice %arg8[%dma_start3A_47] : memref<8x!tpu.dma_semaphore, #tpu.memory_space<semaphore_mem>> -> memref<1x!tpu.dma_semaphore, #tpu.memory_space<semaphore_mem>>
    %dma_start3A_54 = tpu.memref_squeeze %dma_start3A_53 : memref<1x!tpu.dma_semaphore, #tpu.memory_space<semaphore_mem>> -> memref<!tpu.dma_semaphore, #tpu.memory_space<semaphore_mem>>
    %dma_start3A_55 = arith.constant 0 : i32
    %dma_start3A_56 = tpu.memref_slice %arg6[%dma_start3A_46, %dma_start3A_55] : memref<4x64xi32, #tpu.memory_space<vmem>> -> memref<1x64xi32, #tpu.memory_space<vmem>>
    %dma_start3A_57 = tpu.memref_squeeze %dma_start3A_56 : memref<1x64xi32, #tpu.memory_space<vmem>> -> memref<64xi32, #tpu.memory_space<vmem>>
    %dma_start3A_58 = tpu.memref_slice %arg2[%dma_start3A_45, %mul3A_2] : memref<4x2048xi32, #tpu.memory_space<hbm>> -> memref<1x64xi32, #tpu.memory_space<hbm>>
    %dma_start3A_59 = tpu.memref_squeeze %dma_start3A_58 : memref<1x64xi32, #tpu.memory_space<hbm>> -> memref<64xi32, #tpu.memory_space<hbm>>
    tpu.enqueue_dma source(%dma_start3A_59 : memref<64xi32, #tpu.memory_space<hbm>>) target(%dma_start3A_57 : memref<64xi32, #tpu.memory_space<vmem>>) target_semaphore(%dma_start3A_54 : memref<!tpu.dma_semaphore, #tpu.memory_space<semaphore_mem>>)
    %dma_start3A_60 = arith.constant 3 : i32
    %dma_start3A_61 = arith.constant 3 : i32
    %dma_start3A_62 = arith.constant 6 : i32
    %dma_start3A_63 = arith.constant 0 : i32
    %dma_start3A_64 = tpu.memref_slice %arg6[%dma_start3A_61, %dma_start3A_63] : memref<4x64xi32, #tpu.memory_space<vmem>> -> memref<1x64xi32, #tpu.memory_space<vmem>>
    %dma_start3A_65 = tpu.memref_squeeze %dma_start3A_64 : memref<1x64xi32, #tpu.memory_space<vmem>> -> memref<64xi32, #tpu.memory_space<vmem>>
    %dma_start3A_66 = tpu.memref_slice %arg2[%dma_start3A_60, %mul3A_2] : memref<4x2048xi32, #tpu.memory_space<hbm>> -> memref<1x64xi32, #tpu.memory_space<hbm>>
    %dma_start3A_67 = tpu.memref_squeeze %dma_start3A_66 : memref<1x64xi32, #tpu.memory_space<hbm>> -> memref<64xi32, #tpu.memory_space<hbm>>
    %dma_start3A_68 = tpu.memref_slice %arg8[%dma_start3A_62] : memref<8x!tpu.dma_semaphore, #tpu.memory_space<semaphore_mem>> -> memref<1x!tpu.dma_semaphore, #tpu.memory_space<semaphore_mem>>
    %dma_start3A_69 = tpu.memref_squeeze %dma_start3A_68 : memref<1x!tpu.dma_semaphore, #tpu.memory_space<semaphore_mem>> -> memref<!tpu.dma_semaphore, #tpu.memory_space<semaphore_mem>>
    %dma_start3A_70 = arith.constant 0 : i32
    %dma_start3A_71 = tpu.memref_slice %arg6[%dma_start3A_61, %dma_start3A_70] : memref<4x64xi32, #tpu.memory_space<vmem>> -> memref<1x64xi32, #tpu.memory_space<vmem>>
    %dma_start3A_72 = tpu.memref_squeeze %dma_start3A_71 : memref<1x64xi32, #tpu.memory_space<vmem>> -> memref<64xi32, #tpu.memory_space<vmem>>
    %dma_start3A_73 = tpu.memref_slice %arg2[%dma_start3A_60, %mul3A_2] : memref<4x2048xi32, #tpu.memory_space<hbm>> -> memref<1x64xi32, #tpu.memory_space<hbm>>
    %dma_start3A_74 = tpu.memref_squeeze %dma_start3A_73 : memref<1x64xi32, #tpu.memory_space<hbm>> -> memref<64xi32, #tpu.memory_space<hbm>>
    tpu.enqueue_dma source(%dma_start3A_74 : memref<64xi32, #tpu.memory_space<hbm>>) target(%dma_start3A_72 : memref<64xi32, #tpu.memory_space<vmem>>) target_semaphore(%dma_start3A_69 : memref<!tpu.dma_semaphore, #tpu.memory_space<semaphore_mem>>)
    %dma_wait3A = arith.constant 0 : i32
    %dma_wait3A_75 = arith.constant 0 : i32
    %dma_wait3A_76 = arith.constant 0 : i32
    %dma_wait3A_77 = arith.constant 0 : i32
    %dma_wait3A_78 = tpu.memref_slice %arg6[%dma_wait3A_75, %dma_wait3A_77] : memref<4x64xi32, #tpu.memory_space<vmem>> -> memref<1x64xi32, #tpu.memory_space<vmem>>
    %dma_wait3A_79 = tpu.memref_squeeze %dma_wait3A_78 : memref<1x64xi32, #tpu.memory_space<vmem>> -> memref<64xi32, #tpu.memory_space<vmem>>
    %dma_wait3A_80 = tpu.memref_slice %arg2[%dma_wait3A, %mul3A_2] : memref<4x2048xi32, #tpu.memory_space<hbm>> -> memref<1x64xi32, #tpu.memory_space<hbm>>
    %dma_wait3A_81 = tpu.memref_squeeze %dma_wait3A_80 : memref<1x64xi32, #tpu.memory_space<hbm>> -> memref<64xi32, #tpu.memory_space<hbm>>
    %dma_wait3A_82 = tpu.memref_slice %arg8[%dma_wait3A_76] : memref<8x!tpu.dma_semaphore, #tpu.memory_space<semaphore_mem>> -> memref<1x!tpu.dma_semaphore, #tpu.memory_space<semaphore_mem>>
    %dma_wait3A_83 = tpu.memref_squeeze %dma_wait3A_82 : memref<1x!tpu.dma_semaphore, #tpu.memory_space<semaphore_mem>> -> memref<!tpu.dma_semaphore, #tpu.memory_space<semaphore_mem>>
    %dma_wait3A_84 = arith.constant 0 : i32
    %dma_wait3A_85 = tpu.memref_slice %arg6[%dma_wait3A_75, %dma_wait3A_84] : memref<4x64xi32, #tpu.memory_space<vmem>> -> memref<1x64xi32, #tpu.memory_space<vmem>>
    %dma_wait3A_86 = tpu.memref_squeeze %dma_wait3A_85 : memref<1x64xi32, #tpu.memory_space<vmem>> -> memref<64xi32, #tpu.memory_space<vmem>>
    %dma_wait3A_87 = tpu.memref_slice %arg2[%dma_wait3A, %mul3A_2] : memref<4x2048xi32, #tpu.memory_space<hbm>> -> memref<1x64xi32, #tpu.memory_space<hbm>>
    %dma_wait3A_88 = tpu.memref_squeeze %dma_wait3A_87 : memref<1x64xi32, #tpu.memory_space<hbm>> -> memref<64xi32, #tpu.memory_space<hbm>>
    tpu.wait_dma2 semaphore(%dma_wait3A_83 : memref<!tpu.dma_semaphore, #tpu.memory_space<semaphore_mem>>) src(%dma_wait3A_88 : memref<64xi32, #tpu.memory_space<hbm>>) dst(%dma_wait3A_86 : memref<64xi32, #tpu.memory_space<vmem>>)
    %dma_start3A_89 = arith.constant 0 : i32
    %dma_start3A_90 = arith.constant 0 : i32
    %dma_start3A_91 = arith.constant 0 : i32
    %dma_start3A_92 = arith.constant 0 : i32
    %dma_start3A_93 = arith.constant 0 : i32
    %dma_start3A_94 = tpu.memref_slice %arg7[%dma_start3A_90, %dma_start3A_92, %dma_start3A_93] : memref<5x64x128xf32, #tpu.memory_space<vmem>> -> memref<1x32x128xf32, #tpu.memory_space<vmem>>
    %dma_start3A_95 = tpu.memref_squeeze %dma_start3A_94 : memref<1x32x128xf32, #tpu.memory_space<vmem>> -> memref<32x128xf32, #tpu.memory_space<vmem>>
    %dma_start3A_96 = arith.constant 0 : i32
    %dma_start3A_97 = tpu.memref_slice %arg6[%dma_start3A_89, %dma_start3A_96] : memref<4x64xi32, #tpu.memory_space<vmem>> -> memref<1x32xi32, #tpu.memory_space<vmem>>
    %dma_start3A_98 = tpu.memref_squeeze %dma_start3A_97 : memref<1x32xi32, #tpu.memory_space<vmem>> -> memref<32xi32, #tpu.memory_space<vmem>>
    %dma_start3A_99 = arith.constant 0 : i32
    %dma_start3A_100 = arith.constant 0 : i32
    %dma_start3A_101 = tpu.memref_slice %arg3[%dma_start3A_99, %dma_start3A_100] : memref<100000x128xf32, #tpu.memory_space<hbm>> -> memref<100000x128xf32, #tpu.memory_space<hbm>>
    %dma_start3A_102 = tpu.memref_slice %arg8[%dma_start3A_91] : memref<8x!tpu.dma_semaphore, #tpu.memory_space<semaphore_mem>> -> memref<1x!tpu.dma_semaphore, #tpu.memory_space<semaphore_mem>>
    %dma_start3A_103 = tpu.memref_squeeze %dma_start3A_102 : memref<1x!tpu.dma_semaphore, #tpu.memory_space<semaphore_mem>> -> memref<!tpu.dma_semaphore, #tpu.memory_space<semaphore_mem>>
    tpu.enqueue_indirect_dma source(%dma_start3A_101 : memref<100000x128xf32, #tpu.memory_space<hbm>>) target(%dma_start3A_95 : memref<32x128xf32, #tpu.memory_space<vmem>>) offsets(%dma_start3A_98 : memref<32xi32, #tpu.memory_space<vmem>>) semaphore(%dma_start3A_103 : memref<!tpu.dma_semaphore, #tpu.memory_space<semaphore_mem>>)
    %dma_start3A_104 = arith.constant 0 : i32
    %dma_start3A_105 = arith.constant 0 : i32
    %dma_start3A_106 = arith.constant 1 : i32
    %dma_start3A_107 = arith.constant 32 : i32
    %dma_start3A_108 = arith.constant 0 : i32
    %dma_start3A_109 = tpu.memref_slice %arg7[%dma_start3A_105, %dma_start3A_107, %dma_start3A_108] : memref<5x64x128xf32, #tpu.memory_space<vmem>> -> memref<1x32x128xf32, #tpu.memory_space<vmem>>
    %dma_start3A_110 = tpu.memref_squeeze %dma_start3A_109 : memref<1x32x128xf32, #tpu.memory_space<vmem>> -> memref<32x128xf32, #tpu.memory_space<vmem>>
    %dma_start3A_111 = arith.constant 32 : i32
    %dma_start3A_112 = tpu.memref_slice %arg6[%dma_start3A_104, %dma_start3A_111] : memref<4x64xi32, #tpu.memory_space<vmem>> -> memref<1x32xi32, #tpu.memory_space<vmem>>
    %dma_start3A_113 = tpu.memref_squeeze %dma_start3A_112 : memref<1x32xi32, #tpu.memory_space<vmem>> -> memref<32xi32, #tpu.memory_space<vmem>>
    %dma_start3A_114 = arith.constant 0 : i32
    %dma_start3A_115 = arith.constant 0 : i32
    %dma_start3A_116 = tpu.memref_slice %arg3[%dma_start3A_114, %dma_start3A_115] : memref<100000x128xf32, #tpu.memory_space<hbm>> -> memref<100000x128xf32, #tpu.memory_space<hbm>>
    %dma_start3A_117 = tpu.memref_slice %arg8[%dma_start3A_106] : memref<8x!tpu.dma_semaphore, #tpu.memory_space<semaphore_mem>> -> memref<1x!tpu.dma_semaphore, #tpu.memory_space<semaphore_mem>>
    %dma_start3A_118 = tpu.memref_squeeze %dma_start3A_117 : memref<1x!tpu.dma_semaphore, #tpu.memory_space<semaphore_mem>> -> memref<!tpu.dma_semaphore, #tpu.memory_space<semaphore_mem>>
    tpu.enqueue_indirect_dma source(%dma_start3A_116 : memref<100000x128xf32, #tpu.memory_space<hbm>>) target(%dma_start3A_110 : memref<32x128xf32, #tpu.memory_space<vmem>>) offsets(%dma_start3A_113 : memref<32xi32, #tpu.memory_space<vmem>>) semaphore(%dma_start3A_118 : memref<!tpu.dma_semaphore, #tpu.memory_space<semaphore_mem>>)
    %dma_wait3A_119 = arith.constant 1 : i32
    %dma_wait3A_120 = arith.constant 1 : i32
    %dma_wait3A_121 = arith.constant 2 : i32
    %dma_wait3A_122 = arith.constant 0 : i32
    %dma_wait3A_123 = tpu.memref_slice %arg6[%dma_wait3A_120, %dma_wait3A_122] : memref<4x64xi32, #tpu.memory_space<vmem>> -> memref<1x64xi32, #tpu.memory_space<vmem>>
    %dma_wait3A_124 = tpu.memref_squeeze %dma_wait3A_123 : memref<1x64xi32, #tpu.memory_space<vmem>> -> memref<64xi32, #tpu.memory_space<vmem>>
    %dma_wait3A_125 = tpu.memref_slice %arg2[%dma_wait3A_119, %mul3A_2] : memref<4x2048xi32, #tpu.memory_space<hbm>> -> memref<1x64xi32, #tpu.memory_space<hbm>>
    %dma_wait3A_126 = tpu.memref_squeeze %dma_wait3A_125 : memref<1x64xi32, #tpu.memory_space<hbm>> -> memref<64xi32, #tpu.memory_space<hbm>>
    %dma_wait3A_127 = tpu.memref_slice %arg8[%dma_wait3A_121] : memref<8x!tpu.dma_semaphore, #tpu.memory_space<semaphore_mem>> -> memref<1x!tpu.dma_semaphore, #tpu.memory_space<semaphore_mem>>
    %dma_wait3A_128 = tpu.memref_squeeze %dma_wait3A_127 : memref<1x!tpu.dma_semaphore, #tpu.memory_space<semaphore_mem>> -> memref<!tpu.dma_semaphore, #tpu.memory_space<semaphore_mem>>
    %dma_wait3A_129 = arith.constant 0 : i32
    %dma_wait3A_130 = tpu.memref_slice %arg6[%dma_wait3A_120, %dma_wait3A_129] : memref<4x64xi32, #tpu.memory_space<vmem>> -> memref<1x64xi32, #tpu.memory_space<vmem>>
    %dma_wait3A_131 = tpu.memref_squeeze %dma_wait3A_130 : memref<1x64xi32, #tpu.memory_space<vmem>> -> memref<64xi32, #tpu.memory_space<vmem>>
    %dma_wait3A_132 = tpu.memref_slice %arg2[%dma_wait3A_119, %mul3A_2] : memref<4x2048xi32, #tpu.memory_space<hbm>> -> memref<1x64xi32, #tpu.memory_space<hbm>>
    %dma_wait3A_133 = tpu.memref_squeeze %dma_wait3A_132 : memref<1x64xi32, #tpu.memory_space<hbm>> -> memref<64xi32, #tpu.memory_space<hbm>>
    tpu.wait_dma2 semaphore(%dma_wait3A_128 : memref<!tpu.dma_semaphore, #tpu.memory_space<semaphore_mem>>) src(%dma_wait3A_133 : memref<64xi32, #tpu.memory_space<hbm>>) dst(%dma_wait3A_131 : memref<64xi32, #tpu.memory_space<vmem>>)
    %dma_start3A_134 = arith.constant 1 : i32
    %dma_start3A_135 = arith.constant 1 : i32
    %dma_start3A_136 = arith.constant 2 : i32
    %dma_start3A_137 = arith.constant 0 : i32
    %dma_start3A_138 = arith.constant 0 : i32
    %dma_start3A_139 = tpu.memref_slice %arg7[%dma_start3A_135, %dma_start3A_137, %dma_start3A_138] : memref<5x64x128xf32, #tpu.memory_space<vmem>> -> memref<1x32x128xf32, #tpu.memory_space<vmem>>
    %dma_start3A_140 = tpu.memref_squeeze %dma_start3A_139 : memref<1x32x128xf32, #tpu.memory_space<vmem>> -> memref<32x128xf32, #tpu.memory_space<vmem>>
    %dma_start3A_141 = arith.constant 0 : i32
    %dma_start3A_142 = tpu.memref_slice %arg6[%dma_start3A_134, %dma_start3A_141] : memref<4x64xi32, #tpu.memory_space<vmem>> -> memref<1x32xi32, #tpu.memory_space<vmem>>
    %dma_start3A_143 = tpu.memref_squeeze %dma_start3A_142 : memref<1x32xi32, #tpu.memory_space<vmem>> -> memref<32xi32, #tpu.memory_space<vmem>>
    %dma_start3A_144 = arith.constant 0 : i32
    %dma_start3A_145 = arith.constant 0 : i32
    %dma_start3A_146 = tpu.memref_slice %arg3[%dma_start3A_144, %dma_start3A_145] : memref<100000x128xf32, #tpu.memory_space<hbm>> -> memref<100000x128xf32, #tpu.memory_space<hbm>>
    %dma_start3A_147 = tpu.memref_slice %arg8[%dma_start3A_136] : memref<8x!tpu.dma_semaphore, #tpu.memory_space<semaphore_mem>> -> memref<1x!tpu.dma_semaphore, #tpu.memory_space<semaphore_mem>>
    %dma_start3A_148 = tpu.memref_squeeze %dma_start3A_147 : memref<1x!tpu.dma_semaphore, #tpu.memory_space<semaphore_mem>> -> memref<!tpu.dma_semaphore, #tpu.memory_space<semaphore_mem>>
    tpu.enqueue_indirect_dma source(%dma_start3A_146 : memref<100000x128xf32, #tpu.memory_space<hbm>>) target(%dma_start3A_140 : memref<32x128xf32, #tpu.memory_space<vmem>>) offsets(%dma_start3A_143 : memref<32xi32, #tpu.memory_space<vmem>>) semaphore(%dma_start3A_148 : memref<!tpu.dma_semaphore, #tpu.memory_space<semaphore_mem>>)
    %dma_start3A_149 = arith.constant 1 : i32
    %dma_start3A_150 = arith.constant 1 : i32
    %dma_start3A_151 = arith.constant 3 : i32
    %dma_start3A_152 = arith.constant 32 : i32
    %dma_start3A_153 = arith.constant 0 : i32
    %dma_start3A_154 = tpu.memref_slice %arg7[%dma_start3A_150, %dma_start3A_152, %dma_start3A_153] : memref<5x64x128xf32, #tpu.memory_space<vmem>> -> memref<1x32x128xf32, #tpu.memory_space<vmem>>
    %dma_start3A_155 = tpu.memref_squeeze %dma_start3A_154 : memref<1x32x128xf32, #tpu.memory_space<vmem>> -> memref<32x128xf32, #tpu.memory_space<vmem>>
    %dma_start3A_156 = arith.constant 32 : i32
    %dma_start3A_157 = tpu.memref_slice %arg6[%dma_start3A_149, %dma_start3A_156] : memref<4x64xi32, #tpu.memory_space<vmem>> -> memref<1x32xi32, #tpu.memory_space<vmem>>
    %dma_start3A_158 = tpu.memref_squeeze %dma_start3A_157 : memref<1x32xi32, #tpu.memory_space<vmem>> -> memref<32xi32, #tpu.memory_space<vmem>>
    %dma_start3A_159 = arith.constant 0 : i32
    %dma_start3A_160 = arith.constant 0 : i32
    %dma_start3A_161 = tpu.memref_slice %arg3[%dma_start3A_159, %dma_start3A_160] : memref<100000x128xf32, #tpu.memory_space<hbm>> -> memref<100000x128xf32, #tpu.memory_space<hbm>>
    %dma_start3A_162 = tpu.memref_slice %arg8[%dma_start3A_151] : memref<8x!tpu.dma_semaphore, #tpu.memory_space<semaphore_mem>> -> memref<1x!tpu.dma_semaphore, #tpu.memory_space<semaphore_mem>>
    %dma_start3A_163 = tpu.memref_squeeze %dma_start3A_162 : memref<1x!tpu.dma_semaphore, #tpu.memory_space<semaphore_mem>> -> memref<!tpu.dma_semaphore, #tpu.memory_space<semaphore_mem>>
    tpu.enqueue_indirect_dma source(%dma_start3A_161 : memref<100000x128xf32, #tpu.memory_space<hbm>>) target(%dma_start3A_155 : memref<32x128xf32, #tpu.memory_space<vmem>>) offsets(%dma_start3A_158 : memref<32xi32, #tpu.memory_space<vmem>>) semaphore(%dma_start3A_163 : memref<!tpu.dma_semaphore, #tpu.memory_space<semaphore_mem>>)
    %dma_wait3A_164 = arith.constant 2 : i32
    %dma_wait3A_165 = arith.constant 2 : i32
    %dma_wait3A_166 = arith.constant 4 : i32
    %dma_wait3A_167 = arith.constant 0 : i32
    %dma_wait3A_168 = tpu.memref_slice %arg6[%dma_wait3A_165, %dma_wait3A_167] : memref<4x64xi32, #tpu.memory_space<vmem>> -> memref<1x64xi32, #tpu.memory_space<vmem>>
    %dma_wait3A_169 = tpu.memref_squeeze %dma_wait3A_168 : memref<1x64xi32, #tpu.memory_space<vmem>> -> memref<64xi32, #tpu.memory_space<vmem>>
    %dma_wait3A_170 = tpu.memref_slice %arg2[%dma_wait3A_164, %mul3A_2] : memref<4x2048xi32, #tpu.memory_space<hbm>> -> memref<1x64xi32, #tpu.memory_space<hbm>>
    %dma_wait3A_171 = tpu.memref_squeeze %dma_wait3A_170 : memref<1x64xi32, #tpu.memory_space<hbm>> -> memref<64xi32, #tpu.memory_space<hbm>>
    %dma_wait3A_172 = tpu.memref_slice %arg8[%dma_wait3A_166] : memref<8x!tpu.dma_semaphore, #tpu.memory_space<semaphore_mem>> -> memref<1x!tpu.dma_semaphore, #tpu.memory_space<semaphore_mem>>
    %dma_wait3A_173 = tpu.memref_squeeze %dma_wait3A_172 : memref<1x!tpu.dma_semaphore, #tpu.memory_space<semaphore_mem>> -> memref<!tpu.dma_semaphore, #tpu.memory_space<semaphore_mem>>
    %dma_wait3A_174 = arith.constant 0 : i32
    %dma_wait3A_175 = tpu.memref_slice %arg6[%dma_wait3A_165, %dma_wait3A_174] : memref<4x64xi32, #tpu.memory_space<vmem>> -> memref<1x64xi32, #tpu.memory_space<vmem>>
    %dma_wait3A_176 = tpu.memref_squeeze %dma_wait3A_175 : memref<1x64xi32, #tpu.memory_space<vmem>> -> memref<64xi32, #tpu.memory_space<vmem>>
    %dma_wait3A_177 = tpu.memref_slice %arg2[%dma_wait3A_164, %mul3A_2] : memref<4x2048xi32, #tpu.memory_space<hbm>> -> memref<1x64xi32, #tpu.memory_space<hbm>>
    %dma_wait3A_178 = tpu.memref_squeeze %dma_wait3A_177 : memref<1x64xi32, #tpu.memory_space<hbm>> -> memref<64xi32, #tpu.memory_space<hbm>>
    tpu.wait_dma2 semaphore(%dma_wait3A_173 : memref<!tpu.dma_semaphore, #tpu.memory_space<semaphore_mem>>) src(%dma_wait3A_178 : memref<64xi32, #tpu.memory_space<hbm>>) dst(%dma_wait3A_176 : memref<64xi32, #tpu.memory_space<vmem>>)
    %dma_start3A_179 = arith.constant 2 : i32
    %dma_start3A_180 = arith.constant 2 : i32
    %dma_start3A_181 = arith.constant 4 : i32
    %dma_start3A_182 = arith.constant 0 : i32
    %dma_start3A_183 = arith.constant 0 : i32
    %dma_start3A_184 = tpu.memref_slice %arg7[%dma_start3A_180, %dma_start3A_182, %dma_start3A_183] : memref<5x64x128xf32, #tpu.memory_space<vmem>> -> memref<1x32x128xf32, #tpu.memory_space<vmem>>
    %dma_start3A_185 = tpu.memref_squeeze %dma_start3A_184 : memref<1x32x128xf32, #tpu.memory_space<vmem>> -> memref<32x128xf32, #tpu.memory_space<vmem>>
    %dma_start3A_186 = arith.constant 0 : i32
    %dma_start3A_187 = tpu.memref_slice %arg6[%dma_start3A_179, %dma_start3A_186] : memref<4x64xi32, #tpu.memory_space<vmem>> -> memref<1x32xi32, #tpu.memory_space<vmem>>
    %dma_start3A_188 = tpu.memref_squeeze %dma_start3A_187 : memref<1x32xi32, #tpu.memory_space<vmem>> -> memref<32xi32, #tpu.memory_space<vmem>>
    %dma_start3A_189 = arith.constant 0 : i32
    %dma_start3A_190 = arith.constant 0 : i32
    %dma_start3A_191 = tpu.memref_slice %arg3[%dma_start3A_189, %dma_start3A_190] : memref<100000x128xf32, #tpu.memory_space<hbm>> -> memref<100000x128xf32, #tpu.memory_space<hbm>>
    %dma_start3A_192 = tpu.memref_slice %arg8[%dma_start3A_181] : memref<8x!tpu.dma_semaphore, #tpu.memory_space<semaphore_mem>> -> memref<1x!tpu.dma_semaphore, #tpu.memory_space<semaphore_mem>>
    %dma_start3A_193 = tpu.memref_squeeze %dma_start3A_192 : memref<1x!tpu.dma_semaphore, #tpu.memory_space<semaphore_mem>> -> memref<!tpu.dma_semaphore, #tpu.memory_space<semaphore_mem>>
    tpu.enqueue_indirect_dma source(%dma_start3A_191 : memref<100000x128xf32, #tpu.memory_space<hbm>>) target(%dma_start3A_185 : memref<32x128xf32, #tpu.memory_space<vmem>>) offsets(%dma_start3A_188 : memref<32xi32, #tpu.memory_space<vmem>>) semaphore(%dma_start3A_193 : memref<!tpu.dma_semaphore, #tpu.memory_space<semaphore_mem>>)
    %dma_start3A_194 = arith.constant 2 : i32
    %dma_start3A_195 = arith.constant 2 : i32
    %dma_start3A_196 = arith.constant 5 : i32
    %dma_start3A_197 = arith.constant 32 : i32
    %dma_start3A_198 = arith.constant 0 : i32
    %dma_start3A_199 = tpu.memref_slice %arg7[%dma_start3A_195, %dma_start3A_197, %dma_start3A_198] : memref<5x64x128xf32, #tpu.memory_space<vmem>> -> memref<1x32x128xf32, #tpu.memory_space<vmem>>
    %dma_start3A_200 = tpu.memref_squeeze %dma_start3A_199 : memref<1x32x128xf32, #tpu.memory_space<vmem>> -> memref<32x128xf32, #tpu.memory_space<vmem>>
    %dma_start3A_201 = arith.constant 32 : i32
    %dma_start3A_202 = tpu.memref_slice %arg6[%dma_start3A_194, %dma_start3A_201] : memref<4x64xi32, #tpu.memory_space<vmem>> -> memref<1x32xi32, #tpu.memory_space<vmem>>
    %dma_start3A_203 = tpu.memref_squeeze %dma_start3A_202 : memref<1x32xi32, #tpu.memory_space<vmem>> -> memref<32xi32, #tpu.memory_space<vmem>>
    %dma_start3A_204 = arith.constant 0 : i32
    %dma_start3A_205 = arith.constant 0 : i32
    %dma_start3A_206 = tpu.memref_slice %arg3[%dma_start3A_204, %dma_start3A_205] : memref<100000x128xf32, #tpu.memory_space<hbm>> -> memref<100000x128xf32, #tpu.memory_space<hbm>>
    %dma_start3A_207 = tpu.memref_slice %arg8[%dma_start3A_196] : memref<8x!tpu.dma_semaphore, #tpu.memory_space<semaphore_mem>> -> memref<1x!tpu.dma_semaphore, #tpu.memory_space<semaphore_mem>>
    %dma_start3A_208 = tpu.memref_squeeze %dma_start3A_207 : memref<1x!tpu.dma_semaphore, #tpu.memory_space<semaphore_mem>> -> memref<!tpu.dma_semaphore, #tpu.memory_space<semaphore_mem>>
    tpu.enqueue_indirect_dma source(%dma_start3A_206 : memref<100000x128xf32, #tpu.memory_space<hbm>>) target(%dma_start3A_200 : memref<32x128xf32, #tpu.memory_space<vmem>>) offsets(%dma_start3A_203 : memref<32xi32, #tpu.memory_space<vmem>>) semaphore(%dma_start3A_208 : memref<!tpu.dma_semaphore, #tpu.memory_space<semaphore_mem>>)
    %dma_wait3A_209 = arith.constant 3 : i32
    %dma_wait3A_210 = arith.constant 3 : i32
    %dma_wait3A_211 = arith.constant 6 : i32
    %dma_wait3A_212 = arith.constant 0 : i32
    %dma_wait3A_213 = tpu.memref_slice %arg6[%dma_wait3A_210, %dma_wait3A_212] : memref<4x64xi32, #tpu.memory_space<vmem>> -> memref<1x64xi32, #tpu.memory_space<vmem>>
    %dma_wait3A_214 = tpu.memref_squeeze %dma_wait3A_213 : memref<1x64xi32, #tpu.memory_space<vmem>> -> memref<64xi32, #tpu.memory_space<vmem>>
    %dma_wait3A_215 = tpu.memref_slice %arg2[%dma_wait3A_209, %mul3A_2] : memref<4x2048xi32, #tpu.memory_space<hbm>> -> memref<1x64xi32, #tpu.memory_space<hbm>>
    %dma_wait3A_216 = tpu.memref_squeeze %dma_wait3A_215 : memref<1x64xi32, #tpu.memory_space<hbm>> -> memref<64xi32, #tpu.memory_space<hbm>>
    %dma_wait3A_217 = tpu.memref_slice %arg8[%dma_wait3A_211] : memref<8x!tpu.dma_semaphore, #tpu.memory_space<semaphore_mem>> -> memref<1x!tpu.dma_semaphore, #tpu.memory_space<semaphore_mem>>
    %dma_wait3A_218 = tpu.memref_squeeze %dma_wait3A_217 : memref<1x!tpu.dma_semaphore, #tpu.memory_space<semaphore_mem>> -> memref<!tpu.dma_semaphore, #tpu.memory_space<semaphore_mem>>
    %dma_wait3A_219 = arith.constant 0 : i32
    %dma_wait3A_220 = tpu.memref_slice %arg6[%dma_wait3A_210, %dma_wait3A_219] : memref<4x64xi32, #tpu.memory_space<vmem>> -> memref<1x64xi32, #tpu.memory_space<vmem>>
    %dma_wait3A_221 = tpu.memref_squeeze %dma_wait3A_220 : memref<1x64xi32, #tpu.memory_space<vmem>> -> memref<64xi32, #tpu.memory_space<vmem>>
    %dma_wait3A_222 = tpu.memref_slice %arg2[%dma_wait3A_209, %mul3A_2] : memref<4x2048xi32, #tpu.memory_space<hbm>> -> memref<1x64xi32, #tpu.memory_space<hbm>>
    %dma_wait3A_223 = tpu.memref_squeeze %dma_wait3A_222 : memref<1x64xi32, #tpu.memory_space<hbm>> -> memref<64xi32, #tpu.memory_space<hbm>>
    tpu.wait_dma2 semaphore(%dma_wait3A_218 : memref<!tpu.dma_semaphore, #tpu.memory_space<semaphore_mem>>) src(%dma_wait3A_223 : memref<64xi32, #tpu.memory_space<hbm>>) dst(%dma_wait3A_221 : memref<64xi32, #tpu.memory_space<vmem>>)
    %dma_start3A_224 = arith.constant 3 : i32
    %dma_start3A_225 = arith.constant 3 : i32
    %dma_start3A_226 = arith.constant 6 : i32
    %dma_start3A_227 = arith.constant 0 : i32
    %dma_start3A_228 = arith.constant 0 : i32
    %dma_start3A_229 = tpu.memref_slice %arg7[%dma_start3A_225, %dma_start3A_227, %dma_start3A_228] : memref<5x64x128xf32, #tpu.memory_space<vmem>> -> memref<1x32x128xf32, #tpu.memory_space<vmem>>
    %dma_start3A_230 = tpu.memref_squeeze %dma_start3A_229 : memref<1x32x128xf32, #tpu.memory_space<vmem>> -> memref<32x128xf32, #tpu.memory_space<vmem>>
    %dma_start3A_231 = arith.constant 0 : i32
    %dma_start3A_232 = tpu.memref_slice %arg6[%dma_start3A_224, %dma_start3A_231] : memref<4x64xi32, #tpu.memory_space<vmem>> -> memref<1x32xi32, #tpu.memory_space<vmem>>
    %dma_start3A_233 = tpu.memref_squeeze %dma_start3A_232 : memref<1x32xi32, #tpu.memory_space<vmem>> -> memref<32xi32, #tpu.memory_space<vmem>>
    %dma_start3A_234 = arith.constant 0 : i32
    %dma_start3A_235 = arith.constant 0 : i32
    %dma_start3A_236 = tpu.memref_slice %arg3[%dma_start3A_234, %dma_start3A_235] : memref<100000x128xf32, #tpu.memory_space<hbm>> -> memref<100000x128xf32, #tpu.memory_space<hbm>>
    %dma_start3A_237 = tpu.memref_slice %arg8[%dma_start3A_226] : memref<8x!tpu.dma_semaphore, #tpu.memory_space<semaphore_mem>> -> memref<1x!tpu.dma_semaphore, #tpu.memory_space<semaphore_mem>>
    %dma_start3A_238 = tpu.memref_squeeze %dma_start3A_237 : memref<1x!tpu.dma_semaphore, #tpu.memory_space<semaphore_mem>> -> memref<!tpu.dma_semaphore, #tpu.memory_space<semaphore_mem>>
    tpu.enqueue_indirect_dma source(%dma_start3A_236 : memref<100000x128xf32, #tpu.memory_space<hbm>>) target(%dma_start3A_230 : memref<32x128xf32, #tpu.memory_space<vmem>>) offsets(%dma_start3A_233 : memref<32xi32, #tpu.memory_space<vmem>>) semaphore(%dma_start3A_238 : memref<!tpu.dma_semaphore, #tpu.memory_space<semaphore_mem>>)
    %dma_start3A_239 = arith.constant 3 : i32
    %dma_start3A_240 = arith.constant 3 : i32
    %dma_start3A_241 = arith.constant 7 : i32
    %dma_start3A_242 = arith.constant 32 : i32
    %dma_start3A_243 = arith.constant 0 : i32
    %dma_start3A_244 = tpu.memref_slice %arg7[%dma_start3A_240, %dma_start3A_242, %dma_start3A_243] : memref<5x64x128xf32, #tpu.memory_space<vmem>> -> memref<1x32x128xf32, #tpu.memory_space<vmem>>
    %dma_start3A_245 = tpu.memref_squeeze %dma_start3A_244 : memref<1x32x128xf32, #tpu.memory_space<vmem>> -> memref<32x128xf32, #tpu.memory_space<vmem>>
    %dma_start3A_246 = arith.constant 32 : i32
    %dma_start3A_247 = tpu.memref_slice %arg6[%dma_start3A_239, %dma_start3A_246] : memref<4x64xi32, #tpu.memory_space<vmem>> -> memref<1x32xi32, #tpu.memory_space<vmem>>
    %dma_start3A_248 = tpu.memref_squeeze %dma_start3A_247 : memref<1x32xi32, #tpu.memory_space<vmem>> -> memref<32xi32, #tpu.memory_space<vmem>>
    %dma_start3A_249 = arith.constant 0 : i32
    %dma_start3A_250 = arith.constant 0 : i32
    %dma_start3A_251 = tpu.memref_slice %arg3[%dma_start3A_249, %dma_start3A_250] : memref<100000x128xf32, #tpu.memory_space<hbm>> -> memref<100000x128xf32, #tpu.memory_space<hbm>>
    %dma_start3A_252 = tpu.memref_slice %arg8[%dma_start3A_241] : memref<8x!tpu.dma_semaphore, #tpu.memory_space<semaphore_mem>> -> memref<1x!tpu.dma_semaphore, #tpu.memory_space<semaphore_mem>>
    %dma_start3A_253 = tpu.memref_squeeze %dma_start3A_252 : memref<1x!tpu.dma_semaphore, #tpu.memory_space<semaphore_mem>> -> memref<!tpu.dma_semaphore, #tpu.memory_space<semaphore_mem>>
    tpu.enqueue_indirect_dma source(%dma_start3A_251 : memref<100000x128xf32, #tpu.memory_space<hbm>>) target(%dma_start3A_245 : memref<32x128xf32, #tpu.memory_space<vmem>>) offsets(%dma_start3A_248 : memref<32xi32, #tpu.memory_space<vmem>>) semaphore(%dma_start3A_253 : memref<!tpu.dma_semaphore, #tpu.memory_space<semaphore_mem>>)
    %dma_wait3A_254 = arith.constant 4 : i32
    %dma_wait3A_255 = arith.constant 0 : i32
    %dma_wait3A_256 = arith.constant 0 : i32
    %dma_wait3A_257 = tpu.memref_slice %arg7[%dma_wait3A_254, %dma_wait3A_255, %dma_wait3A_256] : memref<5x64x128xf32, #tpu.memory_space<vmem>> -> memref<1x64x128xf32, #tpu.memory_space<vmem>>
    %dma_wait3A_258 = tpu.memref_squeeze %dma_wait3A_257 : memref<1x64x128xf32, #tpu.memory_space<vmem>> -> memref<64x128xf32, #tpu.memory_space<vmem>>
    %dma_wait3A_259 = arith.constant 0 : i32
    %dma_wait3A_260 = tpu.memref_slice %arg4[%mul3A_2, %dma_wait3A_259] : memref<2048x128xf32, #tpu.memory_space<hbm>> -> memref<64x128xf32, #tpu.memory_space<hbm>>
    %dma_wait3A_261 = arith.constant 0 : i32
    %dma_wait3A_262 = arith.constant 0 : i32
    %dma_wait3A_263 = tpu.memref_slice %arg7[%dma_wait3A_254, %dma_wait3A_261, %dma_wait3A_262] : memref<5x64x128xf32, #tpu.memory_space<vmem>> -> memref<1x64x128xf32, #tpu.memory_space<vmem>>
    %dma_wait3A_264 = tpu.memref_squeeze %dma_wait3A_263 : memref<1x64x128xf32, #tpu.memory_space<vmem>> -> memref<64x128xf32, #tpu.memory_space<vmem>>
    %dma_wait3A_265 = arith.constant 0 : i32
    %dma_wait3A_266 = tpu.memref_slice %arg4[%mul3A_2, %dma_wait3A_265] : memref<2048x128xf32, #tpu.memory_space<hbm>> -> memref<64x128xf32, #tpu.memory_space<hbm>>
    tpu.wait_dma2 semaphore(%arg9 : memref<!tpu.dma_semaphore, #tpu.memory_space<semaphore_mem>>) src(%dma_wait3A_266 : memref<64x128xf32, #tpu.memory_space<hbm>>) dst(%dma_wait3A_264 : memref<64x128xf32, #tpu.memory_space<vmem>>)
    %dma_wait3A_267 = arith.constant 0 : i32
    %dma_wait3A_268 = arith.constant 0 : i32
    %dma_wait3A_269 = arith.constant 0 : i32
    %dma_wait3A_270 = arith.constant 0 : i32
    %dma_wait3A_271 = arith.constant 0 : i32
    %dma_wait3A_272 = tpu.memref_slice %arg7[%dma_wait3A_268, %dma_wait3A_270, %dma_wait3A_271] : memref<5x64x128xf32, #tpu.memory_space<vmem>> -> memref<1x32x128xf32, #tpu.memory_space<vmem>>
    %dma_wait3A_273 = tpu.memref_squeeze %dma_wait3A_272 : memref<1x32x128xf32, #tpu.memory_space<vmem>> -> memref<32x128xf32, #tpu.memory_space<vmem>>
    %dma_wait3A_274 = arith.constant 0 : i32
    %dma_wait3A_275 = tpu.memref_slice %arg6[%dma_wait3A_267, %dma_wait3A_274] : memref<4x64xi32, #tpu.memory_space<vmem>> -> memref<1x32xi32, #tpu.memory_space<vmem>>
    %dma_wait3A_276 = tpu.memref_squeeze %dma_wait3A_275 : memref<1x32xi32, #tpu.memory_space<vmem>> -> memref<32xi32, #tpu.memory_space<vmem>>
    %dma_wait3A_277 = arith.constant 0 : i32
    %dma_wait3A_278 = arith.constant 0 : i32
    %dma_wait3A_279 = tpu.memref_slice %arg3[%dma_wait3A_277, %dma_wait3A_278] : memref<100000x128xf32, #tpu.memory_space<hbm>> -> memref<100000x128xf32, #tpu.memory_space<hbm>>
    %dma_wait3A_280 = tpu.memref_slice %arg8[%dma_wait3A_269] : memref<8x!tpu.dma_semaphore, #tpu.memory_space<semaphore_mem>> -> memref<1x!tpu.dma_semaphore, #tpu.memory_space<semaphore_mem>>
    %dma_wait3A_281 = tpu.memref_squeeze %dma_wait3A_280 : memref<1x!tpu.dma_semaphore, #tpu.memory_space<semaphore_mem>> -> memref<!tpu.dma_semaphore, #tpu.memory_space<semaphore_mem>>
    tpu.wait_indirect_dma semaphore(%dma_wait3A_281 : memref<!tpu.dma_semaphore, #tpu.memory_space<semaphore_mem>>) src(%dma_wait3A_279 : memref<100000x128xf32, #tpu.memory_space<hbm>>) dst(%dma_wait3A_273 : memref<32x128xf32, #tpu.memory_space<vmem>>)
    %scan3A = arith.constant 0 : i32
    %scan3A_282 = arith.constant 0 : i32
    %scan3A_283 = arith.constant 32 : i32
    %scan3A_284 = arith.addi %scan3A_282, %scan3A_283 : i32
    %scan3A_285 = arith.constant 1 : i32
    scf.for %scan3A_706 = %scan3A_282 to %scan3A_284 step %scan3A_285  : i32 {
      %add3A_707 = arith.constant 0 : i32
      %add3A_708 = arith.addi %add3A_707, %scan3A_706 : i32
      %add3A_709 = arith.constant 0 : i32
      %add3A_710 = arith.addi %add3A_709, %scan3A_706 : i32
      %get3A = arith.constant 4 : i32
      %get3A_711 = arith.index_cast %get3A : i32 to index
      %get3A_712 = arith.index_cast %add3A_710 : i32 to index
      %get3A_713 = arith.constant 0 : index
      %get3A_714 = tpu.vector_load %arg7[%get3A_711, %get3A_712, %get3A_713] {strides = array<i32>} : memref<5x64x128xf32, #tpu.memory_space<vmem>>, vector<1x1x16xf32>,
      %get3A_715 = vector.shape_cast %get3A_714 : vector<1x1x16xf32> to vector<16xf32>
      %swap3A = arith.constant 0 : i32
      %swap3A_716 = arith.index_cast %swap3A : i32 to index
      %swap3A_717 = arith.index_cast %add3A_708 : i32 to index
      %swap3A_718 = arith.constant 0 : index
      %swap3A_719 = tpu.vector_load %arg7[%swap3A_716, %swap3A_717, %swap3A_718] {strides = array<i32>} : memref<5x64x128xf32, #tpu.memory_space<vmem>>, vector<1x1x16xf32>,
      %swap3A_720 = vector.shape_cast %swap3A_719 : vector<1x1x16xf32> to vector<16xf32>
      %swap3A_721 = vector.shape_cast %get3A_715 : vector<16xf32> to vector<1x1x16xf32>
      tpu.vector_store %arg7[%swap3A_716, %swap3A_717, %swap3A_718], %swap3A_721 {add = true, strides = array<i32>} : memref<5x64x128xf32, #tpu.memory_space<vmem>>, vector<1x1x16xf32>,
      %add3A_722 = arith.constant 0 : i32
      %add3A_723 = arith.addi %add3A_722, %scan3A_706 : i32
      %add3A_724 = arith.constant 0 : i32
      %add3A_725 = arith.addi %add3A_724, %scan3A_706 : i32
      %get3A_726 = arith.constant 4 : i32
      %get3A_727 = arith.index_cast %get3A_726 : i32 to index
      %get3A_728 = arith.index_cast %add3A_725 : i32 to index
      %get3A_729 = arith.constant 16 : index
      %get3A_730 = tpu.vector_load %arg7[%get3A_727, %get3A_728, %get3A_729] {strides = array<i32>} : memref<5x64x128xf32, #tpu.memory_space<vmem>>, vector<1x1x16xf32>,
      %get3A_731 = vector.shape_cast %get3A_730 : vector<1x1x16xf32> to vector<16xf32>
      %swap3A_732 = arith.constant 0 : i32
      %swap3A_733 = arith.index_cast %swap3A_732 : i32 to index
      %swap3A_734 = arith.index_cast %add3A_723 : i32 to index
      %swap3A_735 = arith.constant 16 : index
      %swap3A_736 = tpu.vector_load %arg7[%swap3A_733, %swap3A_734, %swap3A_735] {strides = array<i32>} : memref<5x64x128xf32, #tpu.memory_space<vmem>>, vector<1x1x16xf32>,
      %swap3A_737 = vector.shape_cast %swap3A_736 : vector<1x1x16xf32> to vector<16xf32>
      %swap3A_738 = vector.shape_cast %get3A_731 : vector<16xf32> to vector<1x1x16xf32>
      tpu.vector_store %arg7[%swap3A_733, %swap3A_734, %swap3A_735], %swap3A_738 {add = true, strides = array<i32>} : memref<5x64x128xf32, #tpu.memory_space<vmem>>, vector<1x1x16xf32>,
      %add3A_739 = arith.constant 0 : i32
      %add3A_740 = arith.addi %add3A_739, %scan3A_706 : i32
      %add3A_741 = arith.constant 0 : i32
      %add3A_742 = arith.addi %add3A_741, %scan3A_706 : i32
      %get3A_743 = arith.constant 4 : i32
      %get3A_744 = arith.index_cast %get3A_743 : i32 to index
      %get3A_745 = arith.index_cast %add3A_742 : i32 to index
      %get3A_746 = arith.constant 32 : index
      %get3A_747 = tpu.vector_load %arg7[%get3A_744, %get3A_745, %get3A_746] {strides = array<i32>} : memref<5x64x128xf32, #tpu.memory_space<vmem>>, vector<1x1x16xf32>,
      %get3A_748 = vector.shape_cast %get3A_747 : vector<1x1x16xf32> to vector<16xf32>
      %swap3A_749 = arith.constant 0 : i32
      %swap3A_750 = arith.index_cast %swap3A_749 : i32 to index
      %swap3A_751 = arith.index_cast %add3A_740 : i32 to index
      %swap3A_752 = arith.constant 32 : index
      %swap3A_753 = tpu.vector_load %arg7[%swap3A_750, %swap3A_751, %swap3A_752] {strides = array<i32>} : memref<5x64x128xf32, #tpu.memory_space<vmem>>, vector<1x1x16xf32>,
      %swap3A_754 = vector.shape_cast %swap3A_753 : vector<1x1x16xf32> to vector<16xf32>
      %swap3A_755 = vector.shape_cast %get3A_748 : vector<16xf32> to vector<1x1x16xf32>
      tpu.vector_store %arg7[%swap3A_750, %swap3A_751, %swap3A_752], %swap3A_755 {add = true, strides = array<i32>} : memref<5x64x128xf32, #tpu.memory_space<vmem>>, vector<1x1x16xf32>,
      %add3A_756 = arith.constant 0 : i32
      %add3A_757 = arith.addi %add3A_756, %scan3A_706 : i32
      %add3A_758 = arith.constant 0 : i32
      %add3A_759 = arith.addi %add3A_758, %scan3A_706 : i32
      %get3A_760 = arith.constant 4 : i32
      %get3A_761 = arith.index_cast %get3A_760 : i32 to index
      %get3A_762 = arith.index_cast %add3A_759 : i32 to index
      %get3A_763 = arith.constant 48 : index
      %get3A_764 = tpu.vector_load %arg7[%get3A_761, %get3A_762, %get3A_763] {strides = array<i32>} : memref<5x64x128xf32, #tpu.memory_space<vmem>>, vector<1x1x16xf32>,
      %get3A_765 = vector.shape_cast %get3A_764 : vector<1x1x16xf32> to vector<16xf32>
      %swap3A_766 = arith.constant 0 : i32
      %swap3A_767 = arith.index_cast %swap3A_766 : i32 to index
      %swap3A_768 = arith.index_cast %add3A_757 : i32 to index
      %swap3A_769 = arith.constant 48 : index
      %swap3A_770 = tpu.vector_load %arg7[%swap3A_767, %swap3A_768, %swap3A_769] {strides = array<i32>} : memref<5x64x128xf32, #tpu.memory_space<vmem>>, vector<1x1x16xf32>,
      %swap3A_771 = vector.shape_cast %swap3A_770 : vector<1x1x16xf32> to vector<16xf32>
      %swap3A_772 = vector.shape_cast %get3A_765 : vector<16xf32> to vector<1x1x16xf32>
      tpu.vector_store %arg7[%swap3A_767, %swap3A_768, %swap3A_769], %swap3A_772 {add = true, strides = array<i32>} : memref<5x64x128xf32, #tpu.memory_space<vmem>>, vector<1x1x16xf32>,
      %add3A_773 = arith.constant 0 : i32
      %add3A_774 = arith.addi %add3A_773, %scan3A_706 : i32
      %add3A_775 = arith.constant 0 : i32
      %add3A_776 = arith.addi %add3A_775, %scan3A_706 : i32
      %get3A_777 = arith.constant 4 : i32
      %get3A_778 = arith.index_cast %get3A_777 : i32 to index
      %get3A_779 = arith.index_cast %add3A_776 : i32 to index
      %get3A_780 = arith.constant 64 : index
      %get3A_781 = tpu.vector_load %arg7[%get3A_778, %get3A_779, %get3A_780] {strides = array<i32>} : memref<5x64x128xf32, #tpu.memory_space<vmem>>, vector<1x1x16xf32>,
      %get3A_782 = vector.shape_cast %get3A_781 : vector<1x1x16xf32> to vector<16xf32>
      %swap3A_783 = arith.constant 0 : i32
      %swap3A_784 = arith.index_cast %swap3A_783 : i32 to index
      %swap3A_785 = arith.index_cast %add3A_774 : i32 to index
      %swap3A_786 = arith.constant 64 : index
      %swap3A_787 = tpu.vector_load %arg7[%swap3A_784, %swap3A_785, %swap3A_786] {strides = array<i32>} : memref<5x64x128xf32, #tpu.memory_space<vmem>>, vector<1x1x16xf32>,
      %swap3A_788 = vector.shape_cast %swap3A_787 : vector<1x1x16xf32> to vector<16xf32>
      %swap3A_789 = vector.shape_cast %get3A_782 : vector<16xf32> to vector<1x1x16xf32>
      tpu.vector_store %arg7[%swap3A_784, %swap3A_785, %swap3A_786], %swap3A_789 {add = true, strides = array<i32>} : memref<5x64x128xf32, #tpu.memory_space<vmem>>, vector<1x1x16xf32>,
      %add3A_790 = arith.constant 0 : i32
      %add3A_791 = arith.addi %add3A_790, %scan3A_706 : i32
      %add3A_792 = arith.constant 0 : i32
      %add3A_793 = arith.addi %add3A_792, %scan3A_706 : i32
      %get3A_794 = arith.constant 4 : i32
      %get3A_795 = arith.index_cast %get3A_794 : i32 to index
      %get3A_796 = arith.index_cast %add3A_793 : i32 to index
      %get3A_797 = arith.constant 80 : index
      %get3A_798 = tpu.vector_load %arg7[%get3A_795, %get3A_796, %get3A_797] {strides = array<i32>} : memref<5x64x128xf32, #tpu.memory_space<vmem>>, vector<1x1x16xf32>,
      %get3A_799 = vector.shape_cast %get3A_798 : vector<1x1x16xf32> to vector<16xf32>
      %swap3A_800 = arith.constant 0 : i32
      %swap3A_801 = arith.index_cast %swap3A_800 : i32 to index
      %swap3A_802 = arith.index_cast %add3A_791 : i32 to index
      %swap3A_803 = arith.constant 80 : index
      %swap3A_804 = tpu.vector_load %arg7[%swap3A_801, %swap3A_802, %swap3A_803] {strides = array<i32>} : memref<5x64x128xf32, #tpu.memory_space<vmem>>, vector<1x1x16xf32>,
      %swap3A_805 = vector.shape_cast %swap3A_804 : vector<1x1x16xf32> to vector<16xf32>
      %swap3A_806 = vector.shape_cast %get3A_799 : vector<16xf32> to vector<1x1x16xf32>
      tpu.vector_store %arg7[%swap3A_801, %swap3A_802, %swap3A_803], %swap3A_806 {add = true, strides = array<i32>} : memref<5x64x128xf32, #tpu.memory_space<vmem>>, vector<1x1x16xf32>,
      %add3A_807 = arith.constant 0 : i32
      %add3A_808 = arith.addi %add3A_807, %scan3A_706 : i32
      %add3A_809 = arith.constant 0 : i32
      %add3A_810 = arith.addi %add3A_809, %scan3A_706 : i32
      %get3A_811 = arith.constant 4 : i32
      %get3A_812 = arith.index_cast %get3A_811 : i32 to index
      %get3A_813 = arith.index_cast %add3A_810 : i32 to index
      %get3A_814 = arith.constant 96 : index
      %get3A_815 = tpu.vector_load %arg7[%get3A_812, %get3A_813, %get3A_814] {strides = array<i32>} : memref<5x64x128xf32, #tpu.memory_space<vmem>>, vector<1x1x16xf32>,
      %get3A_816 = vector.shape_cast %get3A_815 : vector<1x1x16xf32> to vector<16xf32>
      %swap3A_817 = arith.constant 0 : i32
      %swap3A_818 = arith.index_cast %swap3A_817 : i32 to index
      %swap3A_819 = arith.index_cast %add3A_808 : i32 to index
      %swap3A_820 = arith.constant 96 : index
      %swap3A_821 = tpu.vector_load %arg7[%swap3A_818, %swap3A_819, %swap3A_820] {strides = array<i32>} : memref<5x64x128xf32, #tpu.memory_space<vmem>>, vector<1x1x16xf32>,
      %swap3A_822 = vector.shape_cast %swap3A_821 : vector<1x1x16xf32> to vector<16xf32>
      %swap3A_823 = vector.shape_cast %get3A_816 : vector<16xf32> to vector<1x1x16xf32>
      tpu.vector_store %arg7[%swap3A_818, %swap3A_819, %swap3A_820], %swap3A_823 {add = true, strides = array<i32>} : memref<5x64x128xf32, #tpu.memory_space<vmem>>, vector<1x1x16xf32>,
      %add3A_824 = arith.constant 0 : i32
      %add3A_825 = arith.addi %add3A_824, %scan3A_706 : i32
      %add3A_826 = arith.constant 0 : i32
      %add3A_827 = arith.addi %add3A_826, %scan3A_706 : i32
      %get3A_828 = arith.constant 4 : i32
      %get3A_829 = arith.index_cast %get3A_828 : i32 to index
      %get3A_830 = arith.index_cast %add3A_827 : i32 to index
      %get3A_831 = arith.constant 112 : index
      %get3A_832 = tpu.vector_load %arg7[%get3A_829, %get3A_830, %get3A_831] {strides = array<i32>} : memref<5x64x128xf32, #tpu.memory_space<vmem>>, vector<1x1x16xf32>,
      %get3A_833 = vector.shape_cast %get3A_832 : vector<1x1x16xf32> to vector<16xf32>
      %swap3A_834 = arith.constant 0 : i32
      %swap3A_835 = arith.index_cast %swap3A_834 : i32 to index
      %swap3A_836 = arith.index_cast %add3A_825 : i32 to index
      %swap3A_837 = arith.constant 112 : index
      %swap3A_838 = tpu.vector_load %arg7[%swap3A_835, %swap3A_836, %swap3A_837] {strides = array<i32>} : memref<5x64x128xf32, #tpu.memory_space<vmem>>, vector<1x1x16xf32>,
      %swap3A_839 = vector.shape_cast %swap3A_838 : vector<1x1x16xf32> to vector<16xf32>
      %swap3A_840 = vector.shape_cast %get3A_833 : vector<16xf32> to vector<1x1x16xf32>
      tpu.vector_store %arg7[%swap3A_835, %swap3A_836, %swap3A_837], %swap3A_840 {add = true, strides = array<i32>} : memref<5x64x128xf32, #tpu.memory_space<vmem>>, vector<1x1x16xf32>,
    }
    %scan3A_286 = arith.constant 32 : i32
    %add3A_287 = arith.constant 0 : i32
    %add3A_288 = arith.addi %mul3A_2, %add3A_287 : i32
    %dma_start3A_289 = arith.constant 0 : i32
    %dma_start3A_290 = arith.constant 0 : i32
    %dma_start3A_291 = arith.constant 0 : i32
    %dma_start3A_292 = arith.constant 0 : i32
    %dma_start3A_293 = tpu.memref_slice %arg7[%dma_start3A_289, %dma_start3A_291, %dma_start3A_292] : memref<5x64x128xf32, #tpu.memory_space<vmem>> -> memref<1x32x128xf32, #tpu.memory_space<vmem>>
    %dma_start3A_294 = tpu.memref_squeeze %dma_start3A_293 : memref<1x32x128xf32, #tpu.memory_space<vmem>> -> memref<32x128xf32, #tpu.memory_space<vmem>>
    %dma_start3A_295 = arith.constant 0 : i32
    %dma_start3A_296 = tpu.memref_slice %arg5[%dma_start3A_290, %add3A_288, %dma_start3A_295] : memref<4x2048x128xf32, #tpu.memory_space<hbm>> -> memref<1x32x128xf32, #tpu.memory_space<hbm>>
    %dma_start3A_297 = tpu.memref_squeeze %dma_start3A_296 : memref<1x32x128xf32, #tpu.memory_space<hbm>> -> memref<32x128xf32, #tpu.memory_space<hbm>>
    %dma_start3A_298 = arith.constant 0 : i32
    %dma_start3A_299 = tpu.memref_slice %arg5[%dma_start3A_290, %add3A_288, %dma_start3A_298] : memref<4x2048x128xf32, #tpu.memory_space<hbm>> -> memref<1x32x128xf32, #tpu.memory_space<hbm>>
    %dma_start3A_300 = tpu.memref_squeeze %dma_start3A_299 : memref<1x32x128xf32, #tpu.memory_space<hbm>> -> memref<32x128xf32, #tpu.memory_space<hbm>>
    %dma_start3A_301 = arith.constant 0 : i32
    %dma_start3A_302 = arith.constant 0 : i32
    %dma_start3A_303 = tpu.memref_slice %arg7[%dma_start3A_289, %dma_start3A_301, %dma_start3A_302] : memref<5x64x128xf32, #tpu.memory_space<vmem>> -> memref<1x32x128xf32, #tpu.memory_space<vmem>>
    %dma_start3A_304 = tpu.memref_squeeze %dma_start3A_303 : memref<1x32x128xf32, #tpu.memory_space<vmem>> -> memref<32x128xf32, #tpu.memory_space<vmem>>
    tpu.enqueue_dma source(%dma_start3A_304 : memref<32x128xf32, #tpu.memory_space<vmem>>) target(%dma_start3A_300 : memref<32x128xf32, #tpu.memory_space<hbm>>) target_semaphore(%arg10 : memref<!tpu.dma_semaphore, #tpu.memory_space<semaphore_mem>>)
    %dma_wait3A_305 = arith.constant 0 : i32
    %dma_wait3A_306 = arith.constant 0 : i32
    %dma_wait3A_307 = arith.constant 1 : i32
    %dma_wait3A_308 = arith.constant 32 : i32
    %dma_wait3A_309 = arith.constant 0 : i32
    %dma_wait3A_310 = tpu.memref_slice %arg7[%dma_wait3A_306, %dma_wait3A_308, %dma_wait3A_309] : memref<5x64x128xf32, #tpu.memory_space<vmem>> -> memref<1x32x128xf32, #tpu.memory_space<vmem>>
    %dma_wait3A_311 = tpu.memref_squeeze %dma_wait3A_310 : memref<1x32x128xf32, #tpu.memory_space<vmem>> -> memref<32x128xf32, #tpu.memory_space<vmem>>
    %dma_wait3A_312 = arith.constant 32 : i32
    %dma_wait3A_313 = tpu.memref_slice %arg6[%dma_wait3A_305, %dma_wait3A_312] : memref<4x64xi32, #tpu.memory_space<vmem>> -> memref<1x32xi32, #tpu.memory_space<vmem>>
    %dma_wait3A_314 = tpu.memref_squeeze %dma_wait3A_313 : memref<1x32xi32, #tpu.memory_space<vmem>> -> memref<32xi32, #tpu.memory_space<vmem>>
    %dma_wait3A_315 = arith.constant 0 : i32
    %dma_wait3A_316 = arith.constant 0 : i32
    %dma_wait3A_317 = tpu.memref_slice %arg3[%dma_wait3A_315, %dma_wait3A_316] : memref<100000x128xf32, #tpu.memory_space<hbm>> -> memref<100000x128xf32, #tpu.memory_space<hbm>>
    %dma_wait3A_318 = tpu.memref_slice %arg8[%dma_wait3A_307] : memref<8x!tpu.dma_semaphore, #tpu.memory_space<semaphore_mem>> -> memref<1x!tpu.dma_semaphore, #tpu.memory_space<semaphore_mem>>
    %dma_wait3A_319 = tpu.memref_squeeze %dma_wait3A_318 : memref<1x!tpu.dma_semaphore, #tpu.memory_space<semaphore_mem>> -> memref<!tpu.dma_semaphore, #tpu.memory_space<semaphore_mem>>
    tpu.wait_indirect_dma semaphore(%dma_wait3A_319 : memref<!tpu.dma_semaphore, #tpu.memory_space<semaphore_mem>>) src(%dma_wait3A_317 : memref<100000x128xf32, #tpu.memory_space<hbm>>) dst(%dma_wait3A_311 : memref<32x128xf32, #tpu.memory_space<vmem>>)
    %scan3A_320 = arith.constant 0 : i32
    %scan3A_321 = arith.constant 0 : i32
    %scan3A_322 = arith.constant 32 : i32
    %scan3A_323 = arith.addi %scan3A_321, %scan3A_322 : i32
    %scan3A_324 = arith.constant 1 : i32
    scf.for %scan3A_706 = %scan3A_321 to %scan3A_323 step %scan3A_324  : i32 {
      %add3A_707 = arith.constant 32 : i32
      %add3A_708 = arith.addi %add3A_707, %scan3A_706 : i32
      %add3A_709 = arith.constant 32 : i32
      %add3A_710 = arith.addi %add3A_709, %scan3A_706 : i32
      %get3A = arith.constant 4 : i32
      %get3A_711 = arith.index_cast %get3A : i32 to index
      %get3A_712 = arith.index_cast %add3A_710 : i32 to index
      %get3A_713 = arith.constant 0 : index
      %get3A_714 = tpu.vector_load %arg7[%get3A_711, %get3A_712, %get3A_713] {strides = array<i32>} : memref<5x64x128xf32, #tpu.memory_space<vmem>>, vector<1x1x16xf32>,
      %get3A_715 = vector.shape_cast %get3A_714 : vector<1x1x16xf32> to vector<16xf32>
      %swap3A = arith.constant 0 : i32
      %swap3A_716 = arith.index_cast %swap3A : i32 to index
      %swap3A_717 = arith.index_cast %add3A_708 : i32 to index
      %swap3A_718 = arith.constant 0 : index
      %swap3A_719 = tpu.vector_load %arg7[%swap3A_716, %swap3A_717, %swap3A_718] {strides = array<i32>} : memref<5x64x128xf32, #tpu.memory_space<vmem>>, vector<1x1x16xf32>,
      %swap3A_720 = vector.shape_cast %swap3A_719 : vector<1x1x16xf32> to vector<16xf32>
      %swap3A_721 = vector.shape_cast %get3A_715 : vector<16xf32> to vector<1x1x16xf32>
      tpu.vector_store %arg7[%swap3A_716, %swap3A_717, %swap3A_718], %swap3A_721 {add = true, strides = array<i32>} : memref<5x64x128xf32, #tpu.memory_space<vmem>>, vector<1x1x16xf32>,
      %add3A_722 = arith.constant 32 : i32
      %add3A_723 = arith.addi %add3A_722, %scan3A_706 : i32
      %add3A_724 = arith.constant 32 : i32
      %add3A_725 = arith.addi %add3A_724, %scan3A_706 : i32
      %get3A_726 = arith.constant 4 : i32
      %get3A_727 = arith.index_cast %get3A_726 : i32 to index
      %get3A_728 = arith.index_cast %add3A_725 : i32 to index
      %get3A_729 = arith.constant 16 : index
      %get3A_730 = tpu.vector_load %arg7[%get3A_727, %get3A_728, %get3A_729] {strides = array<i32>} : memref<5x64x128xf32, #tpu.memory_space<vmem>>, vector<1x1x16xf32>,
      %get3A_731 = vector.shape_cast %get3A_730 : vector<1x1x16xf32> to vector<16xf32>
      %swap3A_732 = arith.constant 0 : i32
      %swap3A_733 = arith.index_cast %swap3A_732 : i32 to index
      %swap3A_734 = arith.index_cast %add3A_723 : i32 to index
      %swap3A_735 = arith.constant 16 : index
      %swap3A_736 = tpu.vector_load %arg7[%swap3A_733, %swap3A_734, %swap3A_735] {strides = array<i32>} : memref<5x64x128xf32, #tpu.memory_space<vmem>>, vector<1x1x16xf32>,
      %swap3A_737 = vector.shape_cast %swap3A_736 : vector<1x1x16xf32> to vector<16xf32>
      %swap3A_738 = vector.shape_cast %get3A_731 : vector<16xf32> to vector<1x1x16xf32>
      tpu.vector_store %arg7[%swap3A_733, %swap3A_734, %swap3A_735], %swap3A_738 {add = true, strides = array<i32>} : memref<5x64x128xf32, #tpu.memory_space<vmem>>, vector<1x1x16xf32>,
      %add3A_739 = arith.constant 32 : i32
      %add3A_740 = arith.addi %add3A_739, %scan3A_706 : i32
      %add3A_741 = arith.constant 32 : i32
      %add3A_742 = arith.addi %add3A_741, %scan3A_706 : i32
      %get3A_743 = arith.constant 4 : i32
      %get3A_744 = arith.index_cast %get3A_743 : i32 to index
      %get3A_745 = arith.index_cast %add3A_742 : i32 to index
      %get3A_746 = arith.constant 32 : index
      %get3A_747 = tpu.vector_load %arg7[%get3A_744, %get3A_745, %get3A_746] {strides = array<i32>} : memref<5x64x128xf32, #tpu.memory_space<vmem>>, vector<1x1x16xf32>,
      %get3A_748 = vector.shape_cast %get3A_747 : vector<1x1x16xf32> to vector<16xf32>
      %swap3A_749 = arith.constant 0 : i32
      %swap3A_750 = arith.index_cast %swap3A_749 : i32 to index
      %swap3A_751 = arith.index_cast %add3A_740 : i32 to index
      %swap3A_752 = arith.constant 32 : index
      %swap3A_753 = tpu.vector_load %arg7[%swap3A_750, %swap3A_751, %swap3A_752] {strides = array<i32>} : memref<5x64x128xf32, #tpu.memory_space<vmem>>, vector<1x1x16xf32>,
      %swap3A_754 = vector.shape_cast %swap3A_753 : vector<1x1x16xf32> to vector<16xf32>
      %swap3A_755 = vector.shape_cast %get3A_748 : vector<16xf32> to vector<1x1x16xf32>
      tpu.vector_store %arg7[%swap3A_750, %swap3A_751, %swap3A_752], %swap3A_755 {add = true, strides = array<i32>} : memref<5x64x128xf32, #tpu.memory_space<vmem>>, vector<1x1x16xf32>,
      %add3A_756 = arith.constant 32 : i32
      %add3A_757 = arith.addi %add3A_756, %scan3A_706 : i32
      %add3A_758 = arith.constant 32 : i32
      %add3A_759 = arith.addi %add3A_758, %scan3A_706 : i32
      %get3A_760 = arith.constant 4 : i32
      %get3A_761 = arith.index_cast %get3A_760 : i32 to index
      %get3A_762 = arith.index_cast %add3A_759 : i32 to index
      %get3A_763 = arith.constant 48 : index
      %get3A_764 = tpu.vector_load %arg7[%get3A_761, %get3A_762, %get3A_763] {strides = array<i32>} : memref<5x64x128xf32, #tpu.memory_space<vmem>>, vector<1x1x16xf32>,
      %get3A_765 = vector.shape_cast %get3A_764 : vector<1x1x16xf32> to vector<16xf32>
      %swap3A_766 = arith.constant 0 : i32
      %swap3A_767 = arith.index_cast %swap3A_766 : i32 to index
      %swap3A_768 = arith.index_cast %add3A_757 : i32 to index
      %swap3A_769 = arith.constant 48 : index
      %swap3A_770 = tpu.vector_load %arg7[%swap3A_767, %swap3A_768, %swap3A_769] {strides = array<i32>} : memref<5x64x128xf32, #tpu.memory_space<vmem>>, vector<1x1x16xf32>,
      %swap3A_771 = vector.shape_cast %swap3A_770 : vector<1x1x16xf32> to vector<16xf32>
      %swap3A_772 = vector.shape_cast %get3A_765 : vector<16xf32> to vector<1x1x16xf32>
      tpu.vector_store %arg7[%swap3A_767, %swap3A_768, %swap3A_769], %swap3A_772 {add = true, strides = array<i32>} : memref<5x64x128xf32, #tpu.memory_space<vmem>>, vector<1x1x16xf32>,
      %add3A_773 = arith.constant 32 : i32
      %add3A_774 = arith.addi %add3A_773, %scan3A_706 : i32
      %add3A_775 = arith.constant 32 : i32
      %add3A_776 = arith.addi %add3A_775, %scan3A_706 : i32
      %get3A_777 = arith.constant 4 : i32
      %get3A_778 = arith.index_cast %get3A_777 : i32 to index
      %get3A_779 = arith.index_cast %add3A_776 : i32 to index
      %get3A_780 = arith.constant 64 : index
      %get3A_781 = tpu.vector_load %arg7[%get3A_778, %get3A_779, %get3A_780] {strides = array<i32>} : memref<5x64x128xf32, #tpu.memory_space<vmem>>, vector<1x1x16xf32>,
      %get3A_782 = vector.shape_cast %get3A_781 : vector<1x1x16xf32> to vector<16xf32>
      %swap3A_783 = arith.constant 0 : i32
      %swap3A_784 = arith.index_cast %swap3A_783 : i32 to index
      %swap3A_785 = arith.index_cast %add3A_774 : i32 to index
      %swap3A_786 = arith.constant 64 : index
      %swap3A_787 = tpu.vector_load %arg7[%swap3A_784, %swap3A_785, %swap3A_786] {strides = array<i32>} : memref<5x64x128xf32, #tpu.memory_space<vmem>>, vector<1x1x16xf32>,
      %swap3A_788 = vector.shape_cast %swap3A_787 : vector<1x1x16xf32> to vector<16xf32>
      %swap3A_789 = vector.shape_cast %get3A_782 : vector<16xf32> to vector<1x1x16xf32>
      tpu.vector_store %arg7[%swap3A_784, %swap3A_785, %swap3A_786], %swap3A_789 {add = true, strides = array<i32>} : memref<5x64x128xf32, #tpu.memory_space<vmem>>, vector<1x1x16xf32>,
      %add3A_790 = arith.constant 32 : i32
      %add3A_791 = arith.addi %add3A_790, %scan3A_706 : i32
      %add3A_792 = arith.constant 32 : i32
      %add3A_793 = arith.addi %add3A_792, %scan3A_706 : i32
      %get3A_794 = arith.constant 4 : i32
      %get3A_795 = arith.index_cast %get3A_794 : i32 to index
      %get3A_796 = arith.index_cast %add3A_793 : i32 to index
      %get3A_797 = arith.constant 80 : index
      %get3A_798 = tpu.vector_load %arg7[%get3A_795, %get3A_796, %get3A_797] {strides = array<i32>} : memref<5x64x128xf32, #tpu.memory_space<vmem>>, vector<1x1x16xf32>,
      %get3A_799 = vector.shape_cast %get3A_798 : vector<1x1x16xf32> to vector<16xf32>
      %swap3A_800 = arith.constant 0 : i32
      %swap3A_801 = arith.index_cast %swap3A_800 : i32 to index
      %swap3A_802 = arith.index_cast %add3A_791 : i32 to index
      %swap3A_803 = arith.constant 80 : index
      %swap3A_804 = tpu.vector_load %arg7[%swap3A_801, %swap3A_802, %swap3A_803] {strides = array<i32>} : memref<5x64x128xf32, #tpu.memory_space<vmem>>, vector<1x1x16xf32>,
      %swap3A_805 = vector.shape_cast %swap3A_804 : vector<1x1x16xf32> to vector<16xf32>
      %swap3A_806 = vector.shape_cast %get3A_799 : vector<16xf32> to vector<1x1x16xf32>
      tpu.vector_store %arg7[%swap3A_801, %swap3A_802, %swap3A_803], %swap3A_806 {add = true, strides = array<i32>} : memref<5x64x128xf32, #tpu.memory_space<vmem>>, vector<1x1x16xf32>,
      %add3A_807 = arith.constant 32 : i32
      %add3A_808 = arith.addi %add3A_807, %scan3A_706 : i32
      %add3A_809 = arith.constant 32 : i32
      %add3A_810 = arith.addi %add3A_809, %scan3A_706 : i32
      %get3A_811 = arith.constant 4 : i32
      %get3A_812 = arith.index_cast %get3A_811 : i32 to index
      %get3A_813 = arith.index_cast %add3A_810 : i32 to index
      %get3A_814 = arith.constant 96 : index
      %get3A_815 = tpu.vector_load %arg7[%get3A_812, %get3A_813, %get3A_814] {strides = array<i32>} : memref<5x64x128xf32, #tpu.memory_space<vmem>>, vector<1x1x16xf32>,
      %get3A_816 = vector.shape_cast %get3A_815 : vector<1x1x16xf32> to vector<16xf32>
      %swap3A_817 = arith.constant 0 : i32
      %swap3A_818 = arith.index_cast %swap3A_817 : i32 to index
      %swap3A_819 = arith.index_cast %add3A_808 : i32 to index
      %swap3A_820 = arith.constant 96 : index
      %swap3A_821 = tpu.vector_load %arg7[%swap3A_818, %swap3A_819, %swap3A_820] {strides = array<i32>} : memref<5x64x128xf32, #tpu.memory_space<vmem>>, vector<1x1x16xf32>,
      %swap3A_822 = vector.shape_cast %swap3A_821 : vector<1x1x16xf32> to vector<16xf32>
      %swap3A_823 = vector.shape_cast %get3A_816 : vector<16xf32> to vector<1x1x16xf32>
      tpu.vector_store %arg7[%swap3A_818, %swap3A_819, %swap3A_820], %swap3A_823 {add = true, strides = array<i32>} : memref<5x64x128xf32, #tpu.memory_space<vmem>>, vector<1x1x16xf32>,
      %add3A_824 = arith.constant 32 : i32
      %add3A_825 = arith.addi %add3A_824, %scan3A_706 : i32
      %add3A_826 = arith.constant 32 : i32
      %add3A_827 = arith.addi %add3A_826, %scan3A_706 : i32
      %get3A_828 = arith.constant 4 : i32
      %get3A_829 = arith.index_cast %get3A_828 : i32 to index
      %get3A_830 = arith.index_cast %add3A_827 : i32 to index
      %get3A_831 = arith.constant 112 : index
      %get3A_832 = tpu.vector_load %arg7[%get3A_829, %get3A_830, %get3A_831] {strides = array<i32>} : memref<5x64x128xf32, #tpu.memory_space<vmem>>, vector<1x1x16xf32>,
      %get3A_833 = vector.shape_cast %get3A_832 : vector<1x1x16xf32> to vector<16xf32>
      %swap3A_834 = arith.constant 0 : i32
      %swap3A_835 = arith.index_cast %swap3A_834 : i32 to index
      %swap3A_836 = arith.index_cast %add3A_825 : i32 to index
      %swap3A_837 = arith.constant 112 : index
      %swap3A_838 = tpu.vector_load %arg7[%swap3A_835, %swap3A_836, %swap3A_837] {strides = array<i32>} : memref<5x64x128xf32, #tpu.memory_space<vmem>>, vector<1x1x16xf32>,
      %swap3A_839 = vector.shape_cast %swap3A_838 : vector<1x1x16xf32> to vector<16xf32>
      %swap3A_840 = vector.shape_cast %get3A_833 : vector<16xf32> to vector<1x1x16xf32>
      tpu.vector_store %arg7[%swap3A_835, %swap3A_836, %swap3A_837], %swap3A_840 {add = true, strides = array<i32>} : memref<5x64x128xf32, #tpu.memory_space<vmem>>, vector<1x1x16xf32>,
    }
    %scan3A_325 = arith.constant 32 : i32
    %add3A_326 = arith.constant 32 : i32
    %add3A_327 = arith.addi %mul3A_2, %add3A_326 : i32
    %dma_start3A_328 = arith.constant 0 : i32
    %dma_start3A_329 = arith.constant 0 : i32
    %dma_start3A_330 = arith.constant 32 : i32
    %dma_start3A_331 = arith.constant 0 : i32
    %dma_start3A_332 = tpu.memref_slice %arg7[%dma_start3A_328, %dma_start3A_330, %dma_start3A_331] : memref<5x64x128xf32, #tpu.memory_space<vmem>> -> memref<1x32x128xf32, #tpu.memory_space<vmem>>
    %dma_start3A_333 = tpu.memref_squeeze %dma_start3A_332 : memref<1x32x128xf32, #tpu.memory_space<vmem>> -> memref<32x128xf32, #tpu.memory_space<vmem>>
    %dma_start3A_334 = arith.constant 0 : i32
    %dma_start3A_335 = tpu.memref_slice %arg5[%dma_start3A_329, %add3A_327, %dma_start3A_334] : memref<4x2048x128xf32, #tpu.memory_space<hbm>> -> memref<1x32x128xf32, #tpu.memory_space<hbm>>
    %dma_start3A_336 = tpu.memref_squeeze %dma_start3A_335 : memref<1x32x128xf32, #tpu.memory_space<hbm>> -> memref<32x128xf32, #tpu.memory_space<hbm>>
    %dma_start3A_337 = arith.constant 0 : i32
    %dma_start3A_338 = tpu.memref_slice %arg5[%dma_start3A_329, %add3A_327, %dma_start3A_337] : memref<4x2048x128xf32, #tpu.memory_space<hbm>> -> memref<1x32x128xf32, #tpu.memory_space<hbm>>
    %dma_start3A_339 = tpu.memref_squeeze %dma_start3A_338 : memref<1x32x128xf32, #tpu.memory_space<hbm>> -> memref<32x128xf32, #tpu.memory_space<hbm>>
    %dma_start3A_340 = arith.constant 32 : i32
    %dma_start3A_341 = arith.constant 0 : i32
    %dma_start3A_342 = tpu.memref_slice %arg7[%dma_start3A_328, %dma_start3A_340, %dma_start3A_341] : memref<5x64x128xf32, #tpu.memory_space<vmem>> -> memref<1x32x128xf32, #tpu.memory_space<vmem>>
    %dma_start3A_343 = tpu.memref_squeeze %dma_start3A_342 : memref<1x32x128xf32, #tpu.memory_space<vmem>> -> memref<32x128xf32, #tpu.memory_space<vmem>>
    tpu.enqueue_dma source(%dma_start3A_343 : memref<32x128xf32, #tpu.memory_space<vmem>>) target(%dma_start3A_339 : memref<32x128xf32, #tpu.memory_space<hbm>>) target_semaphore(%arg10 : memref<!tpu.dma_semaphore, #tpu.memory_space<semaphore_mem>>)
    %dma_wait3A_344 = arith.constant 1 : i32
    %dma_wait3A_345 = arith.constant 1 : i32
    %dma_wait3A_346 = arith.constant 2 : i32
    %dma_wait3A_347 = arith.constant 0 : i32
    %dma_wait3A_348 = arith.constant 0 : i32
    %dma_wait3A_349 = tpu.memref_slice %arg7[%dma_wait3A_345, %dma_wait3A_347, %dma_wait3A_348] : memref<5x64x128xf32, #tpu.memory_space<vmem>> -> memref<1x32x128xf32, #tpu.memory_space<vmem>>
    %dma_wait3A_350 = tpu.memref_squeeze %dma_wait3A_349 : memref<1x32x128xf32, #tpu.memory_space<vmem>> -> memref<32x128xf32, #tpu.memory_space<vmem>>
    %dma_wait3A_351 = arith.constant 0 : i32
    %dma_wait3A_352 = tpu.memref_slice %arg6[%dma_wait3A_344, %dma_wait3A_351] : memref<4x64xi32, #tpu.memory_space<vmem>> -> memref<1x32xi32, #tpu.memory_space<vmem>>
    %dma_wait3A_353 = tpu.memref_squeeze %dma_wait3A_352 : memref<1x32xi32, #tpu.memory_space<vmem>> -> memref<32xi32, #tpu.memory_space<vmem>>
    %dma_wait3A_354 = arith.constant 0 : i32
    %dma_wait3A_355 = arith.constant 0 : i32
    %dma_wait3A_356 = tpu.memref_slice %arg3[%dma_wait3A_354, %dma_wait3A_355] : memref<100000x128xf32, #tpu.memory_space<hbm>> -> memref<100000x128xf32, #tpu.memory_space<hbm>>
    %dma_wait3A_357 = tpu.memref_slice %arg8[%dma_wait3A_346] : memref<8x!tpu.dma_semaphore, #tpu.memory_space<semaphore_mem>> -> memref<1x!tpu.dma_semaphore, #tpu.memory_space<semaphore_mem>>
    %dma_wait3A_358 = tpu.memref_squeeze %dma_wait3A_357 : memref<1x!tpu.dma_semaphore, #tpu.memory_space<semaphore_mem>> -> memref<!tpu.dma_semaphore, #tpu.memory_space<semaphore_mem>>
    tpu.wait_indirect_dma semaphore(%dma_wait3A_358 : memref<!tpu.dma_semaphore, #tpu.memory_space<semaphore_mem>>) src(%dma_wait3A_356 : memref<100000x128xf32, #tpu.memory_space<hbm>>) dst(%dma_wait3A_350 : memref<32x128xf32, #tpu.memory_space<vmem>>)
    %scan3A_359 = arith.constant 0 : i32
    %scan3A_360 = arith.constant 0 : i32
    %scan3A_361 = arith.constant 32 : i32
    %scan3A_362 = arith.addi %scan3A_360, %scan3A_361 : i32
    %scan3A_363 = arith.constant 1 : i32
    scf.for %scan3A_706 = %scan3A_360 to %scan3A_362 step %scan3A_363  : i32 {
      %add3A_707 = arith.constant 0 : i32
      %add3A_708 = arith.addi %add3A_707, %scan3A_706 : i32
      %add3A_709 = arith.constant 0 : i32
      %add3A_710 = arith.addi %add3A_709, %scan3A_706 : i32
      %get3A = arith.constant 4 : i32
      %get3A_711 = arith.index_cast %get3A : i32 to index
      %get3A_712 = arith.index_cast %add3A_710 : i32 to index
      %get3A_713 = arith.constant 0 : index
      %get3A_714 = tpu.vector_load %arg7[%get3A_711, %get3A_712, %get3A_713] {strides = array<i32>} : memref<5x64x128xf32, #tpu.memory_space<vmem>>, vector<1x1x16xf32>,
      %get3A_715 = vector.shape_cast %get3A_714 : vector<1x1x16xf32> to vector<16xf32>
      %swap3A = arith.constant 1 : i32
      %swap3A_716 = arith.index_cast %swap3A : i32 to index
      %swap3A_717 = arith.index_cast %add3A_708 : i32 to index
      %swap3A_718 = arith.constant 0 : index
      %swap3A_719 = tpu.vector_load %arg7[%swap3A_716, %swap3A_717, %swap3A_718] {strides = array<i32>} : memref<5x64x128xf32, #tpu.memory_space<vmem>>, vector<1x1x16xf32>,
      %swap3A_720 = vector.shape_cast %swap3A_719 : vector<1x1x16xf32> to vector<16xf32>
      %swap3A_721 = vector.shape_cast %get3A_715 : vector<16xf32> to vector<1x1x16xf32>
      tpu.vector_store %arg7[%swap3A_716, %swap3A_717, %swap3A_718], %swap3A_721 {add = true, strides = array<i32>} : memref<5x64x128xf32, #tpu.memory_space<vmem>>, vector<1x1x16xf32>,
      %add3A_722 = arith.constant 0 : i32
      %add3A_723 = arith.addi %add3A_722, %scan3A_706 : i32
      %add3A_724 = arith.constant 0 : i32
      %add3A_725 = arith.addi %add3A_724, %scan3A_706 : i32
      %get3A_726 = arith.constant 4 : i32
      %get3A_727 = arith.index_cast %get3A_726 : i32 to index
      %get3A_728 = arith.index_cast %add3A_725 : i32 to index
      %get3A_729 = arith.constant 16 : index
      %get3A_730 = tpu.vector_load %arg7[%get3A_727, %get3A_728, %get3A_729] {strides = array<i32>} : memref<5x64x128xf32, #tpu.memory_space<vmem>>, vector<1x1x16xf32>,
      %get3A_731 = vector.shape_cast %get3A_730 : vector<1x1x16xf32> to vector<16xf32>
      %swap3A_732 = arith.constant 1 : i32
      %swap3A_733 = arith.index_cast %swap3A_732 : i32 to index
      %swap3A_734 = arith.index_cast %add3A_723 : i32 to index
      %swap3A_735 = arith.constant 16 : index
      %swap3A_736 = tpu.vector_load %arg7[%swap3A_733, %swap3A_734, %swap3A_735] {strides = array<i32>} : memref<5x64x128xf32, #tpu.memory_space<vmem>>, vector<1x1x16xf32>,
      %swap3A_737 = vector.shape_cast %swap3A_736 : vector<1x1x16xf32> to vector<16xf32>
      %swap3A_738 = vector.shape_cast %get3A_731 : vector<16xf32> to vector<1x1x16xf32>
      tpu.vector_store %arg7[%swap3A_733, %swap3A_734, %swap3A_735], %swap3A_738 {add = true, strides = array<i32>} : memref<5x64x128xf32, #tpu.memory_space<vmem>>, vector<1x1x16xf32>,
      %add3A_739 = arith.constant 0 : i32
      %add3A_740 = arith.addi %add3A_739, %scan3A_706 : i32
      %add3A_741 = arith.constant 0 : i32
      %add3A_742 = arith.addi %add3A_741, %scan3A_706 : i32
      %get3A_743 = arith.constant 4 : i32
      %get3A_744 = arith.index_cast %get3A_743 : i32 to index
      %get3A_745 = arith.index_cast %add3A_742 : i32 to index
      %get3A_746 = arith.constant 32 : index
      %get3A_747 = tpu.vector_load %arg7[%get3A_744, %get3A_745, %get3A_746] {strides = array<i32>} : memref<5x64x128xf32, #tpu.memory_space<vmem>>, vector<1x1x16xf32>,
      %get3A_748 = vector.shape_cast %get3A_747 : vector<1x1x16xf32> to vector<16xf32>
      %swap3A_749 = arith.constant 1 : i32
      %swap3A_750 = arith.index_cast %swap3A_749 : i32 to index
      %swap3A_751 = arith.index_cast %add3A_740 : i32 to index
      %swap3A_752 = arith.constant 32 : index
      %swap3A_753 = tpu.vector_load %arg7[%swap3A_750, %swap3A_751, %swap3A_752] {strides = array<i32>} : memref<5x64x128xf32, #tpu.memory_space<vmem>>, vector<1x1x16xf32>,
      %swap3A_754 = vector.shape_cast %swap3A_753 : vector<1x1x16xf32> to vector<16xf32>
      %swap3A_755 = vector.shape_cast %get3A_748 : vector<16xf32> to vector<1x1x16xf32>
      tpu.vector_store %arg7[%swap3A_750, %swap3A_751, %swap3A_752], %swap3A_755 {add = true, strides = array<i32>} : memref<5x64x128xf32, #tpu.memory_space<vmem>>, vector<1x1x16xf32>,
      %add3A_756 = arith.constant 0 : i32
      %add3A_757 = arith.addi %add3A_756, %scan3A_706 : i32
      %add3A_758 = arith.constant 0 : i32
      %add3A_759 = arith.addi %add3A_758, %scan3A_706 : i32
      %get3A_760 = arith.constant 4 : i32
      %get3A_761 = arith.index_cast %get3A_760 : i32 to index
      %get3A_762 = arith.index_cast %add3A_759 : i32 to index
      %get3A_763 = arith.constant 48 : index
      %get3A_764 = tpu.vector_load %arg7[%get3A_761, %get3A_762, %get3A_763] {strides = array<i32>} : memref<5x64x128xf32, #tpu.memory_space<vmem>>, vector<1x1x16xf32>,
      %get3A_765 = vector.shape_cast %get3A_764 : vector<1x1x16xf32> to vector<16xf32>
      %swap3A_766 = arith.constant 1 : i32
      %swap3A_767 = arith.index_cast %swap3A_766 : i32 to index
      %swap3A_768 = arith.index_cast %add3A_757 : i32 to index
      %swap3A_769 = arith.constant 48 : index
      %swap3A_770 = tpu.vector_load %arg7[%swap3A_767, %swap3A_768, %swap3A_769] {strides = array<i32>} : memref<5x64x128xf32, #tpu.memory_space<vmem>>, vector<1x1x16xf32>,
      %swap3A_771 = vector.shape_cast %swap3A_770 : vector<1x1x16xf32> to vector<16xf32>
      %swap3A_772 = vector.shape_cast %get3A_765 : vector<16xf32> to vector<1x1x16xf32>
      tpu.vector_store %arg7[%swap3A_767, %swap3A_768, %swap3A_769], %swap3A_772 {add = true, strides = array<i32>} : memref<5x64x128xf32, #tpu.memory_space<vmem>>, vector<1x1x16xf32>,
      %add3A_773 = arith.constant 0 : i32
      %add3A_774 = arith.addi %add3A_773, %scan3A_706 : i32
      %add3A_775 = arith.constant 0 : i32
      %add3A_776 = arith.addi %add3A_775, %scan3A_706 : i32
      %get3A_777 = arith.constant 4 : i32
      %get3A_778 = arith.index_cast %get3A_777 : i32 to index
      %get3A_779 = arith.index_cast %add3A_776 : i32 to index
      %get3A_780 = arith.constant 64 : index
      %get3A_781 = tpu.vector_load %arg7[%get3A_778, %get3A_779, %get3A_780] {strides = array<i32>} : memref<5x64x128xf32, #tpu.memory_space<vmem>>, vector<1x1x16xf32>,
      %get3A_782 = vector.shape_cast %get3A_781 : vector<1x1x16xf32> to vector<16xf32>
      %swap3A_783 = arith.constant 1 : i32
      %swap3A_784 = arith.index_cast %swap3A_783 : i32 to index
      %swap3A_785 = arith.index_cast %add3A_774 : i32 to index
      %swap3A_786 = arith.constant 64 : index
      %swap3A_787 = tpu.vector_load %arg7[%swap3A_784, %swap3A_785, %swap3A_786] {strides = array<i32>} : memref<5x64x128xf32, #tpu.memory_space<vmem>>, vector<1x1x16xf32>,
      %swap3A_788 = vector.shape_cast %swap3A_787 : vector<1x1x16xf32> to vector<16xf32>
      %swap3A_789 = vector.shape_cast %get3A_782 : vector<16xf32> to vector<1x1x16xf32>
      tpu.vector_store %arg7[%swap3A_784, %swap3A_785, %swap3A_786], %swap3A_789 {add = true, strides = array<i32>} : memref<5x64x128xf32, #tpu.memory_space<vmem>>, vector<1x1x16xf32>,
      %add3A_790 = arith.constant 0 : i32
      %add3A_791 = arith.addi %add3A_790, %scan3A_706 : i32
      %add3A_792 = arith.constant 0 : i32
      %add3A_793 = arith.addi %add3A_792, %scan3A_706 : i32
      %get3A_794 = arith.constant 4 : i32
      %get3A_795 = arith.index_cast %get3A_794 : i32 to index
      %get3A_796 = arith.index_cast %add3A_793 : i32 to index
      %get3A_797 = arith.constant 80 : index
      %get3A_798 = tpu.vector_load %arg7[%get3A_795, %get3A_796, %get3A_797] {strides = array<i32>} : memref<5x64x128xf32, #tpu.memory_space<vmem>>, vector<1x1x16xf32>,
      %get3A_799 = vector.shape_cast %get3A_798 : vector<1x1x16xf32> to vector<16xf32>
      %swap3A_800 = arith.constant 1 : i32
      %swap3A_801 = arith.index_cast %swap3A_800 : i32 to index
      %swap3A_802 = arith.index_cast %add3A_791 : i32 to index
      %swap3A_803 = arith.constant 80 : index
      %swap3A_804 = tpu.vector_load %arg7[%swap3A_801, %swap3A_802, %swap3A_803] {strides = array<i32>} : memref<5x64x128xf32, #tpu.memory_space<vmem>>, vector<1x1x16xf32>,
      %swap3A_805 = vector.shape_cast %swap3A_804 : vector<1x1x16xf32> to vector<16xf32>
      %swap3A_806 = vector.shape_cast %get3A_799 : vector<16xf32> to vector<1x1x16xf32>
      tpu.vector_store %arg7[%swap3A_801, %swap3A_802, %swap3A_803], %swap3A_806 {add = true, strides = array<i32>} : memref<5x64x128xf32, #tpu.memory_space<vmem>>, vector<1x1x16xf32>,
      %add3A_807 = arith.constant 0 : i32
      %add3A_808 = arith.addi %add3A_807, %scan3A_706 : i32
      %add3A_809 = arith.constant 0 : i32
      %add3A_810 = arith.addi %add3A_809, %scan3A_706 : i32
      %get3A_811 = arith.constant 4 : i32
      %get3A_812 = arith.index_cast %get3A_811 : i32 to index
      %get3A_813 = arith.index_cast %add3A_810 : i32 to index
      %get3A_814 = arith.constant 96 : index
      %get3A_815 = tpu.vector_load %arg7[%get3A_812, %get3A_813, %get3A_814] {strides = array<i32>} : memref<5x64x128xf32, #tpu.memory_space<vmem>>, vector<1x1x16xf32>,
      %get3A_816 = vector.shape_cast %get3A_815 : vector<1x1x16xf32> to vector<16xf32>
      %swap3A_817 = arith.constant 1 : i32
      %swap3A_818 = arith.index_cast %swap3A_817 : i32 to index
      %swap3A_819 = arith.index_cast %add3A_808 : i32 to index
      %swap3A_820 = arith.constant 96 : index
      %swap3A_821 = tpu.vector_load %arg7[%swap3A_818, %swap3A_819, %swap3A_820] {strides = array<i32>} : memref<5x64x128xf32, #tpu.memory_space<vmem>>, vector<1x1x16xf32>,
      %swap3A_822 = vector.shape_cast %swap3A_821 : vector<1x1x16xf32> to vector<16xf32>
      %swap3A_823 = vector.shape_cast %get3A_816 : vector<16xf32> to vector<1x1x16xf32>
      tpu.vector_store %arg7[%swap3A_818, %swap3A_819, %swap3A_820], %swap3A_823 {add = true, strides = array<i32>} : memref<5x64x128xf32, #tpu.memory_space<vmem>>, vector<1x1x16xf32>,
      %add3A_824 = arith.constant 0 : i32
      %add3A_825 = arith.addi %add3A_824, %scan3A_706 : i32
      %add3A_826 = arith.constant 0 : i32
      %add3A_827 = arith.addi %add3A_826, %scan3A_706 : i32
      %get3A_828 = arith.constant 4 : i32
      %get3A_829 = arith.index_cast %get3A_828 : i32 to index
      %get3A_830 = arith.index_cast %add3A_827 : i32 to index
      %get3A_831 = arith.constant 112 : index
      %get3A_832 = tpu.vector_load %arg7[%get3A_829, %get3A_830, %get3A_831] {strides = array<i32>} : memref<5x64x128xf32, #tpu.memory_space<vmem>>, vector<1x1x16xf32>,
      %get3A_833 = vector.shape_cast %get3A_832 : vector<1x1x16xf32> to vector<16xf32>
      %swap3A_834 = arith.constant 1 : i32
      %swap3A_835 = arith.index_cast %swap3A_834 : i32 to index
      %swap3A_836 = arith.index_cast %add3A_825 : i32 to index
      %swap3A_837 = arith.constant 112 : index
      %swap3A_838 = tpu.vector_load %arg7[%swap3A_835, %swap3A_836, %swap3A_837] {strides = array<i32>} : memref<5x64x128xf32, #tpu.memory_space<vmem>>, vector<1x1x16xf32>,
      %swap3A_839 = vector.shape_cast %swap3A_838 : vector<1x1x16xf32> to vector<16xf32>
      %swap3A_840 = vector.shape_cast %get3A_833 : vector<16xf32> to vector<1x1x16xf32>
      tpu.vector_store %arg7[%swap3A_835, %swap3A_836, %swap3A_837], %swap3A_840 {add = true, strides = array<i32>} : memref<5x64x128xf32, #tpu.memory_space<vmem>>, vector<1x1x16xf32>,
    }
    %scan3A_364 = arith.constant 32 : i32
    %add3A_365 = arith.constant 0 : i32
    %add3A_366 = arith.addi %mul3A_2, %add3A_365 : i32
    %dma_start3A_367 = arith.constant 1 : i32
    %dma_start3A_368 = arith.constant 1 : i32
    %dma_start3A_369 = arith.constant 0 : i32
    %dma_start3A_370 = arith.constant 0 : i32
    %dma_start3A_371 = tpu.memref_slice %arg7[%dma_start3A_367, %dma_start3A_369, %dma_start3A_370] : memref<5x64x128xf32, #tpu.memory_space<vmem>> -> memref<1x32x128xf32, #tpu.memory_space<vmem>>
    %dma_start3A_372 = tpu.memref_squeeze %dma_start3A_371 : memref<1x32x128xf32, #tpu.memory_space<vmem>> -> memref<32x128xf32, #tpu.memory_space<vmem>>
    %dma_start3A_373 = arith.constant 0 : i32
    %dma_start3A_374 = tpu.memref_slice %arg5[%dma_start3A_368, %add3A_366, %dma_start3A_373] : memref<4x2048x128xf32, #tpu.memory_space<hbm>> -> memref<1x32x128xf32, #tpu.memory_space<hbm>>
    %dma_start3A_375 = tpu.memref_squeeze %dma_start3A_374 : memref<1x32x128xf32, #tpu.memory_space<hbm>> -> memref<32x128xf32, #tpu.memory_space<hbm>>
    %dma_start3A_376 = arith.constant 0 : i32
    %dma_start3A_377 = tpu.memref_slice %arg5[%dma_start3A_368, %add3A_366, %dma_start3A_376] : memref<4x2048x128xf32, #tpu.memory_space<hbm>> -> memref<1x32x128xf32, #tpu.memory_space<hbm>>
    %dma_start3A_378 = tpu.memref_squeeze %dma_start3A_377 : memref<1x32x128xf32, #tpu.memory_space<hbm>> -> memref<32x128xf32, #tpu.memory_space<hbm>>
    %dma_start3A_379 = arith.constant 0 : i32
    %dma_start3A_380 = arith.constant 0 : i32
    %dma_start3A_381 = tpu.memref_slice %arg7[%dma_start3A_367, %dma_start3A_379, %dma_start3A_380] : memref<5x64x128xf32, #tpu.memory_space<vmem>> -> memref<1x32x128xf32, #tpu.memory_space<vmem>>
    %dma_start3A_382 = tpu.memref_squeeze %dma_start3A_381 : memref<1x32x128xf32, #tpu.memory_space<vmem>> -> memref<32x128xf32, #tpu.memory_space<vmem>>
    tpu.enqueue_dma source(%dma_start3A_382 : memref<32x128xf32, #tpu.memory_space<vmem>>) target(%dma_start3A_378 : memref<32x128xf32, #tpu.memory_space<hbm>>) target_semaphore(%arg10 : memref<!tpu.dma_semaphore, #tpu.memory_space<semaphore_mem>>)
    %dma_wait3A_383 = arith.constant 1 : i32
    %dma_wait3A_384 = arith.constant 1 : i32
    %dma_wait3A_385 = arith.constant 3 : i32
    %dma_wait3A_386 = arith.constant 32 : i32
    %dma_wait3A_387 = arith.constant 0 : i32
    %dma_wait3A_388 = tpu.memref_slice %arg7[%dma_wait3A_384, %dma_wait3A_386, %dma_wait3A_387] : memref<5x64x128xf32, #tpu.memory_space<vmem>> -> memref<1x32x128xf32, #tpu.memory_space<vmem>>
    %dma_wait3A_389 = tpu.memref_squeeze %dma_wait3A_388 : memref<1x32x128xf32, #tpu.memory_space<vmem>> -> memref<32x128xf32, #tpu.memory_space<vmem>>
    %dma_wait3A_390 = arith.constant 32 : i32
    %dma_wait3A_391 = tpu.memref_slice %arg6[%dma_wait3A_383, %dma_wait3A_390] : memref<4x64xi32, #tpu.memory_space<vmem>> -> memref<1x32xi32, #tpu.memory_space<vmem>>
    %dma_wait3A_392 = tpu.memref_squeeze %dma_wait3A_391 : memref<1x32xi32, #tpu.memory_space<vmem>> -> memref<32xi32, #tpu.memory_space<vmem>>
    %dma_wait3A_393 = arith.constant 0 : i32
    %dma_wait3A_394 = arith.constant 0 : i32
    %dma_wait3A_395 = tpu.memref_slice %arg3[%dma_wait3A_393, %dma_wait3A_394] : memref<100000x128xf32, #tpu.memory_space<hbm>> -> memref<100000x128xf32, #tpu.memory_space<hbm>>
    %dma_wait3A_396 = tpu.memref_slice %arg8[%dma_wait3A_385] : memref<8x!tpu.dma_semaphore, #tpu.memory_space<semaphore_mem>> -> memref<1x!tpu.dma_semaphore, #tpu.memory_space<semaphore_mem>>
    %dma_wait3A_397 = tpu.memref_squeeze %dma_wait3A_396 : memref<1x!tpu.dma_semaphore, #tpu.memory_space<semaphore_mem>> -> memref<!tpu.dma_semaphore, #tpu.memory_space<semaphore_mem>>
    tpu.wait_indirect_dma semaphore(%dma_wait3A_397 : memref<!tpu.dma_semaphore, #tpu.memory_space<semaphore_mem>>) src(%dma_wait3A_395 : memref<100000x128xf32, #tpu.memory_space<hbm>>) dst(%dma_wait3A_389 : memref<32x128xf32, #tpu.memory_space<vmem>>)
    %scan3A_398 = arith.constant 0 : i32
    %scan3A_399 = arith.constant 0 : i32
    %scan3A_400 = arith.constant 32 : i32
    %scan3A_401 = arith.addi %scan3A_399, %scan3A_400 : i32
    %scan3A_402 = arith.constant 1 : i32
    scf.for %scan3A_706 = %scan3A_399 to %scan3A_401 step %scan3A_402  : i32 {
      %add3A_707 = arith.constant 32 : i32
      %add3A_708 = arith.addi %add3A_707, %scan3A_706 : i32
      %add3A_709 = arith.constant 32 : i32
      %add3A_710 = arith.addi %add3A_709, %scan3A_706 : i32
      %get3A = arith.constant 4 : i32
      %get3A_711 = arith.index_cast %get3A : i32 to index
      %get3A_712 = arith.index_cast %add3A_710 : i32 to index
      %get3A_713 = arith.constant 0 : index
      %get3A_714 = tpu.vector_load %arg7[%get3A_711, %get3A_712, %get3A_713] {strides = array<i32>} : memref<5x64x128xf32, #tpu.memory_space<vmem>>, vector<1x1x16xf32>,
      %get3A_715 = vector.shape_cast %get3A_714 : vector<1x1x16xf32> to vector<16xf32>
      %swap3A = arith.constant 1 : i32
      %swap3A_716 = arith.index_cast %swap3A : i32 to index
      %swap3A_717 = arith.index_cast %add3A_708 : i32 to index
      %swap3A_718 = arith.constant 0 : index
      %swap3A_719 = tpu.vector_load %arg7[%swap3A_716, %swap3A_717, %swap3A_718] {strides = array<i32>} : memref<5x64x128xf32, #tpu.memory_space<vmem>>, vector<1x1x16xf32>,
      %swap3A_720 = vector.shape_cast %swap3A_719 : vector<1x1x16xf32> to vector<16xf32>
      %swap3A_721 = vector.shape_cast %get3A_715 : vector<16xf32> to vector<1x1x16xf32>
      tpu.vector_store %arg7[%swap3A_716, %swap3A_717, %swap3A_718], %swap3A_721 {add = true, strides = array<i32>} : memref<5x64x128xf32, #tpu.memory_space<vmem>>, vector<1x1x16xf32>,
      %add3A_722 = arith.constant 32 : i32
      %add3A_723 = arith.addi %add3A_722, %scan3A_706 : i32
      %add3A_724 = arith.constant 32 : i32
      %add3A_725 = arith.addi %add3A_724, %scan3A_706 : i32
      %get3A_726 = arith.constant 4 : i32
      %get3A_727 = arith.index_cast %get3A_726 : i32 to index
      %get3A_728 = arith.index_cast %add3A_725 : i32 to index
      %get3A_729 = arith.constant 16 : index
      %get3A_730 = tpu.vector_load %arg7[%get3A_727, %get3A_728, %get3A_729] {strides = array<i32>} : memref<5x64x128xf32, #tpu.memory_space<vmem>>, vector<1x1x16xf32>,
      %get3A_731 = vector.shape_cast %get3A_730 : vector<1x1x16xf32> to vector<16xf32>
      %swap3A_732 = arith.constant 1 : i32
      %swap3A_733 = arith.index_cast %swap3A_732 : i32 to index
      %swap3A_734 = arith.index_cast %add3A_723 : i32 to index
      %swap3A_735 = arith.constant 16 : index
      %swap3A_736 = tpu.vector_load %arg7[%swap3A_733, %swap3A_734, %swap3A_735] {strides = array<i32>} : memref<5x64x128xf32, #tpu.memory_space<vmem>>, vector<1x1x16xf32>,
      %swap3A_737 = vector.shape_cast %swap3A_736 : vector<1x1x16xf32> to vector<16xf32>
      %swap3A_738 = vector.shape_cast %get3A_731 : vector<16xf32> to vector<1x1x16xf32>
      tpu.vector_store %arg7[%swap3A_733, %swap3A_734, %swap3A_735], %swap3A_738 {add = true, strides = array<i32>} : memref<5x64x128xf32, #tpu.memory_space<vmem>>, vector<1x1x16xf32>,
      %add3A_739 = arith.constant 32 : i32
      %add3A_740 = arith.addi %add3A_739, %scan3A_706 : i32
      %add3A_741 = arith.constant 32 : i32
      %add3A_742 = arith.addi %add3A_741, %scan3A_706 : i32
      %get3A_743 = arith.constant 4 : i32
      %get3A_744 = arith.index_cast %get3A_743 : i32 to index
      %get3A_745 = arith.index_cast %add3A_742 : i32 to index
      %get3A_746 = arith.constant 32 : index
      %get3A_747 = tpu.vector_load %arg7[%get3A_744, %get3A_745, %get3A_746] {strides = array<i32>} : memref<5x64x128xf32, #tpu.memory_space<vmem>>, vector<1x1x16xf32>,
      %get3A_748 = vector.shape_cast %get3A_747 : vector<1x1x16xf32> to vector<16xf32>
      %swap3A_749 = arith.constant 1 : i32
      %swap3A_750 = arith.index_cast %swap3A_749 : i32 to index
      %swap3A_751 = arith.index_cast %add3A_740 : i32 to index
      %swap3A_752 = arith.constant 32 : index
      %swap3A_753 = tpu.vector_load %arg7[%swap3A_750, %swap3A_751, %swap3A_752] {strides = array<i32>} : memref<5x64x128xf32, #tpu.memory_space<vmem>>, vector<1x1x16xf32>,
      %swap3A_754 = vector.shape_cast %swap3A_753 : vector<1x1x16xf32> to vector<16xf32>
      %swap3A_755 = vector.shape_cast %get3A_748 : vector<16xf32> to vector<1x1x16xf32>
      tpu.vector_store %arg7[%swap3A_750, %swap3A_751, %swap3A_752], %swap3A_755 {add = true, strides = array<i32>} : memref<5x64x128xf32, #tpu.memory_space<vmem>>, vector<1x1x16xf32>,
      %add3A_756 = arith.constant 32 : i32
      %add3A_757 = arith.addi %add3A_756, %scan3A_706 : i32
      %add3A_758 = arith.constant 32 : i32
      %add3A_759 = arith.addi %add3A_758, %scan3A_706 : i32
      %get3A_760 = arith.constant 4 : i32
      %get3A_761 = arith.index_cast %get3A_760 : i32 to index
      %get3A_762 = arith.index_cast %add3A_759 : i32 to index
      %get3A_763 = arith.constant 48 : index
      %get3A_764 = tpu.vector_load %arg7[%get3A_761, %get3A_762, %get3A_763] {strides = array<i32>} : memref<5x64x128xf32, #tpu.memory_space<vmem>>, vector<1x1x16xf32>,
      %get3A_765 = vector.shape_cast %get3A_764 : vector<1x1x16xf32> to vector<16xf32>
      %swap3A_766 = arith.constant 1 : i32
      %swap3A_767 = arith.index_cast %swap3A_766 : i32 to index
      %swap3A_768 = arith.index_cast %add3A_757 : i32 to index
      %swap3A_769 = arith.constant 48 : index
      %swap3A_770 = tpu.vector_load %arg7[%swap3A_767, %swap3A_768, %swap3A_769] {strides = array<i32>} : memref<5x64x128xf32, #tpu.memory_space<vmem>>, vector<1x1x16xf32>,
      %swap3A_771 = vector.shape_cast %swap3A_770 : vector<1x1x16xf32> to vector<16xf32>
      %swap3A_772 = vector.shape_cast %get3A_765 : vector<16xf32> to vector<1x1x16xf32>
      tpu.vector_store %arg7[%swap3A_767, %swap3A_768, %swap3A_769], %swap3A_772 {add = true, strides = array<i32>} : memref<5x64x128xf32, #tpu.memory_space<vmem>>, vector<1x1x16xf32>,
      %add3A_773 = arith.constant 32 : i32
      %add3A_774 = arith.addi %add3A_773, %scan3A_706 : i32
      %add3A_775 = arith.constant 32 : i32
      %add3A_776 = arith.addi %add3A_775, %scan3A_706 : i32
      %get3A_777 = arith.constant 4 : i32
      %get3A_778 = arith.index_cast %get3A_777 : i32 to index
      %get3A_779 = arith.index_cast %add3A_776 : i32 to index
      %get3A_780 = arith.constant 64 : index
      %get3A_781 = tpu.vector_load %arg7[%get3A_778, %get3A_779, %get3A_780] {strides = array<i32>} : memref<5x64x128xf32, #tpu.memory_space<vmem>>, vector<1x1x16xf32>,
      %get3A_782 = vector.shape_cast %get3A_781 : vector<1x1x16xf32> to vector<16xf32>
      %swap3A_783 = arith.constant 1 : i32
      %swap3A_784 = arith.index_cast %swap3A_783 : i32 to index
      %swap3A_785 = arith.index_cast %add3A_774 : i32 to index
      %swap3A_786 = arith.constant 64 : index
      %swap3A_787 = tpu.vector_load %arg7[%swap3A_784, %swap3A_785, %swap3A_786] {strides = array<i32>} : memref<5x64x128xf32, #tpu.memory_space<vmem>>, vector<1x1x16xf32>,
      %swap3A_788 = vector.shape_cast %swap3A_787 : vector<1x1x16xf32> to vector<16xf32>
      %swap3A_789 = vector.shape_cast %get3A_782 : vector<16xf32> to vector<1x1x16xf32>
      tpu.vector_store %arg7[%swap3A_784, %swap3A_785, %swap3A_786], %swap3A_789 {add = true, strides = array<i32>} : memref<5x64x128xf32, #tpu.memory_space<vmem>>, vector<1x1x16xf32>,
      %add3A_790 = arith.constant 32 : i32
      %add3A_791 = arith.addi %add3A_790, %scan3A_706 : i32
      %add3A_792 = arith.constant 32 : i32
      %add3A_793 = arith.addi %add3A_792, %scan3A_706 : i32
      %get3A_794 = arith.constant 4 : i32
      %get3A_795 = arith.index_cast %get3A_794 : i32 to index
      %get3A_796 = arith.index_cast %add3A_793 : i32 to index
      %get3A_797 = arith.constant 80 : index
      %get3A_798 = tpu.vector_load %arg7[%get3A_795, %get3A_796, %get3A_797] {strides = array<i32>} : memref<5x64x128xf32, #tpu.memory_space<vmem>>, vector<1x1x16xf32>,
      %get3A_799 = vector.shape_cast %get3A_798 : vector<1x1x16xf32> to vector<16xf32>
      %swap3A_800 = arith.constant 1 : i32
      %swap3A_801 = arith.index_cast %swap3A_800 : i32 to index
      %swap3A_802 = arith.index_cast %add3A_791 : i32 to index
      %swap3A_803 = arith.constant 80 : index
      %swap3A_804 = tpu.vector_load %arg7[%swap3A_801, %swap3A_802, %swap3A_803] {strides = array<i32>} : memref<5x64x128xf32, #tpu.memory_space<vmem>>, vector<1x1x16xf32>,
      %swap3A_805 = vector.shape_cast %swap3A_804 : vector<1x1x16xf32> to vector<16xf32>
      %swap3A_806 = vector.shape_cast %get3A_799 : vector<16xf32> to vector<1x1x16xf32>
      tpu.vector_store %arg7[%swap3A_801, %swap3A_802, %swap3A_803], %swap3A_806 {add = true, strides = array<i32>} : memref<5x64x128xf32, #tpu.memory_space<vmem>>, vector<1x1x16xf32>,
      %add3A_807 = arith.constant 32 : i32
      %add3A_808 = arith.addi %add3A_807, %scan3A_706 : i32
      %add3A_809 = arith.constant 32 : i32
      %add3A_810 = arith.addi %add3A_809, %scan3A_706 : i32
      %get3A_811 = arith.constant 4 : i32
      %get3A_812 = arith.index_cast %get3A_811 : i32 to index
      %get3A_813 = arith.index_cast %add3A_810 : i32 to index
      %get3A_814 = arith.constant 96 : index
      %get3A_815 = tpu.vector_load %arg7[%get3A_812, %get3A_813, %get3A_814] {strides = array<i32>} : memref<5x64x128xf32, #tpu.memory_space<vmem>>, vector<1x1x16xf32>,
      %get3A_816 = vector.shape_cast %get3A_815 : vector<1x1x16xf32> to vector<16xf32>
      %swap3A_817 = arith.constant 1 : i32
      %swap3A_818 = arith.index_cast %swap3A_817 : i32 to index
      %swap3A_819 = arith.index_cast %add3A_808 : i32 to index
      %swap3A_820 = arith.constant 96 : index
      %swap3A_821 = tpu.vector_load %arg7[%swap3A_818, %swap3A_819, %swap3A_820] {strides = array<i32>} : memref<5x64x128xf32, #tpu.memory_space<vmem>>, vector<1x1x16xf32>,
      %swap3A_822 = vector.shape_cast %swap3A_821 : vector<1x1x16xf32> to vector<16xf32>
      %swap3A_823 = vector.shape_cast %get3A_816 : vector<16xf32> to vector<1x1x16xf32>
      tpu.vector_store %arg7[%swap3A_818, %swap3A_819, %swap3A_820], %swap3A_823 {add = true, strides = array<i32>} : memref<5x64x128xf32, #tpu.memory_space<vmem>>, vector<1x1x16xf32>,
      %add3A_824 = arith.constant 32 : i32
      %add3A_825 = arith.addi %add3A_824, %scan3A_706 : i32
      %add3A_826 = arith.constant 32 : i32
      %add3A_827 = arith.addi %add3A_826, %scan3A_706 : i32
      %get3A_828 = arith.constant 4 : i32
      %get3A_829 = arith.index_cast %get3A_828 : i32 to index
      %get3A_830 = arith.index_cast %add3A_827 : i32 to index
      %get3A_831 = arith.constant 112 : index
      %get3A_832 = tpu.vector_load %arg7[%get3A_829, %get3A_830, %get3A_831] {strides = array<i32>} : memref<5x64x128xf32, #tpu.memory_space<vmem>>, vector<1x1x16xf32>,
      %get3A_833 = vector.shape_cast %get3A_832 : vector<1x1x16xf32> to vector<16xf32>
      %swap3A_834 = arith.constant 1 : i32
      %swap3A_835 = arith.index_cast %swap3A_834 : i32 to index
      %swap3A_836 = arith.index_cast %add3A_825 : i32 to index
      %swap3A_837 = arith.constant 112 : index
      %swap3A_838 = tpu.vector_load %arg7[%swap3A_835, %swap3A_836, %swap3A_837] {strides = array<i32>} : memref<5x64x128xf32, #tpu.memory_space<vmem>>, vector<1x1x16xf32>,
      %swap3A_839 = vector.shape_cast %swap3A_838 : vector<1x1x16xf32> to vector<16xf32>
      %swap3A_840 = vector.shape_cast %get3A_833 : vector<16xf32> to vector<1x1x16xf32>
      tpu.vector_store %arg7[%swap3A_835, %swap3A_836, %swap3A_837], %swap3A_840 {add = true, strides = array<i32>} : memref<5x64x128xf32, #tpu.memory_space<vmem>>, vector<1x1x16xf32>,
    }
    %scan3A_403 = arith.constant 32 : i32
    %add3A_404 = arith.constant 32 : i32
    %add3A_405 = arith.addi %mul3A_2, %add3A_404 : i32
    %dma_start3A_406 = arith.constant 1 : i32
    %dma_start3A_407 = arith.constant 1 : i32
    %dma_start3A_408 = arith.constant 32 : i32
    %dma_start3A_409 = arith.constant 0 : i32
    %dma_start3A_410 = tpu.memref_slice %arg7[%dma_start3A_406, %dma_start3A_408, %dma_start3A_409] : memref<5x64x128xf32, #tpu.memory_space<vmem>> -> memref<1x32x128xf32, #tpu.memory_space<vmem>>
    %dma_start3A_411 = tpu.memref_squeeze %dma_start3A_410 : memref<1x32x128xf32, #tpu.memory_space<vmem>> -> memref<32x128xf32, #tpu.memory_space<vmem>>
    %dma_start3A_412 = arith.constant 0 : i32
    %dma_start3A_413 = tpu.memref_slice %arg5[%dma_start3A_407, %add3A_405, %dma_start3A_412] : memref<4x2048x128xf32, #tpu.memory_space<hbm>> -> memref<1x32x128xf32, #tpu.memory_space<hbm>>
    %dma_start3A_414 = tpu.memref_squeeze %dma_start3A_413 : memref<1x32x128xf32, #tpu.memory_space<hbm>> -> memref<32x128xf32, #tpu.memory_space<hbm>>
    %dma_start3A_415 = arith.constant 0 : i32
    %dma_start3A_416 = tpu.memref_slice %arg5[%dma_start3A_407, %add3A_405, %dma_start3A_415] : memref<4x2048x128xf32, #tpu.memory_space<hbm>> -> memref<1x32x128xf32, #tpu.memory_space<hbm>>
    %dma_start3A_417 = tpu.memref_squeeze %dma_start3A_416 : memref<1x32x128xf32, #tpu.memory_space<hbm>> -> memref<32x128xf32, #tpu.memory_space<hbm>>
    %dma_start3A_418 = arith.constant 32 : i32
    %dma_start3A_419 = arith.constant 0 : i32
    %dma_start3A_420 = tpu.memref_slice %arg7[%dma_start3A_406, %dma_start3A_418, %dma_start3A_419] : memref<5x64x128xf32, #tpu.memory_space<vmem>> -> memref<1x32x128xf32, #tpu.memory_space<vmem>>
    %dma_start3A_421 = tpu.memref_squeeze %dma_start3A_420 : memref<1x32x128xf32, #tpu.memory_space<vmem>> -> memref<32x128xf32, #tpu.memory_space<vmem>>
    tpu.enqueue_dma source(%dma_start3A_421 : memref<32x128xf32, #tpu.memory_space<vmem>>) target(%dma_start3A_417 : memref<32x128xf32, #tpu.memory_space<hbm>>) target_semaphore(%arg10 : memref<!tpu.dma_semaphore, #tpu.memory_space<semaphore_mem>>)
    %dma_wait3A_422 = arith.constant 2 : i32
    %dma_wait3A_423 = arith.constant 2 : i32
    %dma_wait3A_424 = arith.constant 4 : i32
    %dma_wait3A_425 = arith.constant 0 : i32
    %dma_wait3A_426 = arith.constant 0 : i32
    %dma_wait3A_427 = tpu.memref_slice %arg7[%dma_wait3A_423, %dma_wait3A_425, %dma_wait3A_426] : memref<5x64x128xf32, #tpu.memory_space<vmem>> -> memref<1x32x128xf32, #tpu.memory_space<vmem>>
    %dma_wait3A_428 = tpu.memref_squeeze %dma_wait3A_427 : memref<1x32x128xf32, #tpu.memory_space<vmem>> -> memref<32x128xf32, #tpu.memory_space<vmem>>
    %dma_wait3A_429 = arith.constant 0 : i32
    %dma_wait3A_430 = tpu.memref_slice %arg6[%dma_wait3A_422, %dma_wait3A_429] : memref<4x64xi32, #tpu.memory_space<vmem>> -> memref<1x32xi32, #tpu.memory_space<vmem>>
    %dma_wait3A_431 = tpu.memref_squeeze %dma_wait3A_430 : memref<1x32xi32, #tpu.memory_space<vmem>> -> memref<32xi32, #tpu.memory_space<vmem>>
    %dma_wait3A_432 = arith.constant 0 : i32
    %dma_wait3A_433 = arith.constant 0 : i32
    %dma_wait3A_434 = tpu.memref_slice %arg3[%dma_wait3A_432, %dma_wait3A_433] : memref<100000x128xf32, #tpu.memory_space<hbm>> -> memref<100000x128xf32, #tpu.memory_space<hbm>>
    %dma_wait3A_435 = tpu.memref_slice %arg8[%dma_wait3A_424] : memref<8x!tpu.dma_semaphore, #tpu.memory_space<semaphore_mem>> -> memref<1x!tpu.dma_semaphore, #tpu.memory_space<semaphore_mem>>
    %dma_wait3A_436 = tpu.memref_squeeze %dma_wait3A_435 : memref<1x!tpu.dma_semaphore, #tpu.memory_space<semaphore_mem>> -> memref<!tpu.dma_semaphore, #tpu.memory_space<semaphore_mem>>
    tpu.wait_indirect_dma semaphore(%dma_wait3A_436 : memref<!tpu.dma_semaphore, #tpu.memory_space<semaphore_mem>>) src(%dma_wait3A_434 : memref<100000x128xf32, #tpu.memory_space<hbm>>) dst(%dma_wait3A_428 : memref<32x128xf32, #tpu.memory_space<vmem>>)
    %scan3A_437 = arith.constant 0 : i32
    %scan3A_438 = arith.constant 0 : i32
    %scan3A_439 = arith.constant 32 : i32
    %scan3A_440 = arith.addi %scan3A_438, %scan3A_439 : i32
    %scan3A_441 = arith.constant 1 : i32
    scf.for %scan3A_706 = %scan3A_438 to %scan3A_440 step %scan3A_441  : i32 {
      %add3A_707 = arith.constant 0 : i32
      %add3A_708 = arith.addi %add3A_707, %scan3A_706 : i32
      %add3A_709 = arith.constant 0 : i32
      %add3A_710 = arith.addi %add3A_709, %scan3A_706 : i32
      %get3A = arith.constant 4 : i32
      %get3A_711 = arith.index_cast %get3A : i32 to index
      %get3A_712 = arith.index_cast %add3A_710 : i32 to index
      %get3A_713 = arith.constant 0 : index
      %get3A_714 = tpu.vector_load %arg7[%get3A_711, %get3A_712, %get3A_713] {strides = array<i32>} : memref<5x64x128xf32, #tpu.memory_space<vmem>>, vector<1x1x16xf32>,
      %get3A_715 = vector.shape_cast %get3A_714 : vector<1x1x16xf32> to vector<16xf32>
      %swap3A = arith.constant 2 : i32
      %swap3A_716 = arith.index_cast %swap3A : i32 to index
      %swap3A_717 = arith.index_cast %add3A_708 : i32 to index
      %swap3A_718 = arith.constant 0 : index
      %swap3A_719 = tpu.vector_load %arg7[%swap3A_716, %swap3A_717, %swap3A_718] {strides = array<i32>} : memref<5x64x128xf32, #tpu.memory_space<vmem>>, vector<1x1x16xf32>,
      %swap3A_720 = vector.shape_cast %swap3A_719 : vector<1x1x16xf32> to vector<16xf32>
      %swap3A_721 = vector.shape_cast %get3A_715 : vector<16xf32> to vector<1x1x16xf32>
      tpu.vector_store %arg7[%swap3A_716, %swap3A_717, %swap3A_718], %swap3A_721 {add = true, strides = array<i32>} : memref<5x64x128xf32, #tpu.memory_space<vmem>>, vector<1x1x16xf32>,
      %add3A_722 = arith.constant 0 : i32
      %add3A_723 = arith.addi %add3A_722, %scan3A_706 : i32
      %add3A_724 = arith.constant 0 : i32
      %add3A_725 = arith.addi %add3A_724, %scan3A_706 : i32
      %get3A_726 = arith.constant 4 : i32
      %get3A_727 = arith.index_cast %get3A_726 : i32 to index
      %get3A_728 = arith.index_cast %add3A_725 : i32 to index
      %get3A_729 = arith.constant 16 : index
      %get3A_730 = tpu.vector_load %arg7[%get3A_727, %get3A_728, %get3A_729] {strides = array<i32>} : memref<5x64x128xf32, #tpu.memory_space<vmem>>, vector<1x1x16xf32>,
      %get3A_731 = vector.shape_cast %get3A_730 : vector<1x1x16xf32> to vector<16xf32>
      %swap3A_732 = arith.constant 2 : i32
      %swap3A_733 = arith.index_cast %swap3A_732 : i32 to index
      %swap3A_734 = arith.index_cast %add3A_723 : i32 to index
      %swap3A_735 = arith.constant 16 : index
      %swap3A_736 = tpu.vector_load %arg7[%swap3A_733, %swap3A_734, %swap3A_735] {strides = array<i32>} : memref<5x64x128xf32, #tpu.memory_space<vmem>>, vector<1x1x16xf32>,
      %swap3A_737 = vector.shape_cast %swap3A_736 : vector<1x1x16xf32> to vector<16xf32>
      %swap3A_738 = vector.shape_cast %get3A_731 : vector<16xf32> to vector<1x1x16xf32>
      tpu.vector_store %arg7[%swap3A_733, %swap3A_734, %swap3A_735], %swap3A_738 {add = true, strides = array<i32>} : memref<5x64x128xf32, #tpu.memory_space<vmem>>, vector<1x1x16xf32>,
      %add3A_739 = arith.constant 0 : i32
      %add3A_740 = arith.addi %add3A_739, %scan3A_706 : i32
      %add3A_741 = arith.constant 0 : i32
      %add3A_742 = arith.addi %add3A_741, %scan3A_706 : i32
      %get3A_743 = arith.constant 4 : i32
      %get3A_744 = arith.index_cast %get3A_743 : i32 to index
      %get3A_745 = arith.index_cast %add3A_742 : i32 to index
      %get3A_746 = arith.constant 32 : index
      %get3A_747 = tpu.vector_load %arg7[%get3A_744, %get3A_745, %get3A_746] {strides = array<i32>} : memref<5x64x128xf32, #tpu.memory_space<vmem>>, vector<1x1x16xf32>,
      %get3A_748 = vector.shape_cast %get3A_747 : vector<1x1x16xf32> to vector<16xf32>
      %swap3A_749 = arith.constant 2 : i32
      %swap3A_750 = arith.index_cast %swap3A_749 : i32 to index
      %swap3A_751 = arith.index_cast %add3A_740 : i32 to index
      %swap3A_752 = arith.constant 32 : index
      %swap3A_753 = tpu.vector_load %arg7[%swap3A_750, %swap3A_751, %swap3A_752] {strides = array<i32>} : memref<5x64x128xf32, #tpu.memory_space<vmem>>, vector<1x1x16xf32>,
      %swap3A_754 = vector.shape_cast %swap3A_753 : vector<1x1x16xf32> to vector<16xf32>
      %swap3A_755 = vector.shape_cast %get3A_748 : vector<16xf32> to vector<1x1x16xf32>
      tpu.vector_store %arg7[%swap3A_750, %swap3A_751, %swap3A_752], %swap3A_755 {add = true, strides = array<i32>} : memref<5x64x128xf32, #tpu.memory_space<vmem>>, vector<1x1x16xf32>,
      %add3A_756 = arith.constant 0 : i32
      %add3A_757 = arith.addi %add3A_756, %scan3A_706 : i32
      %add3A_758 = arith.constant 0 : i32
      %add3A_759 = arith.addi %add3A_758, %scan3A_706 : i32
      %get3A_760 = arith.constant 4 : i32
      %get3A_761 = arith.index_cast %get3A_760 : i32 to index
      %get3A_762 = arith.index_cast %add3A_759 : i32 to index
      %get3A_763 = arith.constant 48 : index
      %get3A_764 = tpu.vector_load %arg7[%get3A_761, %get3A_762, %get3A_763] {strides = array<i32>} : memref<5x64x128xf32, #tpu.memory_space<vmem>>, vector<1x1x16xf32>,
      %get3A_765 = vector.shape_cast %get3A_764 : vector<1x1x16xf32> to vector<16xf32>
      %swap3A_766 = arith.constant 2 : i32
      %swap3A_767 = arith.index_cast %swap3A_766 : i32 to index
      %swap3A_768 = arith.index_cast %add3A_757 : i32 to index
      %swap3A_769 = arith.constant 48 : index
      %swap3A_770 = tpu.vector_load %arg7[%swap3A_767, %swap3A_768, %swap3A_769] {strides = array<i32>} : memref<5x64x128xf32, #tpu.memory_space<vmem>>, vector<1x1x16xf32>,
      %swap3A_771 = vector.shape_cast %swap3A_770 : vector<1x1x16xf32> to vector<16xf32>
      %swap3A_772 = vector.shape_cast %get3A_765 : vector<16xf32> to vector<1x1x16xf32>
      tpu.vector_store %arg7[%swap3A_767, %swap3A_768, %swap3A_769], %swap3A_772 {add = true, strides = array<i32>} : memref<5x64x128xf32, #tpu.memory_space<vmem>>, vector<1x1x16xf32>,
      %add3A_773 = arith.constant 0 : i32
      %add3A_774 = arith.addi %add3A_773, %scan3A_706 : i32
      %add3A_775 = arith.constant 0 : i32
      %add3A_776 = arith.addi %add3A_775, %scan3A_706 : i32
      %get3A_777 = arith.constant 4 : i32
      %get3A_778 = arith.index_cast %get3A_777 : i32 to index
      %get3A_779 = arith.index_cast %add3A_776 : i32 to index
      %get3A_780 = arith.constant 64 : index
      %get3A_781 = tpu.vector_load %arg7[%get3A_778, %get3A_779, %get3A_780] {strides = array<i32>} : memref<5x64x128xf32, #tpu.memory_space<vmem>>, vector<1x1x16xf32>,
      %get3A_782 = vector.shape_cast %get3A_781 : vector<1x1x16xf32> to vector<16xf32>
      %swap3A_783 = arith.constant 2 : i32
      %swap3A_784 = arith.index_cast %swap3A_783 : i32 to index
      %swap3A_785 = arith.index_cast %add3A_774 : i32 to index
      %swap3A_786 = arith.constant 64 : index
      %swap3A_787 = tpu.vector_load %arg7[%swap3A_784, %swap3A_785, %swap3A_786] {strides = array<i32>} : memref<5x64x128xf32, #tpu.memory_space<vmem>>, vector<1x1x16xf32>,
      %swap3A_788 = vector.shape_cast %swap3A_787 : vector<1x1x16xf32> to vector<16xf32>
      %swap3A_789 = vector.shape_cast %get3A_782 : vector<16xf32> to vector<1x1x16xf32>
      tpu.vector_store %arg7[%swap3A_784, %swap3A_785, %swap3A_786], %swap3A_789 {add = true, strides = array<i32>} : memref<5x64x128xf32, #tpu.memory_space<vmem>>, vector<1x1x16xf32>,
      %add3A_790 = arith.constant 0 : i32
      %add3A_791 = arith.addi %add3A_790, %scan3A_706 : i32
      %add3A_792 = arith.constant 0 : i32
      %add3A_793 = arith.addi %add3A_792, %scan3A_706 : i32
      %get3A_794 = arith.constant 4 : i32
      %get3A_795 = arith.index_cast %get3A_794 : i32 to index
      %get3A_796 = arith.index_cast %add3A_793 : i32 to index
      %get3A_797 = arith.constant 80 : index
      %get3A_798 = tpu.vector_load %arg7[%get3A_795, %get3A_796, %get3A_797] {strides = array<i32>} : memref<5x64x128xf32, #tpu.memory_space<vmem>>, vector<1x1x16xf32>,
      %get3A_799 = vector.shape_cast %get3A_798 : vector<1x1x16xf32> to vector<16xf32>
      %swap3A_800 = arith.constant 2 : i32
      %swap3A_801 = arith.index_cast %swap3A_800 : i32 to index
      %swap3A_802 = arith.index_cast %add3A_791 : i32 to index
      %swap3A_803 = arith.constant 80 : index
      %swap3A_804 = tpu.vector_load %arg7[%swap3A_801, %swap3A_802, %swap3A_803] {strides = array<i32>} : memref<5x64x128xf32, #tpu.memory_space<vmem>>, vector<1x1x16xf32>,
      %swap3A_805 = vector.shape_cast %swap3A_804 : vector<1x1x16xf32> to vector<16xf32>
      %swap3A_806 = vector.shape_cast %get3A_799 : vector<16xf32> to vector<1x1x16xf32>
      tpu.vector_store %arg7[%swap3A_801, %swap3A_802, %swap3A_803], %swap3A_806 {add = true, strides = array<i32>} : memref<5x64x128xf32, #tpu.memory_space<vmem>>, vector<1x1x16xf32>,
      %add3A_807 = arith.constant 0 : i32
      %add3A_808 = arith.addi %add3A_807, %scan3A_706 : i32
      %add3A_809 = arith.constant 0 : i32
      %add3A_810 = arith.addi %add3A_809, %scan3A_706 : i32
      %get3A_811 = arith.constant 4 : i32
      %get3A_812 = arith.index_cast %get3A_811 : i32 to index
      %get3A_813 = arith.index_cast %add3A_810 : i32 to index
      %get3A_814 = arith.constant 96 : index
      %get3A_815 = tpu.vector_load %arg7[%get3A_812, %get3A_813, %get3A_814] {strides = array<i32>} : memref<5x64x128xf32, #tpu.memory_space<vmem>>, vector<1x1x16xf32>,
      %get3A_816 = vector.shape_cast %get3A_815 : vector<1x1x16xf32> to vector<16xf32>
      %swap3A_817 = arith.constant 2 : i32
      %swap3A_818 = arith.index_cast %swap3A_817 : i32 to index
      %swap3A_819 = arith.index_cast %add3A_808 : i32 to index
      %swap3A_820 = arith.constant 96 : index
      %swap3A_821 = tpu.vector_load %arg7[%swap3A_818, %swap3A_819, %swap3A_820] {strides = array<i32>} : memref<5x64x128xf32, #tpu.memory_space<vmem>>, vector<1x1x16xf32>,
      %swap3A_822 = vector.shape_cast %swap3A_821 : vector<1x1x16xf32> to vector<16xf32>
      %swap3A_823 = vector.shape_cast %get3A_816 : vector<16xf32> to vector<1x1x16xf32>
      tpu.vector_store %arg7[%swap3A_818, %swap3A_819, %swap3A_820], %swap3A_823 {add = true, strides = array<i32>} : memref<5x64x128xf32, #tpu.memory_space<vmem>>, vector<1x1x16xf32>,
      %add3A_824 = arith.constant 0 : i32
      %add3A_825 = arith.addi %add3A_824, %scan3A_706 : i32
      %add3A_826 = arith.constant 0 : i32
      %add3A_827 = arith.addi %add3A_826, %scan3A_706 : i32
      %get3A_828 = arith.constant 4 : i32
      %get3A_829 = arith.index_cast %get3A_828 : i32 to index
      %get3A_830 = arith.index_cast %add3A_827 : i32 to index
      %get3A_831 = arith.constant 112 : index
      %get3A_832 = tpu.vector_load %arg7[%get3A_829, %get3A_830, %get3A_831] {strides = array<i32>} : memref<5x64x128xf32, #tpu.memory_space<vmem>>, vector<1x1x16xf32>,
      %get3A_833 = vector.shape_cast %get3A_832 : vector<1x1x16xf32> to vector<16xf32>
      %swap3A_834 = arith.constant 2 : i32
      %swap3A_835 = arith.index_cast %swap3A_834 : i32 to index
      %swap3A_836 = arith.index_cast %add3A_825 : i32 to index
      %swap3A_837 = arith.constant 112 : index
      %swap3A_838 = tpu.vector_load %arg7[%swap3A_835, %swap3A_836, %swap3A_837] {strides = array<i32>} : memref<5x64x128xf32, #tpu.memory_space<vmem>>, vector<1x1x16xf32>,
      %swap3A_839 = vector.shape_cast %swap3A_838 : vector<1x1x16xf32> to vector<16xf32>
      %swap3A_840 = vector.shape_cast %get3A_833 : vector<16xf32> to vector<1x1x16xf32>
      tpu.vector_store %arg7[%swap3A_835, %swap3A_836, %swap3A_837], %swap3A_840 {add = true, strides = array<i32>} : memref<5x64x128xf32, #tpu.memory_space<vmem>>, vector<1x1x16xf32>,
    }
    %scan3A_442 = arith.constant 32 : i32
    %add3A_443 = arith.constant 0 : i32
    %add3A_444 = arith.addi %mul3A_2, %add3A_443 : i32
    %dma_start3A_445 = arith.constant 2 : i32
    %dma_start3A_446 = arith.constant 2 : i32
    %dma_start3A_447 = arith.constant 0 : i32
    %dma_start3A_448 = arith.constant 0 : i32
    %dma_start3A_449 = tpu.memref_slice %arg7[%dma_start3A_445, %dma_start3A_447, %dma_start3A_448] : memref<5x64x128xf32, #tpu.memory_space<vmem>> -> memref<1x32x128xf32, #tpu.memory_space<vmem>>
    %dma_start3A_450 = tpu.memref_squeeze %dma_start3A_449 : memref<1x32x128xf32, #tpu.memory_space<vmem>> -> memref<32x128xf32, #tpu.memory_space<vmem>>
    %dma_start3A_451 = arith.constant 0 : i32
    %dma_start3A_452 = tpu.memref_slice %arg5[%dma_start3A_446, %add3A_444, %dma_start3A_451] : memref<4x2048x128xf32, #tpu.memory_space<hbm>> -> memref<1x32x128xf32, #tpu.memory_space<hbm>>
    %dma_start3A_453 = tpu.memref_squeeze %dma_start3A_452 : memref<1x32x128xf32, #tpu.memory_space<hbm>> -> memref<32x128xf32, #tpu.memory_space<hbm>>
    %dma_start3A_454 = arith.constant 0 : i32
    %dma_start3A_455 = tpu.memref_slice %arg5[%dma_start3A_446, %add3A_444, %dma_start3A_454] : memref<4x2048x128xf32, #tpu.memory_space<hbm>> -> memref<1x32x128xf32, #tpu.memory_space<hbm>>
    %dma_start3A_456 = tpu.memref_squeeze %dma_start3A_455 : memref<1x32x128xf32, #tpu.memory_space<hbm>> -> memref<32x128xf32, #tpu.memory_space<hbm>>
    %dma_start3A_457 = arith.constant 0 : i32
    %dma_start3A_458 = arith.constant 0 : i32
    %dma_start3A_459 = tpu.memref_slice %arg7[%dma_start3A_445, %dma_start3A_457, %dma_start3A_458] : memref<5x64x128xf32, #tpu.memory_space<vmem>> -> memref<1x32x128xf32, #tpu.memory_space<vmem>>
    %dma_start3A_460 = tpu.memref_squeeze %dma_start3A_459 : memref<1x32x128xf32, #tpu.memory_space<vmem>> -> memref<32x128xf32, #tpu.memory_space<vmem>>
    tpu.enqueue_dma source(%dma_start3A_460 : memref<32x128xf32, #tpu.memory_space<vmem>>) target(%dma_start3A_456 : memref<32x128xf32, #tpu.memory_space<hbm>>) target_semaphore(%arg10 : memref<!tpu.dma_semaphore, #tpu.memory_space<semaphore_mem>>)
    %dma_wait3A_461 = arith.constant 2 : i32
    %dma_wait3A_462 = arith.constant 2 : i32
    %dma_wait3A_463 = arith.constant 5 : i32
    %dma_wait3A_464 = arith.constant 32 : i32
    %dma_wait3A_465 = arith.constant 0 : i32
    %dma_wait3A_466 = tpu.memref_slice %arg7[%dma_wait3A_462, %dma_wait3A_464, %dma_wait3A_465] : memref<5x64x128xf32, #tpu.memory_space<vmem>> -> memref<1x32x128xf32, #tpu.memory_space<vmem>>
    %dma_wait3A_467 = tpu.memref_squeeze %dma_wait3A_466 : memref<1x32x128xf32, #tpu.memory_space<vmem>> -> memref<32x128xf32, #tpu.memory_space<vmem>>
    %dma_wait3A_468 = arith.constant 32 : i32
    %dma_wait3A_469 = tpu.memref_slice %arg6[%dma_wait3A_461, %dma_wait3A_468] : memref<4x64xi32, #tpu.memory_space<vmem>> -> memref<1x32xi32, #tpu.memory_space<vmem>>
    %dma_wait3A_470 = tpu.memref_squeeze %dma_wait3A_469 : memref<1x32xi32, #tpu.memory_space<vmem>> -> memref<32xi32, #tpu.memory_space<vmem>>
    %dma_wait3A_471 = arith.constant 0 : i32
    %dma_wait3A_472 = arith.constant 0 : i32
    %dma_wait3A_473 = tpu.memref_slice %arg3[%dma_wait3A_471, %dma_wait3A_472] : memref<100000x128xf32, #tpu.memory_space<hbm>> -> memref<100000x128xf32, #tpu.memory_space<hbm>>
    %dma_wait3A_474 = tpu.memref_slice %arg8[%dma_wait3A_463] : memref<8x!tpu.dma_semaphore, #tpu.memory_space<semaphore_mem>> -> memref<1x!tpu.dma_semaphore, #tpu.memory_space<semaphore_mem>>
    %dma_wait3A_475 = tpu.memref_squeeze %dma_wait3A_474 : memref<1x!tpu.dma_semaphore, #tpu.memory_space<semaphore_mem>> -> memref<!tpu.dma_semaphore, #tpu.memory_space<semaphore_mem>>
    tpu.wait_indirect_dma semaphore(%dma_wait3A_475 : memref<!tpu.dma_semaphore, #tpu.memory_space<semaphore_mem>>) src(%dma_wait3A_473 : memref<100000x128xf32, #tpu.memory_space<hbm>>) dst(%dma_wait3A_467 : memref<32x128xf32, #tpu.memory_space<vmem>>)
    %scan3A_476 = arith.constant 0 : i32
    %scan3A_477 = arith.constant 0 : i32
    %scan3A_478 = arith.constant 32 : i32
    %scan3A_479 = arith.addi %scan3A_477, %scan3A_478 : i32
    %scan3A_480 = arith.constant 1 : i32
    scf.for %scan3A_706 = %scan3A_477 to %scan3A_479 step %scan3A_480  : i32 {
      %add3A_707 = arith.constant 32 : i32
      %add3A_708 = arith.addi %add3A_707, %scan3A_706 : i32
      %add3A_709 = arith.constant 32 : i32
      %add3A_710 = arith.addi %add3A_709, %scan3A_706 : i32
      %get3A = arith.constant 4 : i32
      %get3A_711 = arith.index_cast %get3A : i32 to index
      %get3A_712 = arith.index_cast %add3A_710 : i32 to index
      %get3A_713 = arith.constant 0 : index
      %get3A_714 = tpu.vector_load %arg7[%get3A_711, %get3A_712, %get3A_713] {strides = array<i32>} : memref<5x64x128xf32, #tpu.memory_space<vmem>>, vector<1x1x16xf32>,
      %get3A_715 = vector.shape_cast %get3A_714 : vector<1x1x16xf32> to vector<16xf32>
      %swap3A = arith.constant 2 : i32
      %swap3A_716 = arith.index_cast %swap3A : i32 to index
      %swap3A_717 = arith.index_cast %add3A_708 : i32 to index
      %swap3A_718 = arith.constant 0 : index
      %swap3A_719 = tpu.vector_load %arg7[%swap3A_716, %swap3A_717, %swap3A_718] {strides = array<i32>} : memref<5x64x128xf32, #tpu.memory_space<vmem>>, vector<1x1x16xf32>,
      %swap3A_720 = vector.shape_cast %swap3A_719 : vector<1x1x16xf32> to vector<16xf32>
      %swap3A_721 = vector.shape_cast %get3A_715 : vector<16xf32> to vector<1x1x16xf32>
      tpu.vector_store %arg7[%swap3A_716, %swap3A_717, %swap3A_718], %swap3A_721 {add = true, strides = array<i32>} : memref<5x64x128xf32, #tpu.memory_space<vmem>>, vector<1x1x16xf32>,
      %add3A_722 = arith.constant 32 : i32
      %add3A_723 = arith.addi %add3A_722, %scan3A_706 : i32
      %add3A_724 = arith.constant 32 : i32
      %add3A_725 = arith.addi %add3A_724, %scan3A_706 : i32
      %get3A_726 = arith.constant 4 : i32
      %get3A_727 = arith.index_cast %get3A_726 : i32 to index
      %get3A_728 = arith.index_cast %add3A_725 : i32 to index
      %get3A_729 = arith.constant 16 : index
      %get3A_730 = tpu.vector_load %arg7[%get3A_727, %get3A_728, %get3A_729] {strides = array<i32>} : memref<5x64x128xf32, #tpu.memory_space<vmem>>, vector<1x1x16xf32>,
      %get3A_731 = vector.shape_cast %get3A_730 : vector<1x1x16xf32> to vector<16xf32>
      %swap3A_732 = arith.constant 2 : i32
      %swap3A_733 = arith.index_cast %swap3A_732 : i32 to index
      %swap3A_734 = arith.index_cast %add3A_723 : i32 to index
      %swap3A_735 = arith.constant 16 : index
      %swap3A_736 = tpu.vector_load %arg7[%swap3A_733, %swap3A_734, %swap3A_735] {strides = array<i32>} : memref<5x64x128xf32, #tpu.memory_space<vmem>>, vector<1x1x16xf32>,
      %swap3A_737 = vector.shape_cast %swap3A_736 : vector<1x1x16xf32> to vector<16xf32>
      %swap3A_738 = vector.shape_cast %get3A_731 : vector<16xf32> to vector<1x1x16xf32>
      tpu.vector_store %arg7[%swap3A_733, %swap3A_734, %swap3A_735], %swap3A_738 {add = true, strides = array<i32>} : memref<5x64x128xf32, #tpu.memory_space<vmem>>, vector<1x1x16xf32>,
      %add3A_739 = arith.constant 32 : i32
      %add3A_740 = arith.addi %add3A_739, %scan3A_706 : i32
      %add3A_741 = arith.constant 32 : i32
      %add3A_742 = arith.addi %add3A_741, %scan3A_706 : i32
      %get3A_743 = arith.constant 4 : i32
      %get3A_744 = arith.index_cast %get3A_743 : i32 to index
      %get3A_745 = arith.index_cast %add3A_742 : i32 to index
      %get3A_746 = arith.constant 32 : index
      %get3A_747 = tpu.vector_load %arg7[%get3A_744, %get3A_745, %get3A_746] {strides = array<i32>} : memref<5x64x128xf32, #tpu.memory_space<vmem>>, vector<1x1x16xf32>,
      %get3A_748 = vector.shape_cast %get3A_747 : vector<1x1x16xf32> to vector<16xf32>
      %swap3A_749 = arith.constant 2 : i32
      %swap3A_750 = arith.index_cast %swap3A_749 : i32 to index
      %swap3A_751 = arith.index_cast %add3A_740 : i32 to index
      %swap3A_752 = arith.constant 32 : index
      %swap3A_753 = tpu.vector_load %arg7[%swap3A_750, %swap3A_751, %swap3A_752] {strides = array<i32>} : memref<5x64x128xf32, #tpu.memory_space<vmem>>, vector<1x1x16xf32>,
      %swap3A_754 = vector.shape_cast %swap3A_753 : vector<1x1x16xf32> to vector<16xf32>
      %swap3A_755 = vector.shape_cast %get3A_748 : vector<16xf32> to vector<1x1x16xf32>
      tpu.vector_store %arg7[%swap3A_750, %swap3A_751, %swap3A_752], %swap3A_755 {add = true, strides = array<i32>} : memref<5x64x128xf32, #tpu.memory_space<vmem>>, vector<1x1x16xf32>,
      %add3A_756 = arith.constant 32 : i32
      %add3A_757 = arith.addi %add3A_756, %scan3A_706 : i32
      %add3A_758 = arith.constant 32 : i32
      %add3A_759 = arith.addi %add3A_758, %scan3A_706 : i32
      %get3A_760 = arith.constant 4 : i32
      %get3A_761 = arith.index_cast %get3A_760 : i32 to index
      %get3A_762 = arith.index_cast %add3A_759 : i32 to index
      %get3A_763 = arith.constant 48 : index
      %get3A_764 = tpu.vector_load %arg7[%get3A_761, %get3A_762, %get3A_763] {strides = array<i32>} : memref<5x64x128xf32, #tpu.memory_space<vmem>>, vector<1x1x16xf32>,
      %get3A_765 = vector.shape_cast %get3A_764 : vector<1x1x16xf32> to vector<16xf32>
      %swap3A_766 = arith.constant 2 : i32
      %swap3A_767 = arith.index_cast %swap3A_766 : i32 to index
      %swap3A_768 = arith.index_cast %add3A_757 : i32 to index
      %swap3A_769 = arith.constant 48 : index
      %swap3A_770 = tpu.vector_load %arg7[%swap3A_767, %swap3A_768, %swap3A_769] {strides = array<i32>} : memref<5x64x128xf32, #tpu.memory_space<vmem>>, vector<1x1x16xf32>,
      %swap3A_771 = vector.shape_cast %swap3A_770 : vector<1x1x16xf32> to vector<16xf32>
      %swap3A_772 = vector.shape_cast %get3A_765 : vector<16xf32> to vector<1x1x16xf32>
      tpu.vector_store %arg7[%swap3A_767, %swap3A_768, %swap3A_769], %swap3A_772 {add = true, strides = array<i32>} : memref<5x64x128xf32, #tpu.memory_space<vmem>>, vector<1x1x16xf32>,
      %add3A_773 = arith.constant 32 : i32
      %add3A_774 = arith.addi %add3A_773, %scan3A_706 : i32
      %add3A_775 = arith.constant 32 : i32
      %add3A_776 = arith.addi %add3A_775, %scan3A_706 : i32
      %get3A_777 = arith.constant 4 : i32
      %get3A_778 = arith.index_cast %get3A_777 : i32 to index
      %get3A_779 = arith.index_cast %add3A_776 : i32 to index
      %get3A_780 = arith.constant 64 : index
      %get3A_781 = tpu.vector_load %arg7[%get3A_778, %get3A_779, %get3A_780] {strides = array<i32>} : memref<5x64x128xf32, #tpu.memory_space<vmem>>, vector<1x1x16xf32>,
      %get3A_782 = vector.shape_cast %get3A_781 : vector<1x1x16xf32> to vector<16xf32>
      %swap3A_783 = arith.constant 2 : i32
      %swap3A_784 = arith.index_cast %swap3A_783 : i32 to index
      %swap3A_785 = arith.index_cast %add3A_774 : i32 to index
      %swap3A_786 = arith.constant 64 : index
      %swap3A_787 = tpu.vector_load %arg7[%swap3A_784, %swap3A_785, %swap3A_786] {strides = array<i32>} : memref<5x64x128xf32, #tpu.memory_space<vmem>>, vector<1x1x16xf32>,
      %swap3A_788 = vector.shape_cast %swap3A_787 : vector<1x1x16xf32> to vector<16xf32>
      %swap3A_789 = vector.shape_cast %get3A_782 : vector<16xf32> to vector<1x1x16xf32>
      tpu.vector_store %arg7[%swap3A_784, %swap3A_785, %swap3A_786], %swap3A_789 {add = true, strides = array<i32>} : memref<5x64x128xf32, #tpu.memory_space<vmem>>, vector<1x1x16xf32>,
      %add3A_790 = arith.constant 32 : i32
      %add3A_791 = arith.addi %add3A_790, %scan3A_706 : i32
      %add3A_792 = arith.constant 32 : i32
      %add3A_793 = arith.addi %add3A_792, %scan3A_706 : i32
      %get3A_794 = arith.constant 4 : i32
      %get3A_795 = arith.index_cast %get3A_794 : i32 to index
      %get3A_796 = arith.index_cast %add3A_793 : i32 to index
      %get3A_797 = arith.constant 80 : index
      %get3A_798 = tpu.vector_load %arg7[%get3A_795, %get3A_796, %get3A_797] {strides = array<i32>} : memref<5x64x128xf32, #tpu.memory_space<vmem>>, vector<1x1x16xf32>,
      %get3A_799 = vector.shape_cast %get3A_798 : vector<1x1x16xf32> to vector<16xf32>
      %swap3A_800 = arith.constant 2 : i32
      %swap3A_801 = arith.index_cast %swap3A_800 : i32 to index
      %swap3A_802 = arith.index_cast %add3A_791 : i32 to index
      %swap3A_803 = arith.constant 80 : index
      %swap3A_804 = tpu.vector_load %arg7[%swap3A_801, %swap3A_802, %swap3A_803] {strides = array<i32>} : memref<5x64x128xf32, #tpu.memory_space<vmem>>, vector<1x1x16xf32>,
      %swap3A_805 = vector.shape_cast %swap3A_804 : vector<1x1x16xf32> to vector<16xf32>
      %swap3A_806 = vector.shape_cast %get3A_799 : vector<16xf32> to vector<1x1x16xf32>
      tpu.vector_store %arg7[%swap3A_801, %swap3A_802, %swap3A_803], %swap3A_806 {add = true, strides = array<i32>} : memref<5x64x128xf32, #tpu.memory_space<vmem>>, vector<1x1x16xf32>,
      %add3A_807 = arith.constant 32 : i32
      %add3A_808 = arith.addi %add3A_807, %scan3A_706 : i32
      %add3A_809 = arith.constant 32 : i32
      %add3A_810 = arith.addi %add3A_809, %scan3A_706 : i32
      %get3A_811 = arith.constant 4 : i32
      %get3A_812 = arith.index_cast %get3A_811 : i32 to index
      %get3A_813 = arith.index_cast %add3A_810 : i32 to index
      %get3A_814 = arith.constant 96 : index
      %get3A_815 = tpu.vector_load %arg7[%get3A_812, %get3A_813, %get3A_814] {strides = array<i32>} : memref<5x64x128xf32, #tpu.memory_space<vmem>>, vector<1x1x16xf32>,
      %get3A_816 = vector.shape_cast %get3A_815 : vector<1x1x16xf32> to vector<16xf32>
      %swap3A_817 = arith.constant 2 : i32
      %swap3A_818 = arith.index_cast %swap3A_817 : i32 to index
      %swap3A_819 = arith.index_cast %add3A_808 : i32 to index
      %swap3A_820 = arith.constant 96 : index
      %swap3A_821 = tpu.vector_load %arg7[%swap3A_818, %swap3A_819, %swap3A_820] {strides = array<i32>} : memref<5x64x128xf32, #tpu.memory_space<vmem>>, vector<1x1x16xf32>,
      %swap3A_822 = vector.shape_cast %swap3A_821 : vector<1x1x16xf32> to vector<16xf32>
      %swap3A_823 = vector.shape_cast %get3A_816 : vector<16xf32> to vector<1x1x16xf32>
      tpu.vector_store %arg7[%swap3A_818, %swap3A_819, %swap3A_820], %swap3A_823 {add = true, strides = array<i32>} : memref<5x64x128xf32, #tpu.memory_space<vmem>>, vector<1x1x16xf32>,
      %add3A_824 = arith.constant 32 : i32
      %add3A_825 = arith.addi %add3A_824, %scan3A_706 : i32
      %add3A_826 = arith.constant 32 : i32
      %add3A_827 = arith.addi %add3A_826, %scan3A_706 : i32
      %get3A_828 = arith.constant 4 : i32
      %get3A_829 = arith.index_cast %get3A_828 : i32 to index
      %get3A_830 = arith.index_cast %add3A_827 : i32 to index
      %get3A_831 = arith.constant 112 : index
      %get3A_832 = tpu.vector_load %arg7[%get3A_829, %get3A_830, %get3A_831] {strides = array<i32>} : memref<5x64x128xf32, #tpu.memory_space<vmem>>, vector<1x1x16xf32>,
      %get3A_833 = vector.shape_cast %get3A_832 : vector<1x1x16xf32> to vector<16xf32>
      %swap3A_834 = arith.constant 2 : i32
      %swap3A_835 = arith.index_cast %swap3A_834 : i32 to index
      %swap3A_836 = arith.index_cast %add3A_825 : i32 to index
      %swap3A_837 = arith.constant 112 : index
      %swap3A_838 = tpu.vector_load %arg7[%swap3A_835, %swap3A_836, %swap3A_837] {strides = array<i32>} : memref<5x64x128xf32, #tpu.memory_space<vmem>>, vector<1x1x16xf32>,
      %swap3A_839 = vector.shape_cast %swap3A_838 : vector<1x1x16xf32> to vector<16xf32>
      %swap3A_840 = vector.shape_cast %get3A_833 : vector<16xf32> to vector<1x1x16xf32>
      tpu.vector_store %arg7[%swap3A_835, %swap3A_836, %swap3A_837], %swap3A_840 {add = true, strides = array<i32>} : memref<5x64x128xf32, #tpu.memory_space<vmem>>, vector<1x1x16xf32>,
    }
    %scan3A_481 = arith.constant 32 : i32
    %add3A_482 = arith.constant 32 : i32
    %add3A_483 = arith.addi %mul3A_2, %add3A_482 : i32
    %dma_start3A_484 = arith.constant 2 : i32
    %dma_start3A_485 = arith.constant 2 : i32
    %dma_start3A_486 = arith.constant 32 : i32
    %dma_start3A_487 = arith.constant 0 : i32
    %dma_start3A_488 = tpu.memref_slice %arg7[%dma_start3A_484, %dma_start3A_486, %dma_start3A_487] : memref<5x64x128xf32, #tpu.memory_space<vmem>> -> memref<1x32x128xf32, #tpu.memory_space<vmem>>
    %dma_start3A_489 = tpu.memref_squeeze %dma_start3A_488 : memref<1x32x128xf32, #tpu.memory_space<vmem>> -> memref<32x128xf32, #tpu.memory_space<vmem>>
    %dma_start3A_490 = arith.constant 0 : i32
    %dma_start3A_491 = tpu.memref_slice %arg5[%dma_start3A_485, %add3A_483, %dma_start3A_490] : memref<4x2048x128xf32, #tpu.memory_space<hbm>> -> memref<1x32x128xf32, #tpu.memory_space<hbm>>
    %dma_start3A_492 = tpu.memref_squeeze %dma_start3A_491 : memref<1x32x128xf32, #tpu.memory_space<hbm>> -> memref<32x128xf32, #tpu.memory_space<hbm>>
    %dma_start3A_493 = arith.constant 0 : i32
    %dma_start3A_494 = tpu.memref_slice %arg5[%dma_start3A_485, %add3A_483, %dma_start3A_493] : memref<4x2048x128xf32, #tpu.memory_space<hbm>> -> memref<1x32x128xf32, #tpu.memory_space<hbm>>
    %dma_start3A_495 = tpu.memref_squeeze %dma_start3A_494 : memref<1x32x128xf32, #tpu.memory_space<hbm>> -> memref<32x128xf32, #tpu.memory_space<hbm>>
    %dma_start3A_496 = arith.constant 32 : i32
    %dma_start3A_497 = arith.constant 0 : i32
    %dma_start3A_498 = tpu.memref_slice %arg7[%dma_start3A_484, %dma_start3A_496, %dma_start3A_497] : memref<5x64x128xf32, #tpu.memory_space<vmem>> -> memref<1x32x128xf32, #tpu.memory_space<vmem>>
    %dma_start3A_499 = tpu.memref_squeeze %dma_start3A_498 : memref<1x32x128xf32, #tpu.memory_space<vmem>> -> memref<32x128xf32, #tpu.memory_space<vmem>>
    tpu.enqueue_dma source(%dma_start3A_499 : memref<32x128xf32, #tpu.memory_space<vmem>>) target(%dma_start3A_495 : memref<32x128xf32, #tpu.memory_space<hbm>>) target_semaphore(%arg10 : memref<!tpu.dma_semaphore, #tpu.memory_space<semaphore_mem>>)
    %dma_wait3A_500 = arith.constant 3 : i32
    %dma_wait3A_501 = arith.constant 3 : i32
    %dma_wait3A_502 = arith.constant 6 : i32
    %dma_wait3A_503 = arith.constant 0 : i32
    %dma_wait3A_504 = arith.constant 0 : i32
    %dma_wait3A_505 = tpu.memref_slice %arg7[%dma_wait3A_501, %dma_wait3A_503, %dma_wait3A_504] : memref<5x64x128xf32, #tpu.memory_space<vmem>> -> memref<1x32x128xf32, #tpu.memory_space<vmem>>
    %dma_wait3A_506 = tpu.memref_squeeze %dma_wait3A_505 : memref<1x32x128xf32, #tpu.memory_space<vmem>> -> memref<32x128xf32, #tpu.memory_space<vmem>>
    %dma_wait3A_507 = arith.constant 0 : i32
    %dma_wait3A_508 = tpu.memref_slice %arg6[%dma_wait3A_500, %dma_wait3A_507] : memref<4x64xi32, #tpu.memory_space<vmem>> -> memref<1x32xi32, #tpu.memory_space<vmem>>
    %dma_wait3A_509 = tpu.memref_squeeze %dma_wait3A_508 : memref<1x32xi32, #tpu.memory_space<vmem>> -> memref<32xi32, #tpu.memory_space<vmem>>
    %dma_wait3A_510 = arith.constant 0 : i32
    %dma_wait3A_511 = arith.constant 0 : i32
    %dma_wait3A_512 = tpu.memref_slice %arg3[%dma_wait3A_510, %dma_wait3A_511] : memref<100000x128xf32, #tpu.memory_space<hbm>> -> memref<100000x128xf32, #tpu.memory_space<hbm>>
    %dma_wait3A_513 = tpu.memref_slice %arg8[%dma_wait3A_502] : memref<8x!tpu.dma_semaphore, #tpu.memory_space<semaphore_mem>> -> memref<1x!tpu.dma_semaphore, #tpu.memory_space<semaphore_mem>>
    %dma_wait3A_514 = tpu.memref_squeeze %dma_wait3A_513 : memref<1x!tpu.dma_semaphore, #tpu.memory_space<semaphore_mem>> -> memref<!tpu.dma_semaphore, #tpu.memory_space<semaphore_mem>>
    tpu.wait_indirect_dma semaphore(%dma_wait3A_514 : memref<!tpu.dma_semaphore, #tpu.memory_space<semaphore_mem>>) src(%dma_wait3A_512 : memref<100000x128xf32, #tpu.memory_space<hbm>>) dst(%dma_wait3A_506 : memref<32x128xf32, #tpu.memory_space<vmem>>)
    %scan3A_515 = arith.constant 0 : i32
    %scan3A_516 = arith.constant 0 : i32
    %scan3A_517 = arith.constant 32 : i32
    %scan3A_518 = arith.addi %scan3A_516, %scan3A_517 : i32
    %scan3A_519 = arith.constant 1 : i32
    scf.for %scan3A_706 = %scan3A_516 to %scan3A_518 step %scan3A_519  : i32 {
      %add3A_707 = arith.constant 0 : i32
      %add3A_708 = arith.addi %add3A_707, %scan3A_706 : i32
      %add3A_709 = arith.constant 0 : i32
      %add3A_710 = arith.addi %add3A_709, %scan3A_706 : i32
      %get3A = arith.constant 4 : i32
      %get3A_711 = arith.index_cast %get3A : i32 to index
      %get3A_712 = arith.index_cast %add3A_710 : i32 to index
      %get3A_713 = arith.constant 0 : index
      %get3A_714 = tpu.vector_load %arg7[%get3A_711, %get3A_712, %get3A_713] {strides = array<i32>} : memref<5x64x128xf32, #tpu.memory_space<vmem>>, vector<1x1x16xf32>,
      %get3A_715 = vector.shape_cast %get3A_714 : vector<1x1x16xf32> to vector<16xf32>
      %swap3A = arith.constant 3 : i32
      %swap3A_716 = arith.index_cast %swap3A : i32 to index
      %swap3A_717 = arith.index_cast %add3A_708 : i32 to index
      %swap3A_718 = arith.constant 0 : index
      %swap3A_719 = tpu.vector_load %arg7[%swap3A_716, %swap3A_717, %swap3A_718] {strides = array<i32>} : memref<5x64x128xf32, #tpu.memory_space<vmem>>, vector<1x1x16xf32>,
      %swap3A_720 = vector.shape_cast %swap3A_719 : vector<1x1x16xf32> to vector<16xf32>
      %swap3A_721 = vector.shape_cast %get3A_715 : vector<16xf32> to vector<1x1x16xf32>
      tpu.vector_store %arg7[%swap3A_716, %swap3A_717, %swap3A_718], %swap3A_721 {add = true, strides = array<i32>} : memref<5x64x128xf32, #tpu.memory_space<vmem>>, vector<1x1x16xf32>,
      %add3A_722 = arith.constant 0 : i32
      %add3A_723 = arith.addi %add3A_722, %scan3A_706 : i32
      %add3A_724 = arith.constant 0 : i32
      %add3A_725 = arith.addi %add3A_724, %scan3A_706 : i32
      %get3A_726 = arith.constant 4 : i32
      %get3A_727 = arith.index_cast %get3A_726 : i32 to index
      %get3A_728 = arith.index_cast %add3A_725 : i32 to index
      %get3A_729 = arith.constant 16 : index
      %get3A_730 = tpu.vector_load %arg7[%get3A_727, %get3A_728, %get3A_729] {strides = array<i32>} : memref<5x64x128xf32, #tpu.memory_space<vmem>>, vector<1x1x16xf32>,
      %get3A_731 = vector.shape_cast %get3A_730 : vector<1x1x16xf32> to vector<16xf32>
      %swap3A_732 = arith.constant 3 : i32
      %swap3A_733 = arith.index_cast %swap3A_732 : i32 to index
      %swap3A_734 = arith.index_cast %add3A_723 : i32 to index
      %swap3A_735 = arith.constant 16 : index
      %swap3A_736 = tpu.vector_load %arg7[%swap3A_733, %swap3A_734, %swap3A_735] {strides = array<i32>} : memref<5x64x128xf32, #tpu.memory_space<vmem>>, vector<1x1x16xf32>,
      %swap3A_737 = vector.shape_cast %swap3A_736 : vector<1x1x16xf32> to vector<16xf32>
      %swap3A_738 = vector.shape_cast %get3A_731 : vector<16xf32> to vector<1x1x16xf32>
      tpu.vector_store %arg7[%swap3A_733, %swap3A_734, %swap3A_735], %swap3A_738 {add = true, strides = array<i32>} : memref<5x64x128xf32, #tpu.memory_space<vmem>>, vector<1x1x16xf32>,
      %add3A_739 = arith.constant 0 : i32
      %add3A_740 = arith.addi %add3A_739, %scan3A_706 : i32
      %add3A_741 = arith.constant 0 : i32
      %add3A_742 = arith.addi %add3A_741, %scan3A_706 : i32
      %get3A_743 = arith.constant 4 : i32
      %get3A_744 = arith.index_cast %get3A_743 : i32 to index
      %get3A_745 = arith.index_cast %add3A_742 : i32 to index
      %get3A_746 = arith.constant 32 : index
      %get3A_747 = tpu.vector_load %arg7[%get3A_744, %get3A_745, %get3A_746] {strides = array<i32>} : memref<5x64x128xf32, #tpu.memory_space<vmem>>, vector<1x1x16xf32>,
      %get3A_748 = vector.shape_cast %get3A_747 : vector<1x1x16xf32> to vector<16xf32>
      %swap3A_749 = arith.constant 3 : i32
      %swap3A_750 = arith.index_cast %swap3A_749 : i32 to index
      %swap3A_751 = arith.index_cast %add3A_740 : i32 to index
      %swap3A_752 = arith.constant 32 : index
      %swap3A_753 = tpu.vector_load %arg7[%swap3A_750, %swap3A_751, %swap3A_752] {strides = array<i32>} : memref<5x64x128xf32, #tpu.memory_space<vmem>>, vector<1x1x16xf32>,
      %swap3A_754 = vector.shape_cast %swap3A_753 : vector<1x1x16xf32> to vector<16xf32>
      %swap3A_755 = vector.shape_cast %get3A_748 : vector<16xf32> to vector<1x1x16xf32>
      tpu.vector_store %arg7[%swap3A_750, %swap3A_751, %swap3A_752], %swap3A_755 {add = true, strides = array<i32>} : memref<5x64x128xf32, #tpu.memory_space<vmem>>, vector<1x1x16xf32>,
      %add3A_756 = arith.constant 0 : i32
      %add3A_757 = arith.addi %add3A_756, %scan3A_706 : i32
      %add3A_758 = arith.constant 0 : i32
      %add3A_759 = arith.addi %add3A_758, %scan3A_706 : i32
      %get3A_760 = arith.constant 4 : i32
      %get3A_761 = arith.index_cast %get3A_760 : i32 to index
      %get3A_762 = arith.index_cast %add3A_759 : i32 to index
      %get3A_763 = arith.constant 48 : index
      %get3A_764 = tpu.vector_load %arg7[%get3A_761, %get3A_762, %get3A_763] {strides = array<i32>} : memref<5x64x128xf32, #tpu.memory_space<vmem>>, vector<1x1x16xf32>,
      %get3A_765 = vector.shape_cast %get3A_764 : vector<1x1x16xf32> to vector<16xf32>
      %swap3A_766 = arith.constant 3 : i32
      %swap3A_767 = arith.index_cast %swap3A_766 : i32 to index
      %swap3A_768 = arith.index_cast %add3A_757 : i32 to index
      %swap3A_769 = arith.constant 48 : index
      %swap3A_770 = tpu.vector_load %arg7[%swap3A_767, %swap3A_768, %swap3A_769] {strides = array<i32>} : memref<5x64x128xf32, #tpu.memory_space<vmem>>, vector<1x1x16xf32>,
      %swap3A_771 = vector.shape_cast %swap3A_770 : vector<1x1x16xf32> to vector<16xf32>
      %swap3A_772 = vector.shape_cast %get3A_765 : vector<16xf32> to vector<1x1x16xf32>
      tpu.vector_store %arg7[%swap3A_767, %swap3A_768, %swap3A_769], %swap3A_772 {add = true, strides = array<i32>} : memref<5x64x128xf32, #tpu.memory_space<vmem>>, vector<1x1x16xf32>,
      %add3A_773 = arith.constant 0 : i32
      %add3A_774 = arith.addi %add3A_773, %scan3A_706 : i32
      %add3A_775 = arith.constant 0 : i32
      %add3A_776 = arith.addi %add3A_775, %scan3A_706 : i32
      %get3A_777 = arith.constant 4 : i32
      %get3A_778 = arith.index_cast %get3A_777 : i32 to index
      %get3A_779 = arith.index_cast %add3A_776 : i32 to index
      %get3A_780 = arith.constant 64 : index
      %get3A_781 = tpu.vector_load %arg7[%get3A_778, %get3A_779, %get3A_780] {strides = array<i32>} : memref<5x64x128xf32, #tpu.memory_space<vmem>>, vector<1x1x16xf32>,
      %get3A_782 = vector.shape_cast %get3A_781 : vector<1x1x16xf32> to vector<16xf32>
      %swap3A_783 = arith.constant 3 : i32
      %swap3A_784 = arith.index_cast %swap3A_783 : i32 to index
      %swap3A_785 = arith.index_cast %add3A_774 : i32 to index
      %swap3A_786 = arith.constant 64 : index
      %swap3A_787 = tpu.vector_load %arg7[%swap3A_784, %swap3A_785, %swap3A_786] {strides = array<i32>} : memref<5x64x128xf32, #tpu.memory_space<vmem>>, vector<1x1x16xf32>,
      %swap3A_788 = vector.shape_cast %swap3A_787 : vector<1x1x16xf32> to vector<16xf32>
      %swap3A_789 = vector.shape_cast %get3A_782 : vector<16xf32> to vector<1x1x16xf32>
      tpu.vector_store %arg7[%swap3A_784, %swap3A_785, %swap3A_786], %swap3A_789 {add = true, strides = array<i32>} : memref<5x64x128xf32, #tpu.memory_space<vmem>>, vector<1x1x16xf32>,
      %add3A_790 = arith.constant 0 : i32
      %add3A_791 = arith.addi %add3A_790, %scan3A_706 : i32
      %add3A_792 = arith.constant 0 : i32
      %add3A_793 = arith.addi %add3A_792, %scan3A_706 : i32
      %get3A_794 = arith.constant 4 : i32
      %get3A_795 = arith.index_cast %get3A_794 : i32 to index
      %get3A_796 = arith.index_cast %add3A_793 : i32 to index
      %get3A_797 = arith.constant 80 : index
      %get3A_798 = tpu.vector_load %arg7[%get3A_795, %get3A_796, %get3A_797] {strides = array<i32>} : memref<5x64x128xf32, #tpu.memory_space<vmem>>, vector<1x1x16xf32>,
      %get3A_799 = vector.shape_cast %get3A_798 : vector<1x1x16xf32> to vector<16xf32>
      %swap3A_800 = arith.constant 3 : i32
      %swap3A_801 = arith.index_cast %swap3A_800 : i32 to index
      %swap3A_802 = arith.index_cast %add3A_791 : i32 to index
      %swap3A_803 = arith.constant 80 : index
      %swap3A_804 = tpu.vector_load %arg7[%swap3A_801, %swap3A_802, %swap3A_803] {strides = array<i32>} : memref<5x64x128xf32, #tpu.memory_space<vmem>>, vector<1x1x16xf32>,
      %swap3A_805 = vector.shape_cast %swap3A_804 : vector<1x1x16xf32> to vector<16xf32>
      %swap3A_806 = vector.shape_cast %get3A_799 : vector<16xf32> to vector<1x1x16xf32>
      tpu.vector_store %arg7[%swap3A_801, %swap3A_802, %swap3A_803], %swap3A_806 {add = true, strides = array<i32>} : memref<5x64x128xf32, #tpu.memory_space<vmem>>, vector<1x1x16xf32>,
      %add3A_807 = arith.constant 0 : i32
      %add3A_808 = arith.addi %add3A_807, %scan3A_706 : i32
      %add3A_809 = arith.constant 0 : i32
      %add3A_810 = arith.addi %add3A_809, %scan3A_706 : i32
      %get3A_811 = arith.constant 4 : i32
      %get3A_812 = arith.index_cast %get3A_811 : i32 to index
      %get3A_813 = arith.index_cast %add3A_810 : i32 to index
      %get3A_814 = arith.constant 96 : index
      %get3A_815 = tpu.vector_load %arg7[%get3A_812, %get3A_813, %get3A_814] {strides = array<i32>} : memref<5x64x128xf32, #tpu.memory_space<vmem>>, vector<1x1x16xf32>,
      %get3A_816 = vector.shape_cast %get3A_815 : vector<1x1x16xf32> to vector<16xf32>
      %swap3A_817 = arith.constant 3 : i32
      %swap3A_818 = arith.index_cast %swap3A_817 : i32 to index
      %swap3A_819 = arith.index_cast %add3A_808 : i32 to index
      %swap3A_820 = arith.constant 96 : index
      %swap3A_821 = tpu.vector_load %arg7[%swap3A_818, %swap3A_819, %swap3A_820] {strides = array<i32>} : memref<5x64x128xf32, #tpu.memory_space<vmem>>, vector<1x1x16xf32>,
      %swap3A_822 = vector.shape_cast %swap3A_821 : vector<1x1x16xf32> to vector<16xf32>
      %swap3A_823 = vector.shape_cast %get3A_816 : vector<16xf32> to vector<1x1x16xf32>
      tpu.vector_store %arg7[%swap3A_818, %swap3A_819, %swap3A_820], %swap3A_823 {add = true, strides = array<i32>} : memref<5x64x128xf32, #tpu.memory_space<vmem>>, vector<1x1x16xf32>,
      %add3A_824 = arith.constant 0 : i32
      %add3A_825 = arith.addi %add3A_824, %scan3A_706 : i32
      %add3A_826 = arith.constant 0 : i32
      %add3A_827 = arith.addi %add3A_826, %scan3A_706 : i32
      %get3A_828 = arith.constant 4 : i32
      %get3A_829 = arith.index_cast %get3A_828 : i32 to index
      %get3A_830 = arith.index_cast %add3A_827 : i32 to index
      %get3A_831 = arith.constant 112 : index
      %get3A_832 = tpu.vector_load %arg7[%get3A_829, %get3A_830, %get3A_831] {strides = array<i32>} : memref<5x64x128xf32, #tpu.memory_space<vmem>>, vector<1x1x16xf32>,
      %get3A_833 = vector.shape_cast %get3A_832 : vector<1x1x16xf32> to vector<16xf32>
      %swap3A_834 = arith.constant 3 : i32
      %swap3A_835 = arith.index_cast %swap3A_834 : i32 to index
      %swap3A_836 = arith.index_cast %add3A_825 : i32 to index
      %swap3A_837 = arith.constant 112 : index
      %swap3A_838 = tpu.vector_load %arg7[%swap3A_835, %swap3A_836, %swap3A_837] {strides = array<i32>} : memref<5x64x128xf32, #tpu.memory_space<vmem>>, vector<1x1x16xf32>,
      %swap3A_839 = vector.shape_cast %swap3A_838 : vector<1x1x16xf32> to vector<16xf32>
      %swap3A_840 = vector.shape_cast %get3A_833 : vector<16xf32> to vector<1x1x16xf32>
      tpu.vector_store %arg7[%swap3A_835, %swap3A_836, %swap3A_837], %swap3A_840 {add = true, strides = array<i32>} : memref<5x64x128xf32, #tpu.memory_space<vmem>>, vector<1x1x16xf32>,
    }
    %scan3A_520 = arith.constant 32 : i32
    %add3A_521 = arith.constant 0 : i32
    %add3A_522 = arith.addi %mul3A_2, %add3A_521 : i32
    %dma_start3A_523 = arith.constant 3 : i32
    %dma_start3A_524 = arith.constant 3 : i32
    %dma_start3A_525 = arith.constant 0 : i32
    %dma_start3A_526 = arith.constant 0 : i32
    %dma_start3A_527 = tpu.memref_slice %arg7[%dma_start3A_523, %dma_start3A_525, %dma_start3A_526] : memref<5x64x128xf32, #tpu.memory_space<vmem>> -> memref<1x32x128xf32, #tpu.memory_space<vmem>>
    %dma_start3A_528 = tpu.memref_squeeze %dma_start3A_527 : memref<1x32x128xf32, #tpu.memory_space<vmem>> -> memref<32x128xf32, #tpu.memory_space<vmem>>
    %dma_start3A_529 = arith.constant 0 : i32
    %dma_start3A_530 = tpu.memref_slice %arg5[%dma_start3A_524, %add3A_522, %dma_start3A_529] : memref<4x2048x128xf32, #tpu.memory_space<hbm>> -> memref<1x32x128xf32, #tpu.memory_space<hbm>>
    %dma_start3A_531 = tpu.memref_squeeze %dma_start3A_530 : memref<1x32x128xf32, #tpu.memory_space<hbm>> -> memref<32x128xf32, #tpu.memory_space<hbm>>
    %dma_start3A_532 = arith.constant 0 : i32
    %dma_start3A_533 = tpu.memref_slice %arg5[%dma_start3A_524, %add3A_522, %dma_start3A_532] : memref<4x2048x128xf32, #tpu.memory_space<hbm>> -> memref<1x32x128xf32, #tpu.memory_space<hbm>>
    %dma_start3A_534 = tpu.memref_squeeze %dma_start3A_533 : memref<1x32x128xf32, #tpu.memory_space<hbm>> -> memref<32x128xf32, #tpu.memory_space<hbm>>
    %dma_start3A_535 = arith.constant 0 : i32
    %dma_start3A_536 = arith.constant 0 : i32
    %dma_start3A_537 = tpu.memref_slice %arg7[%dma_start3A_523, %dma_start3A_535, %dma_start3A_536] : memref<5x64x128xf32, #tpu.memory_space<vmem>> -> memref<1x32x128xf32, #tpu.memory_space<vmem>>
    %dma_start3A_538 = tpu.memref_squeeze %dma_start3A_537 : memref<1x32x128xf32, #tpu.memory_space<vmem>> -> memref<32x128xf32, #tpu.memory_space<vmem>>
    tpu.enqueue_dma source(%dma_start3A_538 : memref<32x128xf32, #tpu.memory_space<vmem>>) target(%dma_start3A_534 : memref<32x128xf32, #tpu.memory_space<hbm>>) target_semaphore(%arg10 : memref<!tpu.dma_semaphore, #tpu.memory_space<semaphore_mem>>)
    %dma_wait3A_539 = arith.constant 3 : i32
    %dma_wait3A_540 = arith.constant 3 : i32
    %dma_wait3A_541 = arith.constant 7 : i32
    %dma_wait3A_542 = arith.constant 32 : i32
    %dma_wait3A_543 = arith.constant 0 : i32
    %dma_wait3A_544 = tpu.memref_slice %arg7[%dma_wait3A_540, %dma_wait3A_542, %dma_wait3A_543] : memref<5x64x128xf32, #tpu.memory_space<vmem>> -> memref<1x32x128xf32, #tpu.memory_space<vmem>>
    %dma_wait3A_545 = tpu.memref_squeeze %dma_wait3A_544 : memref<1x32x128xf32, #tpu.memory_space<vmem>> -> memref<32x128xf32, #tpu.memory_space<vmem>>
    %dma_wait3A_546 = arith.constant 32 : i32
    %dma_wait3A_547 = tpu.memref_slice %arg6[%dma_wait3A_539, %dma_wait3A_546] : memref<4x64xi32, #tpu.memory_space<vmem>> -> memref<1x32xi32, #tpu.memory_space<vmem>>
    %dma_wait3A_548 = tpu.memref_squeeze %dma_wait3A_547 : memref<1x32xi32, #tpu.memory_space<vmem>> -> memref<32xi32, #tpu.memory_space<vmem>>
    %dma_wait3A_549 = arith.constant 0 : i32
    %dma_wait3A_550 = arith.constant 0 : i32
    %dma_wait3A_551 = tpu.memref_slice %arg3[%dma_wait3A_549, %dma_wait3A_550] : memref<100000x128xf32, #tpu.memory_space<hbm>> -> memref<100000x128xf32, #tpu.memory_space<hbm>>
    %dma_wait3A_552 = tpu.memref_slice %arg8[%dma_wait3A_541] : memref<8x!tpu.dma_semaphore, #tpu.memory_space<semaphore_mem>> -> memref<1x!tpu.dma_semaphore, #tpu.memory_space<semaphore_mem>>
    %dma_wait3A_553 = tpu.memref_squeeze %dma_wait3A_552 : memref<1x!tpu.dma_semaphore, #tpu.memory_space<semaphore_mem>> -> memref<!tpu.dma_semaphore, #tpu.memory_space<semaphore_mem>>
    tpu.wait_indirect_dma semaphore(%dma_wait3A_553 : memref<!tpu.dma_semaphore, #tpu.memory_space<semaphore_mem>>) src(%dma_wait3A_551 : memref<100000x128xf32, #tpu.memory_space<hbm>>) dst(%dma_wait3A_545 : memref<32x128xf32, #tpu.memory_space<vmem>>)
    %scan3A_554 = arith.constant 0 : i32
    %scan3A_555 = arith.constant 0 : i32
    %scan3A_556 = arith.constant 32 : i32
    %scan3A_557 = arith.addi %scan3A_555, %scan3A_556 : i32
    %scan3A_558 = arith.constant 1 : i32
    scf.for %scan3A_706 = %scan3A_555 to %scan3A_557 step %scan3A_558  : i32 {
      %add3A_707 = arith.constant 32 : i32
      %add3A_708 = arith.addi %add3A_707, %scan3A_706 : i32
      %add3A_709 = arith.constant 32 : i32
      %add3A_710 = arith.addi %add3A_709, %scan3A_706 : i32
      %get3A = arith.constant 4 : i32
      %get3A_711 = arith.index_cast %get3A : i32 to index
      %get3A_712 = arith.index_cast %add3A_710 : i32 to index
      %get3A_713 = arith.constant 0 : index
      %get3A_714 = tpu.vector_load %arg7[%get3A_711, %get3A_712, %get3A_713] {strides = array<i32>} : memref<5x64x128xf32, #tpu.memory_space<vmem>>, vector<1x1x16xf32>,
      %get3A_715 = vector.shape_cast %get3A_714 : vector<1x1x16xf32> to vector<16xf32>
      %swap3A = arith.constant 3 : i32
      %swap3A_716 = arith.index_cast %swap3A : i32 to index
      %swap3A_717 = arith.index_cast %add3A_708 : i32 to index
      %swap3A_718 = arith.constant 0 : index
      %swap3A_719 = tpu.vector_load %arg7[%swap3A_716, %swap3A_717, %swap3A_718] {strides = array<i32>} : memref<5x64x128xf32, #tpu.memory_space<vmem>>, vector<1x1x16xf32>,
      %swap3A_720 = vector.shape_cast %swap3A_719 : vector<1x1x16xf32> to vector<16xf32>
      %swap3A_721 = vector.shape_cast %get3A_715 : vector<16xf32> to vector<1x1x16xf32>
      tpu.vector_store %arg7[%swap3A_716, %swap3A_717, %swap3A_718], %swap3A_721 {add = true, strides = array<i32>} : memref<5x64x128xf32, #tpu.memory_space<vmem>>, vector<1x1x16xf32>,
      %add3A_722 = arith.constant 32 : i32
      %add3A_723 = arith.addi %add3A_722, %scan3A_706 : i32
      %add3A_724 = arith.constant 32 : i32
      %add3A_725 = arith.addi %add3A_724, %scan3A_706 : i32
      %get3A_726 = arith.constant 4 : i32
      %get3A_727 = arith.index_cast %get3A_726 : i32 to index
      %get3A_728 = arith.index_cast %add3A_725 : i32 to index
      %get3A_729 = arith.constant 16 : index
      %get3A_730 = tpu.vector_load %arg7[%get3A_727, %get3A_728, %get3A_729] {strides = array<i32>} : memref<5x64x128xf32, #tpu.memory_space<vmem>>, vector<1x1x16xf32>,
      %get3A_731 = vector.shape_cast %get3A_730 : vector<1x1x16xf32> to vector<16xf32>
      %swap3A_732 = arith.constant 3 : i32
      %swap3A_733 = arith.index_cast %swap3A_732 : i32 to index
      %swap3A_734 = arith.index_cast %add3A_723 : i32 to index
      %swap3A_735 = arith.constant 16 : index
      %swap3A_736 = tpu.vector_load %arg7[%swap3A_733, %swap3A_734, %swap3A_735] {strides = array<i32>} : memref<5x64x128xf32, #tpu.memory_space<vmem>>, vector<1x1x16xf32>,
      %swap3A_737 = vector.shape_cast %swap3A_736 : vector<1x1x16xf32> to vector<16xf32>
      %swap3A_738 = vector.shape_cast %get3A_731 : vector<16xf32> to vector<1x1x16xf32>
      tpu.vector_store %arg7[%swap3A_733, %swap3A_734, %swap3A_735], %swap3A_738 {add = true, strides = array<i32>} : memref<5x64x128xf32, #tpu.memory_space<vmem>>, vector<1x1x16xf32>,
      %add3A_739 = arith.constant 32 : i32
      %add3A_740 = arith.addi %add3A_739, %scan3A_706 : i32
      %add3A_741 = arith.constant 32 : i32
      %add3A_742 = arith.addi %add3A_741, %scan3A_706 : i32
      %get3A_743 = arith.constant 4 : i32
      %get3A_744 = arith.index_cast %get3A_743 : i32 to index
      %get3A_745 = arith.index_cast %add3A_742 : i32 to index
      %get3A_746 = arith.constant 32 : index
      %get3A_747 = tpu.vector_load %arg7[%get3A_744, %get3A_745, %get3A_746] {strides = array<i32>} : memref<5x64x128xf32, #tpu.memory_space<vmem>>, vector<1x1x16xf32>,
      %get3A_748 = vector.shape_cast %get3A_747 : vector<1x1x16xf32> to vector<16xf32>
      %swap3A_749 = arith.constant 3 : i32
      %swap3A_750 = arith.index_cast %swap3A_749 : i32 to index
      %swap3A_751 = arith.index_cast %add3A_740 : i32 to index
      %swap3A_752 = arith.constant 32 : index
      %swap3A_753 = tpu.vector_load %arg7[%swap3A_750, %swap3A_751, %swap3A_752] {strides = array<i32>} : memref<5x64x128xf32, #tpu.memory_space<vmem>>, vector<1x1x16xf32>,
      %swap3A_754 = vector.shape_cast %swap3A_753 : vector<1x1x16xf32> to vector<16xf32>
      %swap3A_755 = vector.shape_cast %get3A_748 : vector<16xf32> to vector<1x1x16xf32>
      tpu.vector_store %arg7[%swap3A_750, %swap3A_751, %swap3A_752], %swap3A_755 {add = true, strides = array<i32>} : memref<5x64x128xf32, #tpu.memory_space<vmem>>, vector<1x1x16xf32>,
      %add3A_756 = arith.constant 32 : i32
      %add3A_757 = arith.addi %add3A_756, %scan3A_706 : i32
      %add3A_758 = arith.constant 32 : i32
      %add3A_759 = arith.addi %add3A_758, %scan3A_706 : i32
      %get3A_760 = arith.constant 4 : i32
      %get3A_761 = arith.index_cast %get3A_760 : i32 to index
      %get3A_762 = arith.index_cast %add3A_759 : i32 to index
      %get3A_763 = arith.constant 48 : index
      %get3A_764 = tpu.vector_load %arg7[%get3A_761, %get3A_762, %get3A_763] {strides = array<i32>} : memref<5x64x128xf32, #tpu.memory_space<vmem>>, vector<1x1x16xf32>,
      %get3A_765 = vector.shape_cast %get3A_764 : vector<1x1x16xf32> to vector<16xf32>
      %swap3A_766 = arith.constant 3 : i32
      %swap3A_767 = arith.index_cast %swap3A_766 : i32 to index
      %swap3A_768 = arith.index_cast %add3A_757 : i32 to index
      %swap3A_769 = arith.constant 48 : index
      %swap3A_770 = tpu.vector_load %arg7[%swap3A_767, %swap3A_768, %swap3A_769] {strides = array<i32>} : memref<5x64x128xf32, #tpu.memory_space<vmem>>, vector<1x1x16xf32>,
      %swap3A_771 = vector.shape_cast %swap3A_770 : vector<1x1x16xf32> to vector<16xf32>
      %swap3A_772 = vector.shape_cast %get3A_765 : vector<16xf32> to vector<1x1x16xf32>
      tpu.vector_store %arg7[%swap3A_767, %swap3A_768, %swap3A_769], %swap3A_772 {add = true, strides = array<i32>} : memref<5x64x128xf32, #tpu.memory_space<vmem>>, vector<1x1x16xf32>,
      %add3A_773 = arith.constant 32 : i32
      %add3A_774 = arith.addi %add3A_773, %scan3A_706 : i32
      %add3A_775 = arith.constant 32 : i32
      %add3A_776 = arith.addi %add3A_775, %scan3A_706 : i32
      %get3A_777 = arith.constant 4 : i32
      %get3A_778 = arith.index_cast %get3A_777 : i32 to index
      %get3A_779 = arith.index_cast %add3A_776 : i32 to index
      %get3A_780 = arith.constant 64 : index
      %get3A_781 = tpu.vector_load %arg7[%get3A_778, %get3A_779, %get3A_780] {strides = array<i32>} : memref<5x64x128xf32, #tpu.memory_space<vmem>>, vector<1x1x16xf32>,
      %get3A_782 = vector.shape_cast %get3A_781 : vector<1x1x16xf32> to vector<16xf32>
      %swap3A_783 = arith.constant 3 : i32
      %swap3A_784 = arith.index_cast %swap3A_783 : i32 to index
      %swap3A_785 = arith.index_cast %add3A_774 : i32 to index
      %swap3A_786 = arith.constant 64 : index
      %swap3A_787 = tpu.vector_load %arg7[%swap3A_784, %swap3A_785, %swap3A_786] {strides = array<i32>} : memref<5x64x128xf32, #tpu.memory_space<vmem>>, vector<1x1x16xf32>,
      %swap3A_788 = vector.shape_cast %swap3A_787 : vector<1x1x16xf32> to vector<16xf32>
      %swap3A_789 = vector.shape_cast %get3A_782 : vector<16xf32> to vector<1x1x16xf32>
      tpu.vector_store %arg7[%swap3A_784, %swap3A_785, %swap3A_786], %swap3A_789 {add = true, strides = array<i32>} : memref<5x64x128xf32, #tpu.memory_space<vmem>>, vector<1x1x16xf32>,
      %add3A_790 = arith.constant 32 : i32
      %add3A_791 = arith.addi %add3A_790, %scan3A_706 : i32
      %add3A_792 = arith.constant 32 : i32
      %add3A_793 = arith.addi %add3A_792, %scan3A_706 : i32
      %get3A_794 = arith.constant 4 : i32
      %get3A_795 = arith.index_cast %get3A_794 : i32 to index
      %get3A_796 = arith.index_cast %add3A_793 : i32 to index
      %get3A_797 = arith.constant 80 : index
      %get3A_798 = tpu.vector_load %arg7[%get3A_795, %get3A_796, %get3A_797] {strides = array<i32>} : memref<5x64x128xf32, #tpu.memory_space<vmem>>, vector<1x1x16xf32>,
      %get3A_799 = vector.shape_cast %get3A_798 : vector<1x1x16xf32> to vector<16xf32>
      %swap3A_800 = arith.constant 3 : i32
      %swap3A_801 = arith.index_cast %swap3A_800 : i32 to index
      %swap3A_802 = arith.index_cast %add3A_791 : i32 to index
      %swap3A_803 = arith.constant 80 : index
      %swap3A_804 = tpu.vector_load %arg7[%swap3A_801, %swap3A_802, %swap3A_803] {strides = array<i32>} : memref<5x64x128xf32, #tpu.memory_space<vmem>>, vector<1x1x16xf32>,
      %swap3A_805 = vector.shape_cast %swap3A_804 : vector<1x1x16xf32> to vector<16xf32>
      %swap3A_806 = vector.shape_cast %get3A_799 : vector<16xf32> to vector<1x1x16xf32>
      tpu.vector_store %arg7[%swap3A_801, %swap3A_802, %swap3A_803], %swap3A_806 {add = true, strides = array<i32>} : memref<5x64x128xf32, #tpu.memory_space<vmem>>, vector<1x1x16xf32>,
      %add3A_807 = arith.constant 32 : i32
      %add3A_808 = arith.addi %add3A_807, %scan3A_706 : i32
      %add3A_809 = arith.constant 32 : i32
      %add3A_810 = arith.addi %add3A_809, %scan3A_706 : i32
      %get3A_811 = arith.constant 4 : i32
      %get3A_812 = arith.index_cast %get3A_811 : i32 to index
      %get3A_813 = arith.index_cast %add3A_810 : i32 to index
      %get3A_814 = arith.constant 96 : index
      %get3A_815 = tpu.vector_load %arg7[%get3A_812, %get3A_813, %get3A_814] {strides = array<i32>} : memref<5x64x128xf32, #tpu.memory_space<vmem>>, vector<1x1x16xf32>,
      %get3A_816 = vector.shape_cast %get3A_815 : vector<1x1x16xf32> to vector<16xf32>
      %swap3A_817 = arith.constant 3 : i32
      %swap3A_818 = arith.index_cast %swap3A_817 : i32 to index
      %swap3A_819 = arith.index_cast %add3A_808 : i32 to index
      %swap3A_820 = arith.constant 96 : index
      %swap3A_821 = tpu.vector_load %arg7[%swap3A_818, %swap3A_819, %swap3A_820] {strides = array<i32>} : memref<5x64x128xf32, #tpu.memory_space<vmem>>, vector<1x1x16xf32>,
      %swap3A_822 = vector.shape_cast %swap3A_821 : vector<1x1x16xf32> to vector<16xf32>
      %swap3A_823 = vector.shape_cast %get3A_816 : vector<16xf32> to vector<1x1x16xf32>
      tpu.vector_store %arg7[%swap3A_818, %swap3A_819, %swap3A_820], %swap3A_823 {add = true, strides = array<i32>} : memref<5x64x128xf32, #tpu.memory_space<vmem>>, vector<1x1x16xf32>,
      %add3A_824 = arith.constant 32 : i32
      %add3A_825 = arith.addi %add3A_824, %scan3A_706 : i32
      %add3A_826 = arith.constant 32 : i32
      %add3A_827 = arith.addi %add3A_826, %scan3A_706 : i32
      %get3A_828 = arith.constant 4 : i32
      %get3A_829 = arith.index_cast %get3A_828 : i32 to index
      %get3A_830 = arith.index_cast %add3A_827 : i32 to index
      %get3A_831 = arith.constant 112 : index
      %get3A_832 = tpu.vector_load %arg7[%get3A_829, %get3A_830, %get3A_831] {strides = array<i32>} : memref<5x64x128xf32, #tpu.memory_space<vmem>>, vector<1x1x16xf32>,
      %get3A_833 = vector.shape_cast %get3A_832 : vector<1x1x16xf32> to vector<16xf32>
      %swap3A_834 = arith.constant 3 : i32
      %swap3A_835 = arith.index_cast %swap3A_834 : i32 to index
      %swap3A_836 = arith.index_cast %add3A_825 : i32 to index
      %swap3A_837 = arith.constant 112 : index
      %swap3A_838 = tpu.vector_load %arg7[%swap3A_835, %swap3A_836, %swap3A_837] {strides = array<i32>} : memref<5x64x128xf32, #tpu.memory_space<vmem>>, vector<1x1x16xf32>,
      %swap3A_839 = vector.shape_cast %swap3A_838 : vector<1x1x16xf32> to vector<16xf32>
      %swap3A_840 = vector.shape_cast %get3A_833 : vector<16xf32> to vector<1x1x16xf32>
      tpu.vector_store %arg7[%swap3A_835, %swap3A_836, %swap3A_837], %swap3A_840 {add = true, strides = array<i32>} : memref<5x64x128xf32, #tpu.memory_space<vmem>>, vector<1x1x16xf32>,
    }
    %scan3A_559 = arith.constant 32 : i32
    %add3A_560 = arith.constant 32 : i32
    %add3A_561 = arith.addi %mul3A_2, %add3A_560 : i32
    %dma_start3A_562 = arith.constant 3 : i32
    %dma_start3A_563 = arith.constant 3 : i32
    %dma_start3A_564 = arith.constant 32 : i32
    %dma_start3A_565 = arith.constant 0 : i32
    %dma_start3A_566 = tpu.memref_slice %arg7[%dma_start3A_562, %dma_start3A_564, %dma_start3A_565] : memref<5x64x128xf32, #tpu.memory_space<vmem>> -> memref<1x32x128xf32, #tpu.memory_space<vmem>>
    %dma_start3A_567 = tpu.memref_squeeze %dma_start3A_566 : memref<1x32x128xf32, #tpu.memory_space<vmem>> -> memref<32x128xf32, #tpu.memory_space<vmem>>
    %dma_start3A_568 = arith.constant 0 : i32
    %dma_start3A_569 = tpu.memref_slice %arg5[%dma_start3A_563, %add3A_561, %dma_start3A_568] : memref<4x2048x128xf32, #tpu.memory_space<hbm>> -> memref<1x32x128xf32, #tpu.memory_space<hbm>>
    %dma_start3A_570 = tpu.memref_squeeze %dma_start3A_569 : memref<1x32x128xf32, #tpu.memory_space<hbm>> -> memref<32x128xf32, #tpu.memory_space<hbm>>
    %dma_start3A_571 = arith.constant 0 : i32
    %dma_start3A_572 = tpu.memref_slice %arg5[%dma_start3A_563, %add3A_561, %dma_start3A_571] : memref<4x2048x128xf32, #tpu.memory_space<hbm>> -> memref<1x32x128xf32, #tpu.memory_space<hbm>>
    %dma_start3A_573 = tpu.memref_squeeze %dma_start3A_572 : memref<1x32x128xf32, #tpu.memory_space<hbm>> -> memref<32x128xf32, #tpu.memory_space<hbm>>
    %dma_start3A_574 = arith.constant 32 : i32
    %dma_start3A_575 = arith.constant 0 : i32
    %dma_start3A_576 = tpu.memref_slice %arg7[%dma_start3A_562, %dma_start3A_574, %dma_start3A_575] : memref<5x64x128xf32, #tpu.memory_space<vmem>> -> memref<1x32x128xf32, #tpu.memory_space<vmem>>
    %dma_start3A_577 = tpu.memref_squeeze %dma_start3A_576 : memref<1x32x128xf32, #tpu.memory_space<vmem>> -> memref<32x128xf32, #tpu.memory_space<vmem>>
    tpu.enqueue_dma source(%dma_start3A_577 : memref<32x128xf32, #tpu.memory_space<vmem>>) target(%dma_start3A_573 : memref<32x128xf32, #tpu.memory_space<hbm>>) target_semaphore(%arg10 : memref<!tpu.dma_semaphore, #tpu.memory_space<semaphore_mem>>)
    %dma_wait3A_578 = arith.constant 0 : i32
    %dma_wait3A_579 = arith.constant 0 : i32
    %dma_wait3A_580 = arith.constant 0 : i32
    %dma_wait3A_581 = arith.constant 0 : i32
    %dma_wait3A_582 = tpu.memref_slice %arg7[%dma_wait3A_578, %dma_wait3A_580, %dma_wait3A_581] : memref<5x64x128xf32, #tpu.memory_space<vmem>> -> memref<1x32x128xf32, #tpu.memory_space<vmem>>
    %dma_wait3A_583 = tpu.memref_squeeze %dma_wait3A_582 : memref<1x32x128xf32, #tpu.memory_space<vmem>> -> memref<32x128xf32, #tpu.memory_space<vmem>>
    %dma_wait3A_584 = arith.constant 0 : i32
    %dma_wait3A_585 = tpu.memref_slice %arg5[%dma_wait3A_579, %add3A_288, %dma_wait3A_584] : memref<4x2048x128xf32, #tpu.memory_space<hbm>> -> memref<1x32x128xf32, #tpu.memory_space<hbm>>
    %dma_wait3A_586 = tpu.memref_squeeze %dma_wait3A_585 : memref<1x32x128xf32, #tpu.memory_space<hbm>> -> memref<32x128xf32, #tpu.memory_space<hbm>>
    %dma_wait3A_587 = arith.constant 0 : i32
    %dma_wait3A_588 = tpu.memref_slice %arg5[%dma_wait3A_579, %add3A_288, %dma_wait3A_587] : memref<4x2048x128xf32, #tpu.memory_space<hbm>> -> memref<1x32x128xf32, #tpu.memory_space<hbm>>
    %dma_wait3A_589 = tpu.memref_squeeze %dma_wait3A_588 : memref<1x32x128xf32, #tpu.memory_space<hbm>> -> memref<32x128xf32, #tpu.memory_space<hbm>>
    %dma_wait3A_590 = arith.constant 0 : i32
    %dma_wait3A_591 = arith.constant 0 : i32
    %dma_wait3A_592 = tpu.memref_slice %arg7[%dma_wait3A_578, %dma_wait3A_590, %dma_wait3A_591] : memref<5x64x128xf32, #tpu.memory_space<vmem>> -> memref<1x32x128xf32, #tpu.memory_space<vmem>>
    %dma_wait3A_593 = tpu.memref_squeeze %dma_wait3A_592 : memref<1x32x128xf32, #tpu.memory_space<vmem>> -> memref<32x128xf32, #tpu.memory_space<vmem>>
    tpu.wait_dma2 semaphore(%arg10 : memref<!tpu.dma_semaphore, #tpu.memory_space<semaphore_mem>>) src(%dma_wait3A_593 : memref<32x128xf32, #tpu.memory_space<vmem>>) dst(%dma_wait3A_589 : memref<32x128xf32, #tpu.memory_space<hbm>>)
    %dma_wait3A_594 = arith.constant 0 : i32
    %dma_wait3A_595 = arith.constant 0 : i32
    %dma_wait3A_596 = arith.constant 32 : i32
    %dma_wait3A_597 = arith.constant 0 : i32
    %dma_wait3A_598 = tpu.memref_slice %arg7[%dma_wait3A_594, %dma_wait3A_596, %dma_wait3A_597] : memref<5x64x128xf32, #tpu.memory_space<vmem>> -> memref<1x32x128xf32, #tpu.memory_space<vmem>>
    %dma_wait3A_599 = tpu.memref_squeeze %dma_wait3A_598 : memref<1x32x128xf32, #tpu.memory_space<vmem>> -> memref<32x128xf32, #tpu.memory_space<vmem>>
    %dma_wait3A_600 = arith.constant 0 : i32
    %dma_wait3A_601 = tpu.memref_slice %arg5[%dma_wait3A_595, %add3A_327, %dma_wait3A_600] : memref<4x2048x128xf32, #tpu.memory_space<hbm>> -> memref<1x32x128xf32, #tpu.memory_space<hbm>>
    %dma_wait3A_602 = tpu.memref_squeeze %dma_wait3A_601 : memref<1x32x128xf32, #tpu.memory_space<hbm>> -> memref<32x128xf32, #tpu.memory_space<hbm>>
    %dma_wait3A_603 = arith.constant 0 : i32
    %dma_wait3A_604 = tpu.memref_slice %arg5[%dma_wait3A_595, %add3A_327, %dma_wait3A_603] : memref<4x2048x128xf32, #tpu.memory_space<hbm>> -> memref<1x32x128xf32, #tpu.memory_space<hbm>>
    %dma_wait3A_605 = tpu.memref_squeeze %dma_wait3A_604 : memref<1x32x128xf32, #tpu.memory_space<hbm>> -> memref<32x128xf32, #tpu.memory_space<hbm>>
    %dma_wait3A_606 = arith.constant 32 : i32
    %dma_wait3A_607 = arith.constant 0 : i32
    %dma_wait3A_608 = tpu.memref_slice %arg7[%dma_wait3A_594, %dma_wait3A_606, %dma_wait3A_607] : memref<5x64x128xf32, #tpu.memory_space<vmem>> -> memref<1x32x128xf32, #tpu.memory_space<vmem>>
    %dma_wait3A_609 = tpu.memref_squeeze %dma_wait3A_608 : memref<1x32x128xf32, #tpu.memory_space<vmem>> -> memref<32x128xf32, #tpu.memory_space<vmem>>
    tpu.wait_dma2 semaphore(%arg10 : memref<!tpu.dma_semaphore, #tpu.memory_space<semaphore_mem>>) src(%dma_wait3A_609 : memref<32x128xf32, #tpu.memory_space<vmem>>) dst(%dma_wait3A_605 : memref<32x128xf32, #tpu.memory_space<hbm>>)
    %dma_wait3A_610 = arith.constant 1 : i32
    %dma_wait3A_611 = arith.constant 1 : i32
    %dma_wait3A_612 = arith.constant 0 : i32
    %dma_wait3A_613 = arith.constant 0 : i32
    %dma_wait3A_614 = tpu.memref_slice %arg7[%dma_wait3A_610, %dma_wait3A_612, %dma_wait3A_613] : memref<5x64x128xf32, #tpu.memory_space<vmem>> -> memref<1x32x128xf32, #tpu.memory_space<vmem>>
    %dma_wait3A_615 = tpu.memref_squeeze %dma_wait3A_614 : memref<1x32x128xf32, #tpu.memory_space<vmem>> -> memref<32x128xf32, #tpu.memory_space<vmem>>
    %dma_wait3A_616 = arith.constant 0 : i32
    %dma_wait3A_617 = tpu.memref_slice %arg5[%dma_wait3A_611, %add3A_366, %dma_wait3A_616] : memref<4x2048x128xf32, #tpu.memory_space<hbm>> -> memref<1x32x128xf32, #tpu.memory_space<hbm>>
    %dma_wait3A_618 = tpu.memref_squeeze %dma_wait3A_617 : memref<1x32x128xf32, #tpu.memory_space<hbm>> -> memref<32x128xf32, #tpu.memory_space<hbm>>
    %dma_wait3A_619 = arith.constant 0 : i32
    %dma_wait3A_620 = tpu.memref_slice %arg5[%dma_wait3A_611, %add3A_366, %dma_wait3A_619] : memref<4x2048x128xf32, #tpu.memory_space<hbm>> -> memref<1x32x128xf32, #tpu.memory_space<hbm>>
    %dma_wait3A_621 = tpu.memref_squeeze %dma_wait3A_620 : memref<1x32x128xf32, #tpu.memory_space<hbm>> -> memref<32x128xf32, #tpu.memory_space<hbm>>
    %dma_wait3A_622 = arith.constant 0 : i32
    %dma_wait3A_623 = arith.constant 0 : i32
    %dma_wait3A_624 = tpu.memref_slice %arg7[%dma_wait3A_610, %dma_wait3A_622, %dma_wait3A_623] : memref<5x64x128xf32, #tpu.memory_space<vmem>> -> memref<1x32x128xf32, #tpu.memory_space<vmem>>
    %dma_wait3A_625 = tpu.memref_squeeze %dma_wait3A_624 : memref<1x32x128xf32, #tpu.memory_space<vmem>> -> memref<32x128xf32, #tpu.memory_space<vmem>>
    tpu.wait_dma2 semaphore(%arg10 : memref<!tpu.dma_semaphore, #tpu.memory_space<semaphore_mem>>) src(%dma_wait3A_625 : memref<32x128xf32, #tpu.memory_space<vmem>>) dst(%dma_wait3A_621 : memref<32x128xf32, #tpu.memory_space<hbm>>)
    %dma_wait3A_626 = arith.constant 1 : i32
    %dma_wait3A_627 = arith.constant 1 : i32
    %dma_wait3A_628 = arith.constant 32 : i32
    %dma_wait3A_629 = arith.constant 0 : i32
    %dma_wait3A_630 = tpu.memref_slice %arg7[%dma_wait3A_626, %dma_wait3A_628, %dma_wait3A_629] : memref<5x64x128xf32, #tpu.memory_space<vmem>> -> memref<1x32x128xf32, #tpu.memory_space<vmem>>
    %dma_wait3A_631 = tpu.memref_squeeze %dma_wait3A_630 : memref<1x32x128xf32, #tpu.memory_space<vmem>> -> memref<32x128xf32, #tpu.memory_space<vmem>>
    %dma_wait3A_632 = arith.constant 0 : i32
    %dma_wait3A_633 = tpu.memref_slice %arg5[%dma_wait3A_627, %add3A_405, %dma_wait3A_632] : memref<4x2048x128xf32, #tpu.memory_space<hbm>> -> memref<1x32x128xf32, #tpu.memory_space<hbm>>
    %dma_wait3A_634 = tpu.memref_squeeze %dma_wait3A_633 : memref<1x32x128xf32, #tpu.memory_space<hbm>> -> memref<32x128xf32, #tpu.memory_space<hbm>>
    %dma_wait3A_635 = arith.constant 0 : i32
    %dma_wait3A_636 = tpu.memref_slice %arg5[%dma_wait3A_627, %add3A_405, %dma_wait3A_635] : memref<4x2048x128xf32, #tpu.memory_space<hbm>> -> memref<1x32x128xf32, #tpu.memory_space<hbm>>
    %dma_wait3A_637 = tpu.memref_squeeze %dma_wait3A_636 : memref<1x32x128xf32, #tpu.memory_space<hbm>> -> memref<32x128xf32, #tpu.memory_space<hbm>>
    %dma_wait3A_638 = arith.constant 32 : i32
    %dma_wait3A_639 = arith.constant 0 : i32
    %dma_wait3A_640 = tpu.memref_slice %arg7[%dma_wait3A_626, %dma_wait3A_638, %dma_wait3A_639] : memref<5x64x128xf32, #tpu.memory_space<vmem>> -> memref<1x32x128xf32, #tpu.memory_space<vmem>>
    %dma_wait3A_641 = tpu.memref_squeeze %dma_wait3A_640 : memref<1x32x128xf32, #tpu.memory_space<vmem>> -> memref<32x128xf32, #tpu.memory_space<vmem>>
    tpu.wait_dma2 semaphore(%arg10 : memref<!tpu.dma_semaphore, #tpu.memory_space<semaphore_mem>>) src(%dma_wait3A_641 : memref<32x128xf32, #tpu.memory_space<vmem>>) dst(%dma_wait3A_637 : memref<32x128xf32, #tpu.memory_space<hbm>>)
    %dma_wait3A_642 = arith.constant 2 : i32
    %dma_wait3A_643 = arith.constant 2 : i32
    %dma_wait3A_644 = arith.constant 0 : i32
    %dma_wait3A_645 = arith.constant 0 : i32
    %dma_wait3A_646 = tpu.memref_slice %arg7[%dma_wait3A_642, %dma_wait3A_644, %dma_wait3A_645] : memref<5x64x128xf32, #tpu.memory_space<vmem>> -> memref<1x32x128xf32, #tpu.memory_space<vmem>>
    %dma_wait3A_647 = tpu.memref_squeeze %dma_wait3A_646 : memref<1x32x128xf32, #tpu.memory_space<vmem>> -> memref<32x128xf32, #tpu.memory_space<vmem>>
    %dma_wait3A_648 = arith.constant 0 : i32
    %dma_wait3A_649 = tpu.memref_slice %arg5[%dma_wait3A_643, %add3A_444, %dma_wait3A_648] : memref<4x2048x128xf32, #tpu.memory_space<hbm>> -> memref<1x32x128xf32, #tpu.memory_space<hbm>>
    %dma_wait3A_650 = tpu.memref_squeeze %dma_wait3A_649 : memref<1x32x128xf32, #tpu.memory_space<hbm>> -> memref<32x128xf32, #tpu.memory_space<hbm>>
    %dma_wait3A_651 = arith.constant 0 : i32
    %dma_wait3A_652 = tpu.memref_slice %arg5[%dma_wait3A_643, %add3A_444, %dma_wait3A_651] : memref<4x2048x128xf32, #tpu.memory_space<hbm>> -> memref<1x32x128xf32, #tpu.memory_space<hbm>>
    %dma_wait3A_653 = tpu.memref_squeeze %dma_wait3A_652 : memref<1x32x128xf32, #tpu.memory_space<hbm>> -> memref<32x128xf32, #tpu.memory_space<hbm>>
    %dma_wait3A_654 = arith.constant 0 : i32
    %dma_wait3A_655 = arith.constant 0 : i32
    %dma_wait3A_656 = tpu.memref_slice %arg7[%dma_wait3A_642, %dma_wait3A_654, %dma_wait3A_655] : memref<5x64x128xf32, #tpu.memory_space<vmem>> -> memref<1x32x128xf32, #tpu.memory_space<vmem>>
    %dma_wait3A_657 = tpu.memref_squeeze %dma_wait3A_656 : memref<1x32x128xf32, #tpu.memory_space<vmem>> -> memref<32x128xf32, #tpu.memory_space<vmem>>
    tpu.wait_dma2 semaphore(%arg10 : memref<!tpu.dma_semaphore, #tpu.memory_space<semaphore_mem>>) src(%dma_wait3A_657 : memref<32x128xf32, #tpu.memory_space<vmem>>) dst(%dma_wait3A_653 : memref<32x128xf32, #tpu.memory_space<hbm>>)
    %dma_wait3A_658 = arith.constant 2 : i32
    %dma_wait3A_659 = arith.constant 2 : i32
    %dma_wait3A_660 = arith.constant 32 : i32
    %dma_wait3A_661 = arith.constant 0 : i32
    %dma_wait3A_662 = tpu.memref_slice %arg7[%dma_wait3A_658, %dma_wait3A_660, %dma_wait3A_661] : memref<5x64x128xf32, #tpu.memory_space<vmem>> -> memref<1x32x128xf32, #tpu.memory_space<vmem>>
    %dma_wait3A_663 = tpu.memref_squeeze %dma_wait3A_662 : memref<1x32x128xf32, #tpu.memory_space<vmem>> -> memref<32x128xf32, #tpu.memory_space<vmem>>
    %dma_wait3A_664 = arith.constant 0 : i32
    %dma_wait3A_665 = tpu.memref_slice %arg5[%dma_wait3A_659, %add3A_483, %dma_wait3A_664] : memref<4x2048x128xf32, #tpu.memory_space<hbm>> -> memref<1x32x128xf32, #tpu.memory_space<hbm>>
    %dma_wait3A_666 = tpu.memref_squeeze %dma_wait3A_665 : memref<1x32x128xf32, #tpu.memory_space<hbm>> -> memref<32x128xf32, #tpu.memory_space<hbm>>
    %dma_wait3A_667 = arith.constant 0 : i32
    %dma_wait3A_668 = tpu.memref_slice %arg5[%dma_wait3A_659, %add3A_483, %dma_wait3A_667] : memref<4x2048x128xf32, #tpu.memory_space<hbm>> -> memref<1x32x128xf32, #tpu.memory_space<hbm>>
    %dma_wait3A_669 = tpu.memref_squeeze %dma_wait3A_668 : memref<1x32x128xf32, #tpu.memory_space<hbm>> -> memref<32x128xf32, #tpu.memory_space<hbm>>
    %dma_wait3A_670 = arith.constant 32 : i32
    %dma_wait3A_671 = arith.constant 0 : i32
    %dma_wait3A_672 = tpu.memref_slice %arg7[%dma_wait3A_658, %dma_wait3A_670, %dma_wait3A_671] : memref<5x64x128xf32, #tpu.memory_space<vmem>> -> memref<1x32x128xf32, #tpu.memory_space<vmem>>
    %dma_wait3A_673 = tpu.memref_squeeze %dma_wait3A_672 : memref<1x32x128xf32, #tpu.memory_space<vmem>> -> memref<32x128xf32, #tpu.memory_space<vmem>>
    tpu.wait_dma2 semaphore(%arg10 : memref<!tpu.dma_semaphore, #tpu.memory_space<semaphore_mem>>) src(%dma_wait3A_673 : memref<32x128xf32, #tpu.memory_space<vmem>>) dst(%dma_wait3A_669 : memref<32x128xf32, #tpu.memory_space<hbm>>)
    %dma_wait3A_674 = arith.constant 3 : i32
    %dma_wait3A_675 = arith.constant 3 : i32
    %dma_wait3A_676 = arith.constant 0 : i32
    %dma_wait3A_677 = arith.constant 0 : i32
    %dma_wait3A_678 = tpu.memref_slice %arg7[%dma_wait3A_674, %dma_wait3A_676, %dma_wait3A_677] : memref<5x64x128xf32, #tpu.memory_space<vmem>> -> memref<1x32x128xf32, #tpu.memory_space<vmem>>
    %dma_wait3A_679 = tpu.memref_squeeze %dma_wait3A_678 : memref<1x32x128xf32, #tpu.memory_space<vmem>> -> memref<32x128xf32, #tpu.memory_space<vmem>>
    %dma_wait3A_680 = arith.constant 0 : i32
    %dma_wait3A_681 = tpu.memref_slice %arg5[%dma_wait3A_675, %add3A_522, %dma_wait3A_680] : memref<4x2048x128xf32, #tpu.memory_space<hbm>> -> memref<1x32x128xf32, #tpu.memory_space<hbm>>
    %dma_wait3A_682 = tpu.memref_squeeze %dma_wait3A_681 : memref<1x32x128xf32, #tpu.memory_space<hbm>> -> memref<32x128xf32, #tpu.memory_space<hbm>>
    %dma_wait3A_683 = arith.constant 0 : i32
    %dma_wait3A_684 = tpu.memref_slice %arg5[%dma_wait3A_675, %add3A_522, %dma_wait3A_683] : memref<4x2048x128xf32, #tpu.memory_space<hbm>> -> memref<1x32x128xf32, #tpu.memory_space<hbm>>
    %dma_wait3A_685 = tpu.memref_squeeze %dma_wait3A_684 : memref<1x32x128xf32, #tpu.memory_space<hbm>> -> memref<32x128xf32, #tpu.memory_space<hbm>>
    %dma_wait3A_686 = arith.constant 0 : i32
    %dma_wait3A_687 = arith.constant 0 : i32
    %dma_wait3A_688 = tpu.memref_slice %arg7[%dma_wait3A_674, %dma_wait3A_686, %dma_wait3A_687] : memref<5x64x128xf32, #tpu.memory_space<vmem>> -> memref<1x32x128xf32, #tpu.memory_space<vmem>>
    %dma_wait3A_689 = tpu.memref_squeeze %dma_wait3A_688 : memref<1x32x128xf32, #tpu.memory_space<vmem>> -> memref<32x128xf32, #tpu.memory_space<vmem>>
    tpu.wait_dma2 semaphore(%arg10 : memref<!tpu.dma_semaphore, #tpu.memory_space<semaphore_mem>>) src(%dma_wait3A_689 : memref<32x128xf32, #tpu.memory_space<vmem>>) dst(%dma_wait3A_685 : memref<32x128xf32, #tpu.memory_space<hbm>>)
    %dma_wait3A_690 = arith.constant 3 : i32
    %dma_wait3A_691 = arith.constant 3 : i32
    %dma_wait3A_692 = arith.constant 32 : i32
    %dma_wait3A_693 = arith.constant 0 : i32
    %dma_wait3A_694 = tpu.memref_slice %arg7[%dma_wait3A_690, %dma_wait3A_692, %dma_wait3A_693] : memref<5x64x128xf32, #tpu.memory_space<vmem>> -> memref<1x32x128xf32, #tpu.memory_space<vmem>>
    %dma_wait3A_695 = tpu.memref_squeeze %dma_wait3A_694 : memref<1x32x128xf32, #tpu.memory_space<vmem>> -> memref<32x128xf32, #tpu.memory_space<vmem>>
    %dma_wait3A_696 = arith.constant 0 : i32
    %dma_wait3A_697 = tpu.memref_slice %arg5[%dma_wait3A_691, %add3A_561, %dma_wait3A_696] : memref<4x2048x128xf32, #tpu.memory_space<hbm>> -> memref<1x32x128xf32, #tpu.memory_space<hbm>>
    %dma_wait3A_698 = tpu.memref_squeeze %dma_wait3A_697 : memref<1x32x128xf32, #tpu.memory_space<hbm>> -> memref<32x128xf32, #tpu.memory_space<hbm>>
    %dma_wait3A_699 = arith.constant 0 : i32
    %dma_wait3A_700 = tpu.memref_slice %arg5[%dma_wait3A_691, %add3A_561, %dma_wait3A_699] : memref<4x2048x128xf32, #tpu.memory_space<hbm>> -> memref<1x32x128xf32, #tpu.memory_space<hbm>>
    %dma_wait3A_701 = tpu.memref_squeeze %dma_wait3A_700 : memref<1x32x128xf32, #tpu.memory_space<hbm>> -> memref<32x128xf32, #tpu.memory_space<hbm>>
    %dma_wait3A_702 = arith.constant 32 : i32
    %dma_wait3A_703 = arith.constant 0 : i32
    %dma_wait3A_704 = tpu.memref_slice %arg7[%dma_wait3A_690, %dma_wait3A_702, %dma_wait3A_703] : memref<5x64x128xf32, #tpu.memory_space<vmem>> -> memref<1x32x128xf32, #tpu.memory_space<vmem>>
    %dma_wait3A_705 = tpu.memref_squeeze %dma_wait3A_704 : memref<1x32x128xf32, #tpu.memory_space<vmem>> -> memref<32x128xf32, #tpu.memory_space<vmem>>
    tpu.wait_dma2 semaphore(%arg10 : memref<!tpu.dma_semaphore, #tpu.memory_space<semaphore_mem>>) src(%dma_wait3A_705 : memref<32x128xf32, #tpu.memory_space<vmem>>) dst(%dma_wait3A_701 : memref<32x128xf32, #tpu.memory_space<hbm>>)
    return
  }
}

</mosaic_0001>

<sc_bundles>
// kernel: _emb.3.cloned.1.call-start
scs
__scs_entry_jumppad:
0x0: {  	(pc) =	sbr.rel $0x88, $3  }
0x1: {  	(tag) =	ssettag $0x0;
	lr =	simm.s32 $0x1  }
0x2: {  	[smem:$0x3F9E] =	sst lr;
	_ =	strace $0xD0000000  }
0x3: {  	_ = 	snop  }
0x4: {  	_ = 	snop  }
0x5: {  	_ = 	snop  }
0x6: {  	_ = 	snop  }
0x7: {  	_ = 	snop  }
__scs_overlays_trampoline_lowered:
0x8: {  	[smem:$0x3FAD] =	sst s0  }
0x9: {  	[smem:$0x3FAE] =	sst s1  }
0xa: {  	[smem:$0x3FAF] =	sst s2  }
0xb: {  	[smem:$0x3FB0] =	sst s3  }
0xc: {  	[smem:$0x3FB1] =	sst s4  }
0xd: {  	[smem:$0x3FB2] =	sst s5  }
0xe: {  	[smem:$0x3FB3] =	sst s6  }
0xf: {  	[smem:$0x3FB4] =	sst s7  }
0x10: {  	[smem:$0x3FB5] =	sst s8  }
0x11: {  	[smem:$0x3FB6] =	sst s9;
	s0 =	simm.s32 @!p0 $0x0  }
0x12: {  	s1 =	sld [smem:$0x3F9C];
	s0 =	simm.s32 @p0 $0x1  }
0x13: {  	[smem:$0x3FB7] =	sst s0;
	s0 =	simm.s32 @!p1 $0x0  }
0x14: {  	s2 =	sld [smem:$0x3F9B];
	s0 =	simm.s32 @p1 $0x1  }
0x15: {  	[smem:$0x3FB8] =	sst s0;
	s0 =	simm.s32 @!p2 $0x0  }
0x16: {  	s3 =	sld [smem:$0x3FDB];
	s0 =	simm.s32 @p2 $0x1  }
0x17: {  	s4 =	simm.s32 $0x1BF5;
	[smem:$0x3FBA] =	sst s0  }
0x18: {  	s0 =	sld [smem:$0x3F9D];
	_ =	swait.ge [sflag:s4], $0x0  }
0x19: {  	s7 =	sld [smem:$0x3F9E]  }
0x1a: {  	s8 =	sadd.s32 $0xFFFFE003, lr  }
0x1b: {  	s9 =	sadd.s32 $0xFFFFFEF7, lr;
	s5 =	simm.s32 $0xFFFFFFFF;
	p2 =	slt.u32 s8, $0xFFFFF086  }
0x1c: {  	p1 =	slt.u32 s9, $0xF7A;
	s5 =	simm.s32 @!p2 $0x0  }
0x1d: {  	s5 =	simm.s32 @p1 $0x1;
	p0 =	seq.s32 s7, s2  }
0x1e: {  	s7 =	smul.u32 @!p0 $0xF7A, s2;
	p2 =	seq.s32 @!p0 s5, $0x0  }
0x1f: {  	s9 =	smul.u32 $0xF7A, s1;
	s8 =	simm.s32 @!p0 $0x1BF5;
	p2 =	por !p2, p0  }
0x20: {  	[sflag:s8] =	ssyncset.s32 @!p0 $0xFFFFF086;
	s6 =	sadd.s32 @!p0 s3, s7;
	s7 =	simm.s32 @!p0 $0x108  }
0x21: {  	s3 =	sadd.s32 s3, s9;
	s6 =	sadd.s32 @!p0 $0x88, s6;
	s7 =	simm.s32 @p2 $0x1082  }
0x22: {  	[simem:s7], [sflag:s8] =	dma.local @!p0 [hbm:s6], $0xF7A  }
0x23: {  	s9 =	sor.u32 $0xD0000000, s2;
	s6 =	simm.s32 $0x108;
	_ =	swait.ge @!p0 [sflag:s8], $0x0  }
0x24: {  	s3 =	sadd.s32 $0x88, s3;
	s6 =	simm.s32 @!p1 $0x1082;
	[sflag:s4] =	ssyncset.s32 $0xFFFFF086  }
0x25: {  	[simem:s6], [sflag:s4] =	dma.local [hbm:s3], $0xF7A  }
0x26: {  	[smem:$0x3F9E] =	sst s1;
	(tag) =	ssettag s2;
	_ =	strace s9  }
0x27: {  	s1 =	sld [smem:$0x3FAE]  }
0x28: {  	s2 =	sld [smem:$0x3FAF]  }
0x29: {  	s4 =	sld [smem:$0x3FB1]  }
0x2a: {  	p0 =	seq.s32 s5, $0x0;
	s5 =	sld [smem:$0x3FB2]  }
0x2b: {  	s6 =	sld [smem:$0x3FB3]  }
0x2c: {  	s7 =	sld [smem:$0x3FB4]  }
0x2d: {  	s3 =	simm.s32 $0x108;
	s8 =	sld [smem:$0x3FB5]  }
0x2e: {  	s3 =	simm.s32 @!p0 $0x1082;
	s9 =	sld [smem:$0x3FB6]  }
0x2f: {  	lr =	sadd.s32 s0, s3;
	s0 =	sld [smem:$0x3FAD]  }
0x30: {  	s3 =	sld [smem:$0x3FB0]  }
0x31: {  	[smem:$0x3FB9] =	sst s10  }
0x32: {  	s10 =	sld [smem:$0x3FB7];
	_ =	sdelay $0x3  }
0x33: {  	p0 =	seq.s32 s10, $0x1;
	s10 =	sld [smem:$0x3FB9];
	_ =	sdelay $0x3  }
0x34: {  	[smem:$0x3FB9] =	sst s10  }
0x35: {  	s10 =	sld [smem:$0x3FB8];
	_ =	sdelay $0x3  }
0x36: {  	p1 =	seq.s32 s10, $0x1;
	s10 =	sld [smem:$0x3FB9];
	_ =	sdelay $0x3  }
0x37: {  	[smem:$0x3FB9] =	sst s10  }
0x38: {  	s10 =	sld [smem:$0x3FBA]  }
0x39: {  	_ = 	snop;
	(pc) =	sbr.ind lr, $3  }
0x3a: {  	_ = 	snop  }
0x3b: {  	_ = 	snop  }
0x3c: {  	p2 =	seq.s32 s10, $0x1;
	s10 =	sld [smem:$0x3FB9]  }
0x3d: {  	_ =	shalt  }
0x3e: {  	_ =	shalt  }
0x3f: {  	_ =	shalt  }
0x40: {  	_ =	shalt  }
0x41: {  	_ =	shalt  }
0x42: {  	_ =	shalt  }
0x43: {  	_ =	shalt  }
0x44: {  	_ =	shalt  }
0x45: {  	_ =	shalt  }
0x46: {  	_ =	shalt  }
0x47: {  	_ =	shalt  }
0x48: {  	_ =	shalt  }
0x49: {  	_ =	shalt  }
0x4a: {  	_ =	shalt  }
0x4b: {  	_ =	shalt  }
0x4c: {  	_ =	shalt  }
0x4d: {  	_ =	shalt  }
0x4e: {  	_ =	shalt  }
0x4f: {  	_ =	shalt  }
0x50: {  	_ =	shalt  }
0x51: {  	_ =	shalt  }
0x52: {  	_ =	shalt  }
0x53: {  	_ =	shalt  }
0x54: {  	_ =	shalt  }
0x55: {  	_ =	shalt  }
0x56: {  	_ =	shalt  }
0x57: {  	_ =	shalt  }
0x58: {  	_ =	shalt  }
0x59: {  	_ =	shalt  }
0x5a: {  	_ =	shalt  }
0x5b: {  	_ =	shalt  }
0x5c: {  	_ =	shalt  }
0x5d: {  	_ =	shalt  }
0x5e: {  	_ =	shalt  }
0x5f: {  	_ =	shalt  }
0x60: {  	_ =	shalt  }
0x61: {  	_ =	shalt  }
0x62: {  	_ =	shalt  }
0x63: {  	_ =	shalt  }
0x64: {  	_ =	shalt  }
0x65: {  	_ =	shalt  }
0x66: {  	_ =	shalt  }
0x67: {  	_ =	shalt  }
0x68: {  	_ =	shalt  }
0x69: {  	_ =	shalt  }
0x6a: {  	_ =	shalt  }
0x6b: {  	_ =	shalt  }
0x6c: {  	_ =	shalt  }
0x6d: {  	_ =	shalt  }
0x6e: {  	_ =	shalt  }
0x6f: {  	_ =	shalt  }
0x70: {  	_ =	shalt  }
0x71: {  	_ =	shalt  }
0x72: {  	_ =	shalt  }
0x73: {  	_ =	shalt  }
0x74: {  	_ =	shalt  }
0x75: {  	_ =	shalt  }
0x76: {  	_ =	shalt  }
0x77: {  	_ =	shalt  }
0x78: {  	_ =	shalt  }
0x79: {  	_ =	shalt  }
0x7a: {  	_ =	shalt  }
0x7b: {  	_ =	shalt  }
0x7c: {  	_ =	shalt  }
0x7d: {  	_ =	shalt  }
0x7e: {  	_ =	shalt  }
0x7f: {  	_ =	shalt  }
0x80: {  	_ =	shalt  }
0x81: {  	_ =	shalt  }
0x82: {  	_ =	shalt  }
0x83: {  	_ =	shalt  }
0x84: {  	_ =	shalt  }
0x85: {  	_ =	shalt  }
0x86: {  	_ =	shalt  }
0x87: {  	_ =	shalt  }
.Lfunc_end0:
.L_simem_size_0:
called_computation_lowered:
.L_overlay_start_0:
0x88: {  	s2 =	sld [smem:$0x3FD9]  }
0x89: {  	s3 =	sld [smem:$0x3FFE];
	_ =	sdelay $0x1  }
0x8a: {  	s1 =	srdreg.scid  }
0x8b: {  	s0 =	sand.u32 $0x1, s1  }
0x8c: {  	s18 =	sshll.u32 s0, $0xA;
	s2 =	sadd.s32 s3, s2  }
0x8d: {  	s2 =	sadd.s32 s2, s18  }
0x8e: {  	[smem:$0x3FC5] =	sst s2  }
0x8f: {  	_ = 	snop  }
0x90: {  	s2 =	sld [smem:$0x3FC9]  }
0x91: {  	s19 =	sld [smem:$0x3FC8]  }
0x92: {  	s4 =	sld [smem:$0x3FC7]  }
0x93: {  	s5 =	sld [smem:$0x3FD0];
	(tm) =	ssettm $0x1  }
0x94: {  	s6 =	sld [smem:$0x3FFB];
	_ =	sdelay $0x3  }
0x95: {  	_ =	strace s6  }
0x96: {  	s6 =	sld [smem:$0x3FFC];
	_ =	sdelay $0x3  }
0x97: {  	_ =	strace s6  }
0x98: {  	s6 =	sld [smem:$0x3FFD];
	_ =	sdelay $0x3  }
0x99: {  	_ =	strace s6  }
0x9a: {  	_ =	strace $0x8FFFFFFF  }
0x9b: {  	s20 =	sld [smem:$0x3FDB];
	_ =	sdelay $0x1  }
0x9c: {  	s7 =	simm.s32 $_scs_section_size  }
0x9d: {  	s8 =	simm.s32 $_size__tile_overlayer_lowered;
	s9 =	simm.s32 $_tile_overlayer_lowered  }
0x9e: {  	s23 =	simm.s32 $0x1BFF;
	s22 =	sshll.u32 s9, $0x1;
	s6 =	sadd.s32 s7, s20  }
0x9f: {  	s10 =	simm.s32 $0x0;
	s21 =	sshll.u32 s8, $0x1;
	s8 =	sadd.s32 s22, s6  }
0xa0: {  	[timem:s10], [sflag:s23] =	dma.local [hbm:s8], s21  }
0xa1: {  	_ =	swait.ge [sflag:s23], s21  }
0xa2: {  	s7 =	ssub.s32 $0x0, s21;
	[sflag:s23] =	ssyncset.done $0x0  }
0xa3: {  	[sflag:s23] =	ssyncadd.s32 s7;
	_ =	sdelay $0x1  }
0xa4: {  	s24 =	simm.s32 $0x1B8B  }
0xa5: {  	_ =	swait.ge [sflag:s24], $0x1  }
0xa6: {  	[sflag:s24] =	ssyncset.done $0x0  }
0xa7: {  	s25 =	simm.s32 $0x1B8E;
	[sflag:s24] =	ssyncadd.s32 $0xFFFFFFFF  }
0xa8: {  	s26 =	simm.s32 $execute0_lowered;
	[smem:$0x3FD2] =	sst s25  }
0xa9: {  	s7 =	sshll.u32 s26, $0x1;
	_ =	strace $0x80000046;
	[dreg:$0x1] =	wrdreg $0xFFFFFFFF  }
0xaa: {  	s28 =	simm.s32 $_size_execute0_lowered;
	s6 =	sadd.s32 s6, s7;
	[dreg:$0x0] =	wrdreg $0x0  }
0xab: {  	s7 =	sshll.u32 s28, $0x1;
	[dreg:$0x2] =	wrdreg s6  }
0xac: {  	[dreg:$0x3] =	wrdreg s7  }
0xad: {  	[dreg:$0x4] =	wrdreg $0xC0  }
0xae: {  	_ =	task [dreg:s10], $0x5FFFF  }
0xaf: {  	[dreg:$0x1] =	wrdreg $0xFFFFFFFF  }
0xb0: {  	[dreg:$0x0] =	wrdreg $0x60  }
0xb1: {  	[dreg:$0x2] =	wrdreg s2  }
0xb2: {  	[dreg:$0x3] =	wrdreg s19  }
0xb3: {  	[dreg:$0x4] =	wrdreg s4  }
0xb4: {  	[dreg:$0x5] =	wrdreg s5  }
0xb5: {  	[dreg:$0x6] =	wrdreg $0x9  }
0xb6: {  	_ =	task.clear_ibuf [dreg:s10], $0x7FFFF;
	_ =	strace $0x90000046  }
0xb7: {  	s29 =	simm.s32 $0x9;
	_ =	strace $0x80000048  }
0xb8: {  	_ =	swait.ge [sflag:s29], $0x1  }
0xb9: {  	[sflag:s29] =	ssyncadd.s32 $0xFFFFFFFF  }
0xba: {  	_ =	strace $0x90000048  }
0xbb: {  	_ =	sfence  }
0xbc: {  	s30 =	sld [smem:$0x0];
	_ =	sdelay $0x2  }
0xbd: {  	s31 =	sshll.u32 s1, $0xD;
	s1 =	sshrl.u32 s1, $0x2  }
0xbe: {  	s3 =	sand.u32 $0x4000, s31;
	s1 =	sadd.s32 s1, s30  }
0xbf: {  	s0 =	sor.u32 s3, s0;
	s1 =	sshll.u32 s1, $0x11  }
0xc0: {  	s0 =	sor.u32 s1, s0  }
0xc1: {  	s0 =	sadd.s32 $0x8F2B, s0  }
0xc2: {  	[sflag:s0] =	ssyncadd.remote.s32 $0x1  }
0xc3: {  	_ =	sfence.sel $0xFFFF  }
0xc4: {  	[dreg:$0x0] =	wrdreg $0xFFFFFFFF;
	(pc) =	sbr.abs _section_cstart, $3  }
0xc5: {  	[dreg:$0x1] =	wrdreg $0xFFFFFFFF  }
0xc6: {  	_ =	task.clear_ibuf [dreg:s10], $0x2FFFF;
	_ =	strace $0x9FFFFFFF  }
0xc7: {  	(tm) =	ssettm $0x7FFFFFFF  }
tec
execute0_lowered:
.L_overlay_start_1:
0x0: {  	(tag) =	ssettag $0x1  }
0x1: {  	s0 =	rddreg [dreg:$0x0]  }
0x2: {  	s1 =	rddreg [dreg:$0x1]  }
0x3: {  	s2 =	srdreg.scid;
	s5 =	rddreg [dreg:$0x2]  }
0x4: {  	s3 =	stileid.u32;
	s6 =	rddreg [dreg:$0x3]  }
0x5: {  	s28 =	simm.s32 $0x2200;
	s30 =	simm.s32 $0x3200;
	s31 =	simm.s32 $0x5  }
0x6: {  	s18 =	simm.s32 $0x5200;
	s29 =	simm.s32 $0x7;
	s2 =	sand.u32 $0x1, s2  }
0x7: {  	s11 =	simm.s32 $0x0;
	s3 =	sshll.u32 s3, $0x7;
	s4 =	sshll.u32 s2, $0x6  }
0x8: {  	s14 =	simm.s32 $0x180;
	s2 =	ssub.s32 $0x2, s2;
	s7 =	sor.u32 s4, s3  }
0x9: {  	s3 =	simm.s32 $0x0;
	s10 =	sshrl.u32 s2, $0x1;
	s8 =	sshll.u32 s7, $0x2  }
0xa: {  	[smem:$0x7FF] =	sst s3;
	s2 =	ssub.s32 s2, s10;
	s7 =	sshll.u32 s7, $0x4  }
0xb: {  	s10 =	simm.s32 $0x8;
	s9 =	sand.u32 $0x1E00, s8;
	_ =	strace $0x80000047  }
0xc: {  	s8 =	sor.u32 s4, s8;
	s5 =	sadd.s32 s5, s7;
	s17 =	smax.u32 s2, $0x1  }
0xd: {  	s2 =	simm.s32 $0x4200;
	s9 =	sor.u32 s4, s9;
	s8 =	sshrl.u32 s8, $0x3  }
0xe: {  	[dreg:$0x5] =	wrdreg s5;
	s9 =	sshrl.u32 s9, $0x3;
	s20 =	sor.u32 $0x20, s8  }
0xf: {  	s21 =	sor.u32 $0x30, s8;
	s8 =	sadd.s32 s6, s7;
	s5 =	sadd.s32 s0, s20  }
0x10: {  	s4 =	sadd.s32 s0, s9;
	s0 =	sadd.s32 s0, s21;
	[dreg:$0x7] =	wrdreg s5  }
0x11: {  	s6 =	simm.s32 $0x9;
	s22 =	sadd.s32 $0x200, s8;
	[dreg:$0x8] =	wrdreg s0  }
0x12: {  	s7 =	simm.s32 $0x2;
	s23 =	sadd.s32 $0x8000, s8;
	[dreg:$0x9] =	wrdreg s22  }
0x13: {  	s24 =	sadd.s32 $0x8200, s8;
	s25 =	sadd.s32 $0x10000, s8;
	[dreg:$0xa] =	wrdreg s23  }
0x14: {  	s26 =	sadd.s32 $0x10200, s8;
	s15 =	sadd.s32 $0x18000, s8;
	[dreg:$0xb] =	wrdreg s24  }
0x15: {  	s16 =	sadd.s32 $0x18200, s8;
	s9 =	simm.s32 $0x4;
	[dreg:$0xc] =	wrdreg s25  }
0x16: {  	s20 =	simm.s32 $0xA;
	s19 =	sadd.s32 $0x10, s4;
	[dreg:$0xd] =	wrdreg s26  }
0x17: {  	s22 =	simm.s32 $0x1;
	s23 =	simm.s32 $0x20;
	s24 =	simm.s32 $0x200  }
0x18: {  	s25 =	simm.s32 $0x1200;
	s26 =	simm.s32 $0x3;
	s0 =	simm.s32 $0x6200  }
0x19: {  	s5 =	simm.s32 $0x7200;
	[dreg:$0x6] =	wrdreg s19;
	s19 =	simm.s32 $0x6  }
.LBB2_1:
0x1a: {  	s12 =	rddreg [dreg:$0x5];
	s21 =	simm.s32 $0x8200  }
0x1b: {  	[tilespmem:s21], [sflag:$0x9] =	stream.linear.gather [hbm4b:s12+s3], $0x2000, $0x38;
	[tilespmem:$0xA200] =	vst v63  }
0x1c: {  	_ = 	snop  }
0x1d: {  	[tilespmem:s3], [sflag:$0x1] =	stream.linear.gather [hbm4b:s4+s3], $0x40, $0x38;
	[tilespmem:$0xA200] =	vst v63  }
0x1e: {  	s13 =	rddreg [dreg:$0x6];
	s21 =	simm.s32 $0x80  }
0x1f: {  	[tilespmem:s21], [sflag:$0x3] =	stream.linear.gather [hbm4b:s13+s3], $0x40, $0x38;
	[tilespmem:$0xA200] =	vst v63  }
0x20: {  	s12 =	rddreg [dreg:$0x7];
	s13 =	simm.s32 $0x100  }
0x21: {  	[tilespmem:s13], [sflag:$0x5] =	stream.linear.gather [hbm4b:s12+s3], $0x40, $0x38;
	[tilespmem:$0xA200] =	vst v63  }
0x22: {  	s12 =	rddreg [dreg:$0x8]  }
0x23: {  	[tilespmem:s14], [sflag:$0x7] =	stream.linear.gather [hbm4b:s12+s3], $0x40, $0x38;
	[tilespmem:$0xA200] =	vst v63  }
0x24: {  	_ =	swait.ge [sflag:s22], $0x40  }
0x25: {  	[sflag:s22] =	ssyncset.done $0x0  }
0x26: {  	[sflag:s22] =	ssyncadd.s32 $0xFFFFFFC0  }
0x27: {  	[tilespmem:s24], [sflag:$0x1] =	stream.indirect.gather [hbm4b:s1+s23], $0x80, s3, s23, $0xb8;
	[tilespmem:$0xA200] =	vst v63  }
0x28: {  	_ = 	snop  }
0x29: {  	[tilespmem:s25], [sflag:$0x2] =	stream.indirect.gather [hbm4b:s1+s23], $0x80, s23, s23, $0xb8;
	[tilespmem:$0xA200] =	vst v63  }
0x2a: {  	_ =	swait.ge [sflag:s26], $0x40  }
0x2b: {  	[sflag:s26] =	ssyncset.done $0x0  }
0x2c: {  	[sflag:s26] =	ssyncadd.s32 $0xFFFFFFC0  }
0x2d: {  	[tilespmem:s28], [sflag:$0x3] =	stream.indirect.gather [hbm4b:s1+s23], $0x80, s21, s23, $0xb8;
	[tilespmem:$0xA200] =	vst v63  }
0x2e: {  	s21 =	simm.s32 $0xA0  }
0x2f: {  	[tilespmem:s30], [sflag:$0x4] =	stream.indirect.gather [hbm4b:s1+s23], $0x80, s21, s23, $0xb8;
	[tilespmem:$0xA200] =	vst v63  }
0x30: {  	_ =	swait.ge [sflag:s31], $0x40  }
0x31: {  	[sflag:s31] =	ssyncset.done $0x0  }
0x32: {  	[sflag:s31] =	ssyncadd.s32 $0xFFFFFFC0  }
0x33: {  	[tilespmem:s2], [sflag:$0x5] =	stream.indirect.gather [hbm4b:s1+s23], $0x80, s13, s23, $0xb8;
	[tilespmem:$0xA200] =	vst v63  }
0x34: {  	s13 =	simm.s32 $0x120  }
0x35: {  	[tilespmem:s18], [sflag:$0x6] =	stream.indirect.gather [hbm4b:s1+s23], $0x80, s13, s23, $0xb8;
	[tilespmem:$0xA200] =	vst v63  }
0x36: {  	_ =	swait.ge [sflag:s29], $0x40  }
0x37: {  	[sflag:s29] =	ssyncset.done $0x0  }
0x38: {  	[sflag:s29] =	ssyncadd.s32 $0xFFFFFFC0  }
0x39: {  	[tilespmem:s0], [sflag:$0x7] =	stream.indirect.gather [hbm4b:s1+s23], $0x80, s14, s23, $0xb8;
	[tilespmem:$0xA200] =	vst v63  }
0x3a: {  	s21 =	simm.s32 $0x1A0  }
0x3b: {  	[tilespmem:s5], [sflag:$0x8] =	stream.indirect.gather [hbm4b:s1+s23], $0x80, s21, s23, $0xb8;
	[tilespmem:$0xA200] =	vst v63  }
0x3c: {  	_ =	swait.ge [sflag:s6], $0x2000  }
0x3d: {  	[sflag:s6] =	ssyncset.done $0x0  }
0x3e: {  	[sflag:s6] =	ssyncadd.s32 $0xFFFFE000  }
0x3f: {  	_ =	swait.ge [sflag:s22], $0x1000  }
0x40: {  	[sflag:s22] =	ssyncset.done $0x0  }
0x41: {  	s12 =	simm.s32 $0x200;
	s21 =	simm.s32 $0x0;
	[sflag:s22] =	ssyncadd.s32 $0xFFFFF000  }
.LBB2_2:
0x42: {  	p0 =	sne.s32 s12, $0x3E00;
	v0 =	vld [tilespmem:s21+$0x8270]  }
0x43: {  	v1 =	vld [tilespmem:s21+$0x8200]  }
0x44: {  	v2 =	vld [tilespmem:s21+$0x8210]  }
0x45: {  	v3 =	vld [tilespmem:s21+$0x8220]  }
0x46: {  	v4 =	vld [tilespmem:s21+$0x8230]  }
0x47: {  	[tilespmem:s21+$0x270] =	vst.add.f32.msk $0xffff, v0  }
0x48: {  	v0 =	vld [tilespmem:s21+$0x8240]  }
0x49: {  	v5 =	vld [tilespmem:s21+$0x8250]  }
0x4a: {  	v6 =	vld [tilespmem:s21+$0x8260]  }
0x4b: {  	[tilespmem:s21+$0x200] =	vst.add.f32.msk $0xffff, v1  }
0x4c: {  	[tilespmem:s21+$0x210] =	vst.add.f32.msk $0xffff, v2  }
.Ltmp0:
0x4d: {  	[tilespmem:s21+$0x220] =	vst.add.f32.msk $0xffff, v3;
	(pc) =	sbr.rel @p0 .LBB2_2-.Ltmp0, $4  }
0x4e: {  	[tilespmem:s21+$0x230] =	vst.add.f32.msk $0xffff, v4  }
0x4f: {  	[tilespmem:s21+$0x240] =	vst.add.f32.msk $0xffff, v0  }
0x50: {  	[tilespmem:s21+$0x250] =	vst.add.f32.msk $0xffff, v5  }
0x51: {  	[tilespmem:s21+$0x260] =	vst.add.f32.msk $0xffff, v6;
	s21 =	sshra.s32 s12, $0x2;
	s12 =	sadd.s32 $0x200, s12  }
0x52: {  	v0 =	vld [tilespmem:s21+$0x8270]  }
0x53: {  	v1 =	vld [tilespmem:s21+$0x8200]  }
0x54: {  	v2 =	vld [tilespmem:s21+$0x8210]  }
0x55: {  	v3 =	vld [tilespmem:s21+$0x8220]  }
0x56: {  	v4 =	vld [tilespmem:s21+$0x8230]  }
0x57: {  	v63 =	vld [tilespmem:s21+$0x8240]  }
0x58: {  	v5 =	vld [tilespmem:s21+$0x8250]  }
0x59: {  	v6 =	vld [tilespmem:s21+$0x8260]  }
0x5a: {  	[tilespmem:s21+$0x270] =	vst.add.f32.msk $0xffff, v0  }
0x5b: {  	[tilespmem:s21+$0x200] =	vst.add.f32.msk $0xffff, v1  }
0x5c: {  	[tilespmem:s21+$0x210] =	vst.add.f32.msk $0xffff, v2  }
0x5d: {  	[tilespmem:s21+$0x220] =	vst.add.f32.msk $0xffff, v3  }
0x5e: {  	[tilespmem:s21+$0x230] =	vst.add.f32.msk $0xffff, v4  }
0x5f: {  	[tilespmem:s21+$0x240] =	vst.add.f32.msk $0xffff, v63  }
0x60: {  	[tilespmem:s21+$0x250] =	vst.add.f32.msk $0xffff, v5  }
0x61: {  	s12 =	simm.s32 $0x0;
	[tilespmem:s21+$0x260] =	vst.add.f32.msk $0xffff, v6  }
0x62: {  	[hbm4b:s8+s12] =	stream.linear.scatter [tilespmem:s24], [sflag:$0xA], $0x1000, $0x38;
	[tilespmem:$0xA200] =	vst v63  }
0x63: {  	_ =	swait.ge [sflag:s7], $0x1000  }
0x64: {  	[sflag:s7] =	ssyncset.done $0x0  }
0x65: {  	s21 =	simm.s32 $0x0;
	s12 =	simm.s32 $0x200;
	[sflag:s7] =	ssyncadd.s32 $0xFFFFF000  }
.LBB2_4:
0x66: {  	p0 =	sne.s32 s12, $0x3E00;
	v0 =	vld [tilespmem:s21+$0x9270]  }
0x67: {  	v1 =	vld [tilespmem:s21+$0x9200]  }
0x68: {  	v2 =	vld [tilespmem:s21+$0x9210]  }
0x69: {  	v3 =	vld [tilespmem:s21+$0x9220]  }
0x6a: {  	v4 =	vld [tilespmem:s21+$0x9230]  }
0x6b: {  	[tilespmem:s21+$0x1270] =	vst.add.f32.msk $0xffff, v0  }
0x6c: {  	v0 =	vld [tilespmem:s21+$0x9240]  }
0x6d: {  	v5 =	vld [tilespmem:s21+$0x9250]  }
0x6e: {  	v6 =	vld [tilespmem:s21+$0x9260]  }
0x6f: {  	[tilespmem:s21+$0x1200] =	vst.add.f32.msk $0xffff, v1  }
0x70: {  	[tilespmem:s21+$0x1210] =	vst.add.f32.msk $0xffff, v2  }
.Ltmp1:
0x71: {  	[tilespmem:s21+$0x1220] =	vst.add.f32.msk $0xffff, v3;
	(pc) =	sbr.rel @p0 .LBB2_4-.Ltmp1, $4  }
0x72: {  	[tilespmem:s21+$0x1230] =	vst.add.f32.msk $0xffff, v4  }
0x73: {  	[tilespmem:s21+$0x1240] =	vst.add.f32.msk $0xffff, v0  }
0x74: {  	[tilespmem:s21+$0x1250] =	vst.add.f32.msk $0xffff, v5  }
0x75: {  	[tilespmem:s21+$0x1260] =	vst.add.f32.msk $0xffff, v6;
	s21 =	sshra.s32 s12, $0x2;
	s12 =	sadd.s32 $0x200, s12  }
0x76: {  	v0 =	vld [tilespmem:s21+$0x9270]  }
0x77: {  	v1 =	vld [tilespmem:s21+$0x9200]  }
0x78: {  	v2 =	vld [tilespmem:s21+$0x9210]  }
0x79: {  	v3 =	vld [tilespmem:s21+$0x9220]  }
0x7a: {  	v4 =	vld [tilespmem:s21+$0x9230]  }
0x7b: {  	v63 =	vld [tilespmem:s21+$0x9240]  }
0x7c: {  	v5 =	vld [tilespmem:s21+$0x9250]  }
0x7d: {  	v6 =	vld [tilespmem:s21+$0x9260]  }
0x7e: {  	[tilespmem:s21+$0x1270] =	vst.add.f32.msk $0xffff, v0  }
0x7f: {  	[tilespmem:s21+$0x1200] =	vst.add.f32.msk $0xffff, v1  }
0x80: {  	[tilespmem:s21+$0x1210] =	vst.add.f32.msk $0xffff, v2  }
0x81: {  	[tilespmem:s21+$0x1220] =	vst.add.f32.msk $0xffff, v3  }
0x82: {  	[tilespmem:s21+$0x1230] =	vst.add.f32.msk $0xffff, v4  }
0x83: {  	[tilespmem:s21+$0x1240] =	vst.add.f32.msk $0xffff, v63  }
0x84: {  	[tilespmem:s21+$0x1250] =	vst.add.f32.msk $0xffff, v5  }
0x85: {  	s12 =	simm.s32 $0x0;
	s13 =	rddreg [dreg:$0x9];
	[tilespmem:s21+$0x1260] =	vst.add.f32.msk $0xffff, v6  }
0x86: {  	[hbm4b:s13+s12] =	stream.linear.scatter [tilespmem:s25], [sflag:$0xA], $0x1000, $0x38;
	[tilespmem:$0xA200] =	vst v63  }
0x87: {  	_ =	swait.ge [sflag:s26], $0x1000  }
0x88: {  	[sflag:s26] =	ssyncset.done $0x0  }
0x89: {  	s21 =	simm.s32 $0x0;
	s12 =	simm.s32 $0x200;
	[sflag:s26] =	ssyncadd.s32 $0xFFFFF000  }
.LBB2_6:
0x8a: {  	p0 =	sne.s32 s12, $0x3E00;
	v0 =	vld [tilespmem:s21+$0x8270]  }
0x8b: {  	v1 =	vld [tilespmem:s21+$0x8200]  }
0x8c: {  	v2 =	vld [tilespmem:s21+$0x8210]  }
0x8d: {  	v3 =	vld [tilespmem:s21+$0x8220]  }
0x8e: {  	v4 =	vld [tilespmem:s21+$0x8230]  }
0x8f: {  	[tilespmem:s21+$0x2270] =	vst.add.f32.msk $0xffff, v0  }
0x90: {  	v0 =	vld [tilespmem:s21+$0x8240]  }
0x91: {  	v5 =	vld [tilespmem:s21+$0x8250]  }
0x92: {  	v6 =	vld [tilespmem:s21+$0x8260]  }
0x93: {  	[tilespmem:s21+$0x2200] =	vst.add.f32.msk $0xffff, v1  }
0x94: {  	[tilespmem:s21+$0x2210] =	vst.add.f32.msk $0xffff, v2  }
.Ltmp2:
0x95: {  	[tilespmem:s21+$0x2220] =	vst.add.f32.msk $0xffff, v3;
	(pc) =	sbr.rel @p0 .LBB2_6-.Ltmp2, $4  }
0x96: {  	[tilespmem:s21+$0x2230] =	vst.add.f32.msk $0xffff, v4  }
0x97: {  	[tilespmem:s21+$0x2240] =	vst.add.f32.msk $0xffff, v0  }
0x98: {  	[tilespmem:s21+$0x2250] =	vst.add.f32.msk $0xffff, v5  }
0x99: {  	[tilespmem:s21+$0x2260] =	vst.add.f32.msk $0xffff, v6;
	s21 =	sshra.s32 s12, $0x2;
	s12 =	sadd.s32 $0x200, s12  }
0x9a: {  	v0 =	vld [tilespmem:s21+$0x8270]  }
0x9b: {  	v1 =	vld [tilespmem:s21+$0x8200]  }
0x9c: {  	v2 =	vld [tilespmem:s21+$0x8210]  }
0x9d: {  	v3 =	vld [tilespmem:s21+$0x8220]  }
0x9e: {  	v4 =	vld [tilespmem:s21+$0x8230]  }
0x9f: {  	v63 =	vld [tilespmem:s21+$0x8240]  }
0xa0: {  	v5 =	vld [tilespmem:s21+$0x8250]  }
0xa1: {  	v6 =	vld [tilespmem:s21+$0x8260]  }
0xa2: {  	[tilespmem:s21+$0x2270] =	vst.add.f32.msk $0xffff, v0  }
0xa3: {  	[tilespmem:s21+$0x2200] =	vst.add.f32.msk $0xffff, v1  }
0xa4: {  	[tilespmem:s21+$0x2210] =	vst.add.f32.msk $0xffff, v2  }
0xa5: {  	[tilespmem:s21+$0x2220] =	vst.add.f32.msk $0xffff, v3  }
0xa6: {  	[tilespmem:s21+$0x2230] =	vst.add.f32.msk $0xffff, v4  }
0xa7: {  	[tilespmem:s21+$0x2240] =	vst.add.f32.msk $0xffff, v63  }
0xa8: {  	[tilespmem:s21+$0x2250] =	vst.add.f32.msk $0xffff, v5  }
0xa9: {  	s12 =	simm.s32 $0x0;
	s13 =	rddreg [dreg:$0xa];
	[tilespmem:s21+$0x2260] =	vst.add.f32.msk $0xffff, v6  }
0xaa: {  	[hbm4b:s13+s12] =	stream.linear.scatter [tilespmem:s28], [sflag:$0xA], $0x1000, $0x38;
	[tilespmem:$0xA200] =	vst v63  }
0xab: {  	_ =	swait.ge [sflag:s9], $0x1000  }
0xac: {  	[sflag:s9] =	ssyncset.done $0x0  }
0xad: {  	s21 =	simm.s32 $0x0;
	s12 =	simm.s32 $0x200;
	[sflag:s9] =	ssyncadd.s32 $0xFFFFF000  }
.LBB2_8:
0xae: {  	p0 =	sne.s32 s12, $0x3E00;
	v0 =	vld [tilespmem:s21+$0x9270]  }
0xaf: {  	v1 =	vld [tilespmem:s21+$0x9200]  }
0xb0: {  	v2 =	vld [tilespmem:s21+$0x9210]  }
0xb1: {  	v3 =	vld [tilespmem:s21+$0x9220]  }
0xb2: {  	v4 =	vld [tilespmem:s21+$0x9230]  }
0xb3: {  	[tilespmem:s21+$0x3270] =	vst.add.f32.msk $0xffff, v0  }
0xb4: {  	v0 =	vld [tilespmem:s21+$0x9240]  }
0xb5: {  	v5 =	vld [tilespmem:s21+$0x9250]  }
0xb6: {  	v6 =	vld [tilespmem:s21+$0x9260]  }
0xb7: {  	[tilespmem:s21+$0x3200] =	vst.add.f32.msk $0xffff, v1  }
0xb8: {  	[tilespmem:s21+$0x3210] =	vst.add.f32.msk $0xffff, v2  }
.Ltmp3:
0xb9: {  	[tilespmem:s21+$0x3220] =	vst.add.f32.msk $0xffff, v3;
	(pc) =	sbr.rel @p0 .LBB2_8-.Ltmp3, $4  }
0xba: {  	[tilespmem:s21+$0x3230] =	vst.add.f32.msk $0xffff, v4  }
0xbb: {  	[tilespmem:s21+$0x3240] =	vst.add.f32.msk $0xffff, v0  }
0xbc: {  	[tilespmem:s21+$0x3250] =	vst.add.f32.msk $0xffff, v5  }
0xbd: {  	[tilespmem:s21+$0x3260] =	vst.add.f32.msk $0xffff, v6;
	s21 =	sshra.s32 s12, $0x2;
	s12 =	sadd.s32 $0x200, s12  }
0xbe: {  	v0 =	vld [tilespmem:s21+$0x9270]  }
0xbf: {  	v1 =	vld [tilespmem:s21+$0x9200]  }
0xc0: {  	v2 =	vld [tilespmem:s21+$0x9210]  }
0xc1: {  	v3 =	vld [tilespmem:s21+$0x9220]  }
0xc2: {  	v4 =	vld [tilespmem:s21+$0x9230]  }
0xc3: {  	v63 =	vld [tilespmem:s21+$0x9240]  }
0xc4: {  	v5 =	vld [tilespmem:s21+$0x9250]  }
0xc5: {  	v6 =	vld [tilespmem:s21+$0x9260]  }
0xc6: {  	[tilespmem:s21+$0x3270] =	vst.add.f32.msk $0xffff, v0  }
0xc7: {  	[tilespmem:s21+$0x3200] =	vst.add.f32.msk $0xffff, v1  }
0xc8: {  	[tilespmem:s21+$0x3210] =	vst.add.f32.msk $0xffff, v2  }
0xc9: {  	[tilespmem:s21+$0x3220] =	vst.add.f32.msk $0xffff, v3  }
0xca: {  	[tilespmem:s21+$0x3230] =	vst.add.f32.msk $0xffff, v4  }
0xcb: {  	[tilespmem:s21+$0x3240] =	vst.add.f32.msk $0xffff, v63  }
0xcc: {  	[tilespmem:s21+$0x3250] =	vst.add.f32.msk $0xffff, v5  }
0xcd: {  	s12 =	simm.s32 $0x0;
	s13 =	rddreg [dreg:$0xb];
	[tilespmem:s21+$0x3260] =	vst.add.f32.msk $0xffff, v6  }
0xce: {  	[hbm4b:s13+s12] =	stream.linear.scatter [tilespmem:s30], [sflag:$0xA], $0x1000, $0x38;
	[tilespmem:$0xA200] =	vst v63  }
0xcf: {  	_ =	swait.ge [sflag:s31], $0x1000  }
0xd0: {  	[sflag:s31] =	ssyncset.done $0x0  }
0xd1: {  	s21 =	simm.s32 $0x0;
	s12 =	simm.s32 $0x200;
	[sflag:s31] =	ssyncadd.s32 $0xFFFFF000  }
.LBB2_10:
0xd2: {  	p0 =	sne.s32 s12, $0x3E00;
	v0 =	vld [tilespmem:s21+$0x8270]  }
0xd3: {  	v1 =	vld [tilespmem:s21+$0x8200]  }
0xd4: {  	v2 =	vld [tilespmem:s21+$0x8210]  }
0xd5: {  	v3 =	vld [tilespmem:s21+$0x8220]  }
0xd6: {  	v4 =	vld [tilespmem:s21+$0x8230]  }
0xd7: {  	[tilespmem:s21+$0x4270] =	vst.add.f32.msk $0xffff, v0  }
0xd8: {  	v0 =	vld [tilespmem:s21+$0x8240]  }
0xd9: {  	v5 =	vld [tilespmem:s21+$0x8250]  }
0xda: {  	v6 =	vld [tilespmem:s21+$0x8260]  }
0xdb: {  	[tilespmem:s21+$0x4200] =	vst.add.f32.msk $0xffff, v1  }
0xdc: {  	[tilespmem:s21+$0x4210] =	vst.add.f32.msk $0xffff, v2  }
.Ltmp4:
0xdd: {  	[tilespmem:s21+$0x4220] =	vst.add.f32.msk $0xffff, v3;
	(pc) =	sbr.rel @p0 .LBB2_10-.Ltmp4, $4  }
0xde: {  	[tilespmem:s21+$0x4230] =	vst.add.f32.msk $0xffff, v4  }
0xdf: {  	[tilespmem:s21+$0x4240] =	vst.add.f32.msk $0xffff, v0  }
0xe0: {  	[tilespmem:s21+$0x4250] =	vst.add.f32.msk $0xffff, v5  }
0xe1: {  	[tilespmem:s21+$0x4260] =	vst.add.f32.msk $0xffff, v6;
	s21 =	sshra.s32 s12, $0x2;
	s12 =	sadd.s32 $0x200, s12  }
0xe2: {  	v0 =	vld [tilespmem:s21+$0x8270]  }
0xe3: {  	v1 =	vld [tilespmem:s21+$0x8200]  }
0xe4: {  	v2 =	vld [tilespmem:s21+$0x8210]  }
0xe5: {  	v3 =	vld [tilespmem:s21+$0x8220]  }
0xe6: {  	v4 =	vld [tilespmem:s21+$0x8230]  }
0xe7: {  	v63 =	vld [tilespmem:s21+$0x8240]  }
0xe8: {  	v5 =	vld [tilespmem:s21+$0x8250]  }
0xe9: {  	v6 =	vld [tilespmem:s21+$0x8260]  }
0xea: {  	[tilespmem:s21+$0x4270] =	vst.add.f32.msk $0xffff, v0  }
0xeb: {  	[tilespmem:s21+$0x4200] =	vst.add.f32.msk $0xffff, v1  }
0xec: {  	[tilespmem:s21+$0x4210] =	vst.add.f32.msk $0xffff, v2  }
0xed: {  	[tilespmem:s21+$0x4220] =	vst.add.f32.msk $0xffff, v3  }
0xee: {  	[tilespmem:s21+$0x4230] =	vst.add.f32.msk $0xffff, v4  }
0xef: {  	[tilespmem:s21+$0x4240] =	vst.add.f32.msk $0xffff, v63  }
0xf0: {  	[tilespmem:s21+$0x4250] =	vst.add.f32.msk $0xffff, v5  }
0xf1: {  	s12 =	simm.s32 $0x0;
	s13 =	rddreg [dreg:$0xc];
	[tilespmem:s21+$0x4260] =	vst.add.f32.msk $0xffff, v6  }
0xf2: {  	[hbm4b:s13+s12] =	stream.linear.scatter [tilespmem:s2], [sflag:$0xA], $0x1000, $0x38;
	[tilespmem:$0xA200] =	vst v63  }
0xf3: {  	_ =	swait.ge [sflag:s19], $0x1000  }
0xf4: {  	[sflag:s19] =	ssyncset.done $0x0  }
0xf5: {  	s21 =	simm.s32 $0x0;
	s12 =	simm.s32 $0x200;
	[sflag:s19] =	ssyncadd.s32 $0xFFFFF000  }
.LBB2_12:
0xf6: {  	p0 =	sne.s32 s12, $0x3E00;
	v0 =	vld [tilespmem:s21+$0x9270]  }
0xf7: {  	v1 =	vld [tilespmem:s21+$0x9200]  }
0xf8: {  	v2 =	vld [tilespmem:s21+$0x9210]  }
0xf9: {  	v3 =	vld [tilespmem:s21+$0x9220]  }
0xfa: {  	v4 =	vld [tilespmem:s21+$0x9230]  }
0xfb: {  	[tilespmem:s21+$0x5270] =	vst.add.f32.msk $0xffff, v0  }
0xfc: {  	v0 =	vld [tilespmem:s21+$0x9240]  }
0xfd: {  	v5 =	vld [tilespmem:s21+$0x9250]  }
0xfe: {  	v6 =	vld [tilespmem:s21+$0x9260]  }
0xff: {  	[tilespmem:s21+$0x5200] =	vst.add.f32.msk $0xffff, v1  }
0x100: {  	[tilespmem:s21+$0x5210] =	vst.add.f32.msk $0xffff, v2  }
.Ltmp5:
0x101: {  	[tilespmem:s21+$0x5220] =	vst.add.f32.msk $0xffff, v3;
	(pc) =	sbr.rel @p0 .LBB2_12-.Ltmp5, $4  }
0x102: {  	[tilespmem:s21+$0x5230] =	vst.add.f32.msk $0xffff, v4  }
0x103: {  	[tilespmem:s21+$0x5240] =	vst.add.f32.msk $0xffff, v0  }
0x104: {  	[tilespmem:s21+$0x5250] =	vst.add.f32.msk $0xffff, v5  }
0x105: {  	[tilespmem:s21+$0x5260] =	vst.add.f32.msk $0xffff, v6;
	s21 =	sshra.s32 s12, $0x2;
	s12 =	sadd.s32 $0x200, s12  }
0x106: {  	v0 =	vld [tilespmem:s21+$0x9270]  }
0x107: {  	v1 =	vld [tilespmem:s21+$0x9200]  }
0x108: {  	v2 =	vld [tilespmem:s21+$0x9210]  }
0x109: {  	v3 =	vld [tilespmem:s21+$0x9220]  }
0x10a: {  	v4 =	vld [tilespmem:s21+$0x9230]  }
0x10b: {  	v63 =	vld [tilespmem:s21+$0x9240]  }
0x10c: {  	v5 =	vld [tilespmem:s21+$0x9250]  }
0x10d: {  	v6 =	vld [tilespmem:s21+$0x9260]  }
0x10e: {  	[tilespmem:s21+$0x5270] =	vst.add.f32.msk $0xffff, v0  }
0x10f: {  	[tilespmem:s21+$0x5200] =	vst.add.f32.msk $0xffff, v1  }
0x110: {  	[tilespmem:s21+$0x5210] =	vst.add.f32.msk $0xffff, v2  }
0x111: {  	[tilespmem:s21+$0x5220] =	vst.add.f32.msk $0xffff, v3  }
0x112: {  	[tilespmem:s21+$0x5230] =	vst.add.f32.msk $0xffff, v4  }
0x113: {  	[tilespmem:s21+$0x5240] =	vst.add.f32.msk $0xffff, v63  }
0x114: {  	[tilespmem:s21+$0x5250] =	vst.add.f32.msk $0xffff, v5  }
0x115: {  	s12 =	simm.s32 $0x0;
	s13 =	rddreg [dreg:$0xd];
	[tilespmem:s21+$0x5260] =	vst.add.f32.msk $0xffff, v6  }
0x116: {  	[hbm4b:s13+s12] =	stream.linear.scatter [tilespmem:s18], [sflag:$0xA], $0x1000, $0x38;
	[tilespmem:$0xA200] =	vst v63  }
0x117: {  	_ =	swait.ge [sflag:s29], $0x1000  }
0x118: {  	[sflag:s29] =	ssyncset.done $0x0  }
0x119: {  	s21 =	simm.s32 $0x0;
	s12 =	simm.s32 $0x200;
	[sflag:s29] =	ssyncadd.s32 $0xFFFFF000  }
.LBB2_14:
0x11a: {  	p0 =	sne.s32 s12, $0x3E00;
	v0 =	vld [tilespmem:s21+$0x8270]  }
0x11b: {  	v1 =	vld [tilespmem:s21+$0x8200]  }
0x11c: {  	v2 =	vld [tilespmem:s21+$0x8210]  }
0x11d: {  	v3 =	vld [tilespmem:s21+$0x8220]  }
0x11e: {  	v4 =	vld [tilespmem:s21+$0x8230]  }
0x11f: {  	[tilespmem:s21+$0x6270] =	vst.add.f32.msk $0xffff, v0  }
0x120: {  	v0 =	vld [tilespmem:s21+$0x8240]  }
0x121: {  	v5 =	vld [tilespmem:s21+$0x8250]  }
0x122: {  	v6 =	vld [tilespmem:s21+$0x8260]  }
0x123: {  	[tilespmem:s21+$0x6200] =	vst.add.f32.msk $0xffff, v1  }
0x124: {  	[tilespmem:s21+$0x6210] =	vst.add.f32.msk $0xffff, v2  }
.Ltmp6:
0x125: {  	[tilespmem:s21+$0x6220] =	vst.add.f32.msk $0xffff, v3;
	(pc) =	sbr.rel @p0 .LBB2_14-.Ltmp6, $4  }
0x126: {  	[tilespmem:s21+$0x6230] =	vst.add.f32.msk $0xffff, v4  }
0x127: {  	[tilespmem:s21+$0x6240] =	vst.add.f32.msk $0xffff, v0  }
0x128: {  	[tilespmem:s21+$0x6250] =	vst.add.f32.msk $0xffff, v5  }
0x129: {  	[tilespmem:s21+$0x6260] =	vst.add.f32.msk $0xffff, v6;
	s21 =	sshra.s32 s12, $0x2;
	s12 =	sadd.s32 $0x200, s12  }
0x12a: {  	v0 =	vld [tilespmem:s21+$0x8270]  }
0x12b: {  	v1 =	vld [tilespmem:s21+$0x8200]  }
0x12c: {  	v2 =	vld [tilespmem:s21+$0x8210]  }
0x12d: {  	v3 =	vld [tilespmem:s21+$0x8220]  }
0x12e: {  	v4 =	vld [tilespmem:s21+$0x8230]  }
0x12f: {  	v63 =	vld [tilespmem:s21+$0x8240]  }
0x130: {  	v5 =	vld [tilespmem:s21+$0x8250]  }
0x131: {  	v6 =	vld [tilespmem:s21+$0x8260]  }
0x132: {  	[tilespmem:s21+$0x6270] =	vst.add.f32.msk $0xffff, v0  }
0x133: {  	[tilespmem:s21+$0x6200] =	vst.add.f32.msk $0xffff, v1  }
0x134: {  	[tilespmem:s21+$0x6210] =	vst.add.f32.msk $0xffff, v2  }
0x135: {  	[tilespmem:s21+$0x6220] =	vst.add.f32.msk $0xffff, v3  }
0x136: {  	[tilespmem:s21+$0x6230] =	vst.add.f32.msk $0xffff, v4  }
0x137: {  	[tilespmem:s21+$0x6240] =	vst.add.f32.msk $0xffff, v63  }
0x138: {  	[tilespmem:s21+$0x6250] =	vst.add.f32.msk $0xffff, v5  }
0x139: {  	s12 =	simm.s32 $0x0;
	[tilespmem:s21+$0x6260] =	vst.add.f32.msk $0xffff, v6  }
0x13a: {  	[hbm4b:s15+s12] =	stream.linear.scatter [tilespmem:s0], [sflag:$0xA], $0x1000, $0x38;
	[tilespmem:$0xA200] =	vst v63  }
0x13b: {  	_ =	swait.ge [sflag:s10], $0x1000  }
0x13c: {  	[sflag:s10] =	ssyncset.done $0x0  }
0x13d: {  	s21 =	simm.s32 $0x0;
	s12 =	simm.s32 $0x200;
	[sflag:s10] =	ssyncadd.s32 $0xFFFFF000  }
.LBB2_16:
0x13e: {  	p0 =	sne.s32 s12, $0x3E00;
	v0 =	vld [tilespmem:s21+$0x9270]  }
0x13f: {  	v1 =	vld [tilespmem:s21+$0x9200]  }
0x140: {  	v2 =	vld [tilespmem:s21+$0x9210]  }
0x141: {  	v3 =	vld [tilespmem:s21+$0x9220]  }
0x142: {  	v4 =	vld [tilespmem:s21+$0x9230]  }
0x143: {  	[tilespmem:s21+$0x7270] =	vst.add.f32.msk $0xffff, v0  }
0x144: {  	v0 =	vld [tilespmem:s21+$0x9240]  }
0x145: {  	v5 =	vld [tilespmem:s21+$0x9250]  }
0x146: {  	v6 =	vld [tilespmem:s21+$0x9260]  }
0x147: {  	[tilespmem:s21+$0x7200] =	vst.add.f32.msk $0xffff, v1  }
0x148: {  	[tilespmem:s21+$0x7210] =	vst.add.f32.msk $0xffff, v2  }
.Ltmp7:
0x149: {  	[tilespmem:s21+$0x7220] =	vst.add.f32.msk $0xffff, v3;
	(pc) =	sbr.rel @p0 .LBB2_16-.Ltmp7, $4  }
0x14a: {  	[tilespmem:s21+$0x7230] =	vst.add.f32.msk $0xffff, v4  }
0x14b: {  	[tilespmem:s21+$0x7240] =	vst.add.f32.msk $0xffff, v0  }
0x14c: {  	[tilespmem:s21+$0x7250] =	vst.add.f32.msk $0xffff, v5  }
0x14d: {  	[tilespmem:s21+$0x7260] =	vst.add.f32.msk $0xffff, v6;
	s21 =	sshra.s32 s12, $0x2;
	s12 =	sadd.s32 $0x200, s12  }
0x14e: {  	v0 =	vld [tilespmem:s21+$0x9270]  }
0x14f: {  	v1 =	vld [tilespmem:s21+$0x9200]  }
0x150: {  	v2 =	vld [tilespmem:s21+$0x9210]  }
0x151: {  	v3 =	vld [tilespmem:s21+$0x9220]  }
0x152: {  	v4 =	vld [tilespmem:s21+$0x9230]  }
0x153: {  	v63 =	vld [tilespmem:s21+$0x9240]  }
0x154: {  	v5 =	vld [tilespmem:s21+$0x9250]  }
0x155: {  	v6 =	vld [tilespmem:s21+$0x9260]  }
0x156: {  	[tilespmem:s21+$0x7270] =	vst.add.f32.msk $0xffff, v0  }
0x157: {  	[tilespmem:s21+$0x7200] =	vst.add.f32.msk $0xffff, v1  }
0x158: {  	[tilespmem:s21+$0x7210] =	vst.add.f32.msk $0xffff, v2  }
0x159: {  	[tilespmem:s21+$0x7220] =	vst.add.f32.msk $0xffff, v3  }
0x15a: {  	[tilespmem:s21+$0x7230] =	vst.add.f32.msk $0xffff, v4  }
0x15b: {  	[tilespmem:s21+$0x7240] =	vst.add.f32.msk $0xffff, v63  }
0x15c: {  	[tilespmem:s21+$0x7250] =	vst.add.f32.msk $0xffff, v5  }
0x15d: {  	[tilespmem:s21+$0x7260] =	vst.add.f32.msk $0xffff, v6  }
0x15e: {  	[hbm4b:s16+s3] =	stream.linear.scatter [tilespmem:s5], [sflag:$0xA], $0x1000, $0x38;
	[tilespmem:$0xA200] =	vst v63  }
0x15f: {  	_ =	swait.ge [sflag:s20], $0x1000  }
0x160: {  	[sflag:s20] =	ssyncset.done $0x0  }
0x161: {  	[sflag:s20] =	ssyncadd.s32 $0xFFFFF000  }
0x162: {  	_ =	swait.ge [sflag:s20], $0x1000  }
0x163: {  	[sflag:s20] =	ssyncset.done $0x0  }
0x164: {  	[sflag:s20] =	ssyncadd.s32 $0xFFFFF000  }
0x165: {  	_ =	swait.ge [sflag:s20], $0x1000  }
0x166: {  	[sflag:s20] =	ssyncset.done $0x0  }
0x167: {  	[sflag:s20] =	ssyncadd.s32 $0xFFFFF000  }
0x168: {  	_ =	swait.ge [sflag:s20], $0x1000  }
0x169: {  	[sflag:s20] =	ssyncset.done $0x0  }
0x16a: {  	[sflag:s20] =	ssyncadd.s32 $0xFFFFF000  }
0x16b: {  	_ =	swait.ge [sflag:s20], $0x1000  }
0x16c: {  	[sflag:s20] =	ssyncset.done $0x0  }
0x16d: {  	[sflag:s20] =	ssyncadd.s32 $0xFFFFF000  }
0x16e: {  	_ =	swait.ge [sflag:s20], $0x1000  }
0x16f: {  	[sflag:s20] =	ssyncset.done $0x0  }
0x170: {  	s11 =	sadd.s32 $0x1, s11;
	[sflag:s20] =	ssyncadd.s32 $0xFFFFF000  }
0x171: {  	p0 =	sne.s32 s11, s17;
	_ =	swait.ge [sflag:s20], $0x1000  }
.Ltmp8:
0x172: {  	[sflag:s20] =	ssyncset.done $0x0;
	(pc) =	sbr.rel @p0 .LBB2_1-.Ltmp8, $4  }
0x173: {  	[sflag:s20] =	ssyncadd.s32 $0xFFFFF000  }
0x174: {  	_ =	swait.ge [sflag:s20], $0x1000  }
0x175: {  	[sflag:s20] =	ssyncset.done $0x0  }
0x176: {  	[sflag:s20] =	ssyncadd.s32 $0xFFFFF000  }
0x177: {  	_ =	sfence.sel $0x180000  }
0x178: {  	[bflag:$0x0] =	sbarrier.arrive $0xFFFF  }
0x179: {  	_ =	strace $0x90000047  }
0x17a: {  	s0 =	stileid.u32;
	[bflag:$0x2] =	sbarrier.arrive $0xFFFF  }
0x17b: {  	p0 =	sne.s32 s0, $0x0;
	s0 =	rddreg [dreg:$0x4]  }
0x17c: {  	s0 =	sadd.s32 @!p0 $0x100000, s0  }
0x17d: {  	[sflag:s0] =	ssyncadd.tile.s32 @!p0 $0x1;
	_ =	shalt  }
.Lfunc_end2:
_tile_overlayer_lowered:
.L_overlay_start_2:
0x17e: {  	(tag) =	ssettag $0x2  }
0x17f: {  	s0 =	rddreg [dreg:$0x0];
	s2 =	stileid.u32  }
0x180: {  	s1 =	rddreg [dreg:$0x1];
	p0 =	sne.s32 s2, $0x0  }
0x181: {  	s3 =	rddreg [dreg:$0x2];
	[bflag:$0x3] =	sbarrier.arrive $0xFFFF;
	s2 =	simm.s32 @!p0 $0x1C0B  }
0x182: {  	[timem:s3], [sflag:s2] =	dma.local @!p0 [hbm:s0], s1  }
0x183: {  	s0 =	simm.s32 @!p0 $0xB  }
0x184: {  	_ =	swait.ge @!p0 [sflag:s0], s1  }
0x185: {  	s1 =	ssub.s32 @!p0 $0x0, s1;
	[sflag:s0] =	ssyncset.done @!p0 $0x0  }
0x186: {  	[sflag:s0] =	ssyncadd.s32 @!p0 s1  }
0x187: {  	[bflag:$0x3] =	sbarrier.arrive $0xFFFF  }
0x188: {  	_ =	shalt  }

</sc_bundles>
